<compile_context>
chip_gen: v7x
topology: tpu7x:2x2x1
jax: 0.10.2.dev20260603
libtpu: 0.0.44.dev20260713+nightly
codegen_flags: <defaults>
</compile_context>

<pallas_src>
import functools

import jax
import jax.numpy as jnp
from jax import lax
from jax.experimental import pallas as pl
from jax.experimental.pallas import tpu as pltpu
from jax.experimental.pallas import tpu_sc as plsc

N = 10000
E = 320000
D = 128
NC = 2
NS = 16
NW = NC * NS
B = 128
RPW = 80
EPAD_ROWS = NW * RPW
EPAD = EPAD_ROWS * B
ACC_ROWS = 10240
RPS = ACC_ROWS // NS
IDXC = 8
RPW0 = 152
RPW1 = RPW * 2 - RPW0
ROW_BLK = 1000


def _sc_degree(dst2d):
    mesh = plsc.VectorSubcoreMesh(core_axis_name="c", subcore_axis_name="s")

    @functools.partial(
        pl.kernel,
        out_type=jax.ShapeDtypeStruct((NC, ACC_ROWS, 16), jnp.float32),
        mesh=mesh,
        scratch_types=[
            pltpu.VMEM((RPW, B), jnp.int32),
            pltpu.VMEM((B, 16), jnp.float32),
            pltpu.VMEM((B, 16), jnp.float32),
            pltpu.VMEM_SHARED((ACC_ROWS, 16), jnp.float32),
        ],
    )
    def k(dst_hbm, out_hbm, dst_v, ones_v, zero_v, acc):
        cid = lax.axis_index("c")
        sid = lax.axis_index("s")
        wid = sid * NC + cid

        pltpu.sync_copy(dst_hbm.at[pl.ds(wid * RPW, RPW)], dst_v)

        @pl.loop(0, B)
        def _(r):
            ones_v[r, pl.ds(0, 16)] = jnp.ones((16,), jnp.float32)
            zero_v[r, pl.ds(0, 16)] = jnp.zeros((16,), jnp.float32)

        @pl.loop(0, RPS, step=B)
        def _(rr):
            pltpu.sync_copy(zero_v, acc.at[pl.ds(sid * RPS + rr, B)])

        plsc.subcore_barrier()

        @pl.loop(0, RPW)
        def _(i):
            pltpu.sync_copy(ones_v, acc.at[dst_v.at[i]], add=True)

        plsc.subcore_barrier()

        @pl.loop(0, RPS, step=B)
        def _(rr):
            pltpu.sync_copy(acc.at[pl.ds(sid * RPS + rr, B)],
                            out_hbm.at[cid, pl.ds(sid * RPS + rr, B)])

    return k(dst2d)


def _sc_aggregate(hn, src2d, dst2d):
    mesh = plsc.VectorSubcoreMesh(core_axis_name="c", subcore_axis_name="s")

    @functools.partial(
        pl.kernel,
        out_type=jax.ShapeDtypeStruct((NC, ACC_ROWS, D), jnp.float32),
        mesh=mesh,
        scratch_types=[
            pltpu.VMEM((IDXC, B), jnp.int32),
            pltpu.VMEM((IDXC, B), jnp.int32),
            pltpu.VMEM((B, D), jnp.float32),
            pltpu.VMEM((B, D), jnp.float32),
            pltpu.VMEM_SHARED((ACC_ROWS, D), jnp.float32),
            pltpu.SemaphoreType.DMA,
            pltpu.SemaphoreType.DMA,
        ],
    )
    def k(hn_hbm, src_hbm, dst_hbm, out_hbm,
          src_v, dst_v, bufa, bufb, acc, sema, semb):
        cid = lax.axis_index("c")
        sid = lax.axis_index("s")

        @pl.loop(0, B)
        def _(r):
            @pl.loop(0, D, step=16)
            def _(c):
                bufa[r, pl.ds(c, 16)] = jnp.zeros((16,), jnp.float32)

        @pl.loop(0, RPS, step=B)
        def _(rr):
            pltpu.sync_copy(bufa, acc.at[pl.ds(sid * RPS + rr, B)])

        plsc.subcore_barrier()

        def edge_loop(row0, nrows):
            @pl.loop(0, nrows, step=IDXC)
            def _(base):
                pltpu.sync_copy(src_hbm.at[pl.ds(row0 + base, IDXC)], src_v)
                pltpu.sync_copy(dst_hbm.at[pl.ds(row0 + base, IDXC)], dst_v)

                @pl.loop(0, IDXC, step=2)
                def _(i):
                    cpa = pltpu.async_copy(hn_hbm.at[src_v.at[i]], bufa, sema)
                    cpb = pltpu.async_copy(hn_hbm.at[src_v.at[i + 1]],
                                           bufb, semb)
                    cpa.wait()
                    pltpu.sync_copy(bufa, acc.at[dst_v.at[i]], add=True)
                    cpb.wait()
                    pltpu.sync_copy(bufb, acc.at[dst_v.at[i + 1]], add=True)

        @pl.when(cid == 0)
        def _():
            edge_loop(sid * RPW0, RPW0)

        @pl.when(cid == 1)
        def _():
            edge_loop(NS * RPW0 + sid * RPW1, RPW1)

        plsc.subcore_barrier()

        @pl.loop(0, RPS, step=B)
        def _(rr):
            pltpu.sync_copy(acc.at[pl.ds(sid * RPS + rr, B)],
                            out_hbm.at[cid, pl.ds(sid * RPS + rr, B)])

    return k(hn, src2d, dst2d)


def _tc_matmul_scale(x, w, deg):
    def body(x_ref, w_ref, d_ref, hn_ref, dv_ref):
        d = d_ref[0] + d_ref[1] + 1.0
        dv = lax.rsqrt(d)
        dv_ref[...] = dv
        h = jnp.dot(x_ref[...], w_ref[...],
                    preferred_element_type=jnp.float32)
        hn_ref[...] = h * dv[:, 0:1]

    return pl.pallas_call(
        body,
        grid=(N // ROW_BLK,),
        in_specs=[pl.BlockSpec((ROW_BLK, D), lambda r: (r, 0)),
                  pl.BlockSpec((D, D), lambda r: (0, 0)),
                  pl.BlockSpec((NC, ROW_BLK, 16), lambda r: (0, r, 0))],
        out_specs=[pl.BlockSpec((ROW_BLK, D), lambda r: (r, 0)),
                   pl.BlockSpec((ROW_BLK, 16), lambda r: (r, 0))],
        out_shape=[jax.ShapeDtypeStruct((N, D), jnp.float32),
                   jax.ShapeDtypeStruct((N, 16), jnp.float32)],
    )(x, w, deg)


def _tc_layer(acc, hnp, dv16, b2d, w):
    def body(a_ref, h_ref, d_ref, b_ref, w_ref, o_ref):
        dv = d_ref[:, 0:1]
        s = (a_ref[0] + a_ref[1] + h_ref[...]) * dv + b_ref[...]
        a = jnp.maximum(s, 0.0)
        o_ref[...] = jnp.dot(a, w_ref[...],
                             preferred_element_type=jnp.float32) * dv

    return pl.pallas_call(
        body,
        grid=(N // ROW_BLK,),
        in_specs=[pl.BlockSpec((NC, ROW_BLK, D), lambda r: (0, r, 0)),
                  pl.BlockSpec((ROW_BLK, D), lambda r: (r, 0)),
                  pl.BlockSpec((ROW_BLK, 16), lambda r: (r, 0)),
                  pl.BlockSpec((1, D), lambda r: (0, 0)),
                  pl.BlockSpec((D, D), lambda r: (0, 0))],
        out_specs=pl.BlockSpec((ROW_BLK, D), lambda r: (r, 0)),
        out_shape=jax.ShapeDtypeStruct((N, D), jnp.float32),
    )(acc, hnp, dv16, b2d, w)


def _tc_final(acc, hnp, dv16, b2d, wl, bl2d):
    def body(a_ref, h_ref, d_ref, b_ref, w_ref, bl_ref, o_ref):
        dv = d_ref[:, 0:1]
        s = (a_ref[0] + a_ref[1] + h_ref[...]) * dv + b_ref[...]
        a = jnp.maximum(s, 0.0)
        logits = jnp.dot(a, w_ref[...],
                         preferred_element_type=jnp.float32) + bl_ref[...]
        m = jnp.max(logits, axis=1, keepdims=True)
        e = jnp.exp(logits - m)
        o_ref[...] = e / jnp.sum(e, axis=1, keepdims=True)

    return pl.pallas_call(
        body,
        grid=(N // ROW_BLK,),
        in_specs=[pl.BlockSpec((NC, ROW_BLK, D), lambda r: (0, r, 0)),
                  pl.BlockSpec((ROW_BLK, D), lambda r: (r, 0)),
                  pl.BlockSpec((ROW_BLK, 16), lambda r: (r, 0)),
                  pl.BlockSpec((1, D), lambda r: (0, 0)),
                  pl.BlockSpec((D, D), lambda r: (0, 0)),
                  pl.BlockSpec((1, D), lambda r: (0, 0))],
        out_specs=pl.BlockSpec((ROW_BLK, D), lambda r: (r, 0)),
        out_shape=jax.ShapeDtypeStruct((N, D), jnp.float32),
    )(acc, hnp, dv16, b2d, wl, bl2d)


def kernel(x, adj_matrix, W1, b1, W2, b2, W3, b3, Wl, bl):
    src = adj_matrix[0].astype(jnp.int32)
    dst = adj_matrix[1].astype(jnp.int32)
    pad = EPAD - E
    src2d = jnp.concatenate(
        [src, jnp.zeros((pad,), jnp.int32)]).reshape(EPAD_ROWS, B)
    dst2d = jnp.concatenate(
        [dst, jnp.full((pad,), N, jnp.int32)]).reshape(EPAD_ROWS, B)

    b1_2d = b1.reshape(1, D)
    b2_2d = b2.reshape(1, D)
    b3_2d = b3.reshape(1, D)
    bl_2d = bl.reshape(1, D)

    deg = _sc_degree(dst2d)
    hn1, dv16 = _tc_matmul_scale(x, W1, deg)

    acc1 = _sc_aggregate(hn1, src2d, dst2d)
    hn2 = _tc_layer(acc1, hn1, dv16, b1_2d, W2)
    acc2 = _sc_aggregate(hn2, src2d, dst2d)
    hn3 = _tc_layer(acc2, hn2, dv16, b2_2d, W3)
    acc3 = _sc_aggregate(hn3, src2d, dst2d)
    return _tc_final(acc3, hn3, dv16, b3_2d, Wl, bl_2d)

# --- scband reference (transcript-rebuilt; emitter-appended) ---
"""Pipeline reference for scband-gcn-32478542693181 (READ-ONLY COPY).

The authoritative reference and input builder live on the scoring server;
editing this copy changes nothing except your own understanding.
"""

import jax, jax.numpy as jnp
import numpy as np

N_NODES = 10000
N_EDGES = 320000
D_IN = 128
D_HID = 128
D_OUT = 128


def setup_inputs(seed: int = 0) -> dict:
    key = jax.random.key(seed)
    ks = jax.random.split(key, 12)
    x = jax.random.normal(ks[0], (N_NODES, D_IN), dtype=jnp.float32)
    adj_matrix = jax.random.randint(ks[1], (2, N_EDGES), 0, N_NODES, dtype=jnp.int64)
    def glorot(k, fan_in, fan_out):
        limit = jnp.sqrt(6.0 / (fan_in + fan_out))
        return jax.random.uniform(k, (fan_in, fan_out), minval=-limit, maxval=limit, dtype=jnp.float32)
    W1 = glorot(ks[2], D_IN, D_HID)
    b1 = jnp.zeros((D_HID,), dtype=jnp.float32)
    W2 = glorot(ks[3], D_HID, D_HID)
    b2 = jnp.zeros((D_HID,), dtype=jnp.float32)
    W3 = glorot(ks[4], D_HID, D_HID)
    b3 = jnp.zeros((D_HID,), dtype=jnp.float32)
    Wl = glorot(ks[5], D_HID, D_OUT)
    bl = jnp.zeros((D_OUT,), dtype=jnp.float32)
    return {"x": x, "adj_matrix": adj_matrix, "W1": W1, "b1": b1, "W2": W2, "b2": b2, "W3": W3, "b3": b3, "Wl": Wl, "bl": bl}


def _gcn_conv(x, src, dst, norm, W, b, n_nodes):
    h = x @ W
    msg = h[src] * norm[:, None]
    out = jax.ops.segment_sum(msg, dst, num_segments=n_nodes)
    return out + b


def reference(x, adj_matrix, W1, b1, W2, b2, W3, b3, Wl, bl):
    n = x.shape[0]
    loop = jnp.arange(n, dtype=adj_matrix.dtype)
    src = jnp.concatenate([adj_matrix[0], loop])
    dst = jnp.concatenate([adj_matrix[1], loop])
    deg = jnp.zeros((n,), dtype=x.dtype).at[dst].add(1.0)
    dinv = jnp.where(deg > 0, 1.0 / jnp.sqrt(deg), 0.0)
    norm = dinv[src] * dinv[dst]
    h = _gcn_conv(x, src, dst, norm, W1, b1, n)
    h = jax.nn.relu(h)
    # dropout p=0.2 is a no-op in eval mode (training=False)
    h = _gcn_conv(h, src, dst, norm, W2, b2, n)
    h = jax.nn.relu(h)
    h = _gcn_conv(h, src, dst, norm, W3, b3, n)
    h = jax.nn.relu(h)
    h = h @ Wl + bl
    out = jax.nn.softmax(h, axis=1)
    return out

if __name__ == "__main__":
    import jax
    _d = setup_inputs()
    print(jax.jit(kernel)(*tuple(_d.values())))

</pallas_src>

<mosaic_0001>
#map = affine_map<(d0, d1) -> (0, 0)>
#map1 = affine_map<(d0, d1) -> (0, 0, 0)>
module attributes {stable_mosaic.version = 14 : i64} {
  func.func @k(%arg0: i32, %arg1: i32, %arg2: memref<2560x128xi32, #tpu.memory_space<hbm>>, %arg3: memref<2x10240x16xf32, #tpu.memory_space<hbm>>, %arg4: memref<80x128xi32, #tpu.memory_space<vmem>>, %arg5: memref<128x16xf32, #tpu.memory_space<vmem>>, %arg6: memref<128x16xf32, #tpu.memory_space<vmem>>, %arg7: memref<10240x16xf32, #tpu.memory_space<vmem_shared>>) attributes {dimension_semantics = [#tpu.dimension_semantics<core_parallel>, #tpu.dimension_semantics<subcore_parallel>], iteration_bounds = array<i64: 2, 16>, scalar_prefetch = 0 : i64, scratch_operands = 4 : i64, tpu.core_type = #tpu.core_type<sc_vector_subcore>, window_params = [{transform_indices = #map}, {transform_indices = #map1}]} {
    %mul3A = arith.constant 2 : i32
    %mul3A_0 = arith.muli %arg1, %mul3A : i32
    %add3A = arith.addi %mul3A_0, %arg0 : i32
    %mul3A_1 = arith.constant 80 : i32
    %mul3A_2 = arith.muli %add3A, %mul3A_1 : i32
    "tpu.region"() ({
      %run_scoped3A = tpu.sem_alloc : memref<!tpu.dma_semaphore, #tpu.memory_space<semaphore_mem>>
      %dma_start3A = arith.constant 0 : i32
      %dma_start3A_23 = tpu.memref_slice %arg2[%mul3A_2, %dma_start3A] : memref<2560x128xi32, #tpu.memory_space<hbm>> -> memref<80x128xi32, #tpu.memory_space<hbm>>
      %dma_start3A_24 = arith.constant 0 : i32
      %dma_start3A_25 = tpu.memref_slice %arg2[%mul3A_2, %dma_start3A_24] : memref<2560x128xi32, #tpu.memory_space<hbm>> -> memref<80x128xi32, #tpu.memory_space<hbm>>
      tpu.enqueue_dma source(%dma_start3A_25 : memref<80x128xi32, #tpu.memory_space<hbm>>) target(%arg4 : memref<80x128xi32, #tpu.memory_space<vmem>>) target_semaphore(%run_scoped3A : memref<!tpu.dma_semaphore, #tpu.memory_space<semaphore_mem>>)
      %dma_wait3A = arith.constant 0 : i32
      %dma_wait3A_26 = tpu.memref_slice %arg2[%mul3A_2, %dma_wait3A] : memref<2560x128xi32, #tpu.memory_space<hbm>> -> memref<80x128xi32, #tpu.memory_space<hbm>>
      %dma_wait3A_27 = arith.constant 0 : i32
      %dma_wait3A_28 = tpu.memref_slice %arg2[%mul3A_2, %dma_wait3A_27] : memref<2560x128xi32, #tpu.memory_space<hbm>> -> memref<80x128xi32, #tpu.memory_space<hbm>>
      tpu.wait_dma2 semaphore(%run_scoped3A : memref<!tpu.dma_semaphore, #tpu.memory_space<semaphore_mem>>) src(%dma_wait3A_28 : memref<80x128xi32, #tpu.memory_space<hbm>>) dst(%arg4 : memref<80x128xi32, #tpu.memory_space<vmem>>)
      tpu.yield
    }) : () -> ()
    %scan3A = arith.constant 0 : i32
    %scan3A_3 = arith.constant 128 : i32
    %scan3A_4 = arith.addi %scan3A, %scan3A_3 : i32
    %scan3A_5 = arith.constant 1 : i32
    scf.for %scan3A_23 = %scan3A to %scan3A_4 step %scan3A_5  : i32 {
      %mul3A_24 = arith.constant 1 : i32
      %mul3A_25 = arith.muli %scan3A_23, %mul3A_24 : i32
      %add3A_26 = arith.constant 0 : i32
      %add3A_27 = arith.addi %add3A_26, %mul3A_25 : i32
      %broadcast_in_dim3A = arith.constant 1.000000e+00 : f32
      %broadcast_in_dim3A_28 = vector.broadcast %broadcast_in_dim3A : f32 to vector<16xf32>
      %swap3A = arith.index_cast %add3A_27 : i32 to index
      %swap3A_29 = arith.constant 0 : index
      %swap3A_30 = tpu.vector_load %arg5[%swap3A, %swap3A_29] {strides = array<i32>} : memref<128x16xf32, #tpu.memory_space<vmem>>, vector<1x16xf32>,
      %swap3A_31 = vector.shape_cast %swap3A_30 : vector<1x16xf32> to vector<16xf32>
      %swap3A_32 = vector.shape_cast %broadcast_in_dim3A_28 : vector<16xf32> to vector<1x16xf32>
      tpu.vector_store %arg5[%swap3A, %swap3A_29], %swap3A_32 {strides = array<i32>} : memref<128x16xf32, #tpu.memory_space<vmem>>, vector<1x16xf32>,
      %broadcast_in_dim3A_33 = arith.constant 0.000000e+00 : f32
      %broadcast_in_dim3A_34 = vector.broadcast %broadcast_in_dim3A_33 : f32 to vector<16xf32>
      %swap3A_35 = arith.index_cast %add3A_27 : i32 to index
      %swap3A_36 = arith.constant 0 : index
      %swap3A_37 = tpu.vector_load %arg6[%swap3A_35, %swap3A_36] {strides = array<i32>} : memref<128x16xf32, #tpu.memory_space<vmem>>, vector<1x16xf32>,
      %swap3A_38 = vector.shape_cast %swap3A_37 : vector<1x16xf32> to vector<16xf32>
      %swap3A_39 = vector.shape_cast %broadcast_in_dim3A_34 : vector<16xf32> to vector<1x16xf32>
      tpu.vector_store %arg6[%swap3A_35, %swap3A_36], %swap3A_39 {strides = array<i32>} : memref<128x16xf32, #tpu.memory_space<vmem>>, vector<1x16xf32>,
    }
    %scan3A_6 = arith.constant 128 : i32
    %scan3A_7 = arith.constant 0 : i32
    %scan3A_8 = arith.constant 5 : i32
    %scan3A_9 = arith.addi %scan3A_7, %scan3A_8 : i32
    %scan3A_10 = arith.constant 1 : i32
    scf.for %scan3A_23 = %scan3A_7 to %scan3A_9 step %scan3A_10  : i32 {
      %mul3A_24 = arith.constant 128 : i32
      %mul3A_25 = arith.muli %scan3A_23, %mul3A_24 : i32
      %add3A_26 = arith.constant 0 : i32
      %add3A_27 = arith.addi %add3A_26, %mul3A_25 : i32
      %mul3A_28 = arith.constant 640 : i32
      %mul3A_29 = arith.muli %arg1, %mul3A_28 : i32
      %add3A_30 = arith.addi %mul3A_29, %add3A_27 : i32
      "tpu.region"() ({
        %run_scoped3A = tpu.sem_alloc : memref<!tpu.dma_semaphore, #tpu.memory_space<semaphore_mem>>
        %dma_start3A = arith.constant 0 : i32
        %dma_start3A_31 = tpu.memref_slice %arg7[%add3A_30, %dma_start3A] : memref<10240x16xf32, #tpu.memory_space<vmem_shared>> -> memref<128x16xf32, #tpu.memory_space<vmem_shared>>
        %dma_start3A_32 = arith.constant 0 : i32
        %dma_start3A_33 = tpu.memref_slice %arg7[%add3A_30, %dma_start3A_32] : memref<10240x16xf32, #tpu.memory_space<vmem_shared>> -> memref<128x16xf32, #tpu.memory_space<vmem_shared>>
        tpu.enqueue_dma source(%arg6 : memref<128x16xf32, #tpu.memory_space<vmem>>) target(%dma_start3A_33 : memref<128x16xf32, #tpu.memory_space<vmem_shared>>) target_semaphore(%run_scoped3A : memref<!tpu.dma_semaphore, #tpu.memory_space<semaphore_mem>>)
        %dma_wait3A = arith.constant 0 : i32
        %dma_wait3A_34 = tpu.memref_slice %arg7[%add3A_30, %dma_wait3A] : memref<10240x16xf32, #tpu.memory_space<vmem_shared>> -> memref<128x16xf32, #tpu.memory_space<vmem_shared>>
        %dma_wait3A_35 = arith.constant 0 : i32
        %dma_wait3A_36 = tpu.memref_slice %arg7[%add3A_30, %dma_wait3A_35] : memref<10240x16xf32, #tpu.memory_space<vmem_shared>> -> memref<128x16xf32, #tpu.memory_space<vmem_shared>>
        tpu.wait_dma2 semaphore(%run_scoped3A : memref<!tpu.dma_semaphore, #tpu.memory_space<semaphore_mem>>) src(%arg6 : memref<128x16xf32, #tpu.memory_space<vmem>>) dst(%dma_wait3A_36 : memref<128x16xf32, #tpu.memory_space<vmem_shared>>)
        tpu.yield
      }) : () -> ()
    }
    %scan3A_11 = arith.constant 5 : i32
    %barrier3A = arith.constant 0 : index
    tpu.barrier barrier_id(%barrier3A)
    %scan3A_12 = arith.constant 0 : i32
    %scan3A_13 = arith.constant 80 : i32
    %scan3A_14 = arith.addi %scan3A_12, %scan3A_13 : i32
    %scan3A_15 = arith.constant 1 : i32
    scf.for %scan3A_23 = %scan3A_12 to %scan3A_14 step %scan3A_15  : i32 {
      %mul3A_24 = arith.constant 1 : i32
      %mul3A_25 = arith.muli %scan3A_23, %mul3A_24 : i32
      %add3A_26 = arith.constant 0 : i32
      %add3A_27 = arith.addi %add3A_26, %mul3A_25 : i32
      "tpu.region"() ({
        %run_scoped3A = tpu.sem_alloc : memref<!tpu.dma_semaphore, #tpu.memory_space<semaphore_mem>>
        %dma_start3A = arith.constant 0 : i32
        %dma_start3A_28 = tpu.memref_slice %arg4[%add3A_27, %dma_start3A] : memref<80x128xi32, #tpu.memory_space<vmem>> -> memref<1x128xi32, #tpu.memory_space<vmem>>
        %dma_start3A_29 = tpu.memref_squeeze %dma_start3A_28 : memref<1x128xi32, #tpu.memory_space<vmem>> -> memref<128xi32, #tpu.memory_space<vmem>>
        %dma_start3A_30 = arith.constant 0 : i32
        %dma_start3A_31 = arith.constant 0 : i32
        %dma_start3A_32 = tpu.memref_slice %arg7[%dma_start3A_30, %dma_start3A_31] : memref<10240x16xf32, #tpu.memory_space<vmem_shared>> -> memref<10240x16xf32, #tpu.memory_space<vmem_shared>>
        tpu.enqueue_indirect_dma source(%arg5 : memref<128x16xf32, #tpu.memory_space<vmem>>) target(%dma_start3A_32 : memref<10240x16xf32, #tpu.memory_space<vmem_shared>>) offsets(%dma_start3A_29 : memref<128xi32, #tpu.memory_space<vmem>>) semaphore(%run_scoped3A : memref<!tpu.dma_semaphore, #tpu.memory_space<semaphore_mem>>) {add = true}
        %dma_wait3A = arith.constant 0 : i32
        %dma_wait3A_33 = tpu.memref_slice %arg4[%add3A_27, %dma_wait3A] : memref<80x128xi32, #tpu.memory_space<vmem>> -> memref<1x128xi32, #tpu.memory_space<vmem>>
        %dma_wait3A_34 = tpu.memref_squeeze %dma_wait3A_33 : memref<1x128xi32, #tpu.memory_space<vmem>> -> memref<128xi32, #tpu.memory_space<vmem>>
        %dma_wait3A_35 = arith.constant 0 : i32
        %dma_wait3A_36 = arith.constant 0 : i32
        %dma_wait3A_37 = tpu.memref_slice %arg7[%dma_wait3A_35, %dma_wait3A_36] : memref<10240x16xf32, #tpu.memory_space<vmem_shared>> -> memref<10240x16xf32, #tpu.memory_space<vmem_shared>>
        tpu.wait_indirect_dma semaphore(%run_scoped3A : memref<!tpu.dma_semaphore, #tpu.memory_space<semaphore_mem>>) src(%arg5 : memref<128x16xf32, #tpu.memory_space<vmem>>) dst(%dma_wait3A_37 : memref<10240x16xf32, #tpu.memory_space<vmem_shared>>)
        tpu.yield
      }) : () -> ()
    }
    %scan3A_16 = arith.constant 80 : i32
    %barrier3A_17 = arith.constant 0 : index
    tpu.barrier barrier_id(%barrier3A_17)
    %scan3A_18 = arith.constant 0 : i32
    %scan3A_19 = arith.constant 5 : i32
    %scan3A_20 = arith.addi %scan3A_18, %scan3A_19 : i32
    %scan3A_21 = arith.constant 1 : i32
    scf.for %scan3A_23 = %scan3A_18 to %scan3A_20 step %scan3A_21  : i32 {
      %mul3A_24 = arith.constant 128 : i32
      %mul3A_25 = arith.muli %scan3A_23, %mul3A_24 : i32
      %add3A_26 = arith.constant 0 : i32
      %add3A_27 = arith.addi %add3A_26, %mul3A_25 : i32
      %mul3A_28 = arith.constant 640 : i32
      %mul3A_29 = arith.muli %arg1, %mul3A_28 : i32
      %add3A_30 = arith.addi %mul3A_29, %add3A_27 : i32
      %mul3A_31 = arith.constant 640 : i32
      %mul3A_32 = arith.muli %arg1, %mul3A_31 : i32
      %add3A_33 = arith.addi %mul3A_32, %add3A_27 : i32
      "tpu.region"() ({
        %run_scoped3A = tpu.sem_alloc : memref<!tpu.dma_semaphore, #tpu.memory_space<semaphore_mem>>
        %dma_start3A = arith.constant 0 : i32
        %dma_start3A_34 = tpu.memref_slice %arg3[%arg0, %add3A_33, %dma_start3A] : memref<2x10240x16xf32, #tpu.memory_space<hbm>> -> memref<1x128x16xf32, #tpu.memory_space<hbm>>
        %dma_start3A_35 = tpu.memref_squeeze %dma_start3A_34 : memref<1x128x16xf32, #tpu.memory_space<hbm>> -> memref<128x16xf32, #tpu.memory_space<hbm>>
        %dma_start3A_36 = arith.constant 0 : i32
        %dma_start3A_37 = tpu.memref_slice %arg7[%add3A_30, %dma_start3A_36] : memref<10240x16xf32, #tpu.memory_space<vmem_shared>> -> memref<128x16xf32, #tpu.memory_space<vmem_shared>>
        tpu.enqueue_dma source(%dma_start3A_37 : memref<128x16xf32, #tpu.memory_space<vmem_shared>>) target(%dma_start3A_35 : memref<128x16xf32, #tpu.memory_space<hbm>>) target_semaphore(%run_scoped3A : memref<!tpu.dma_semaphore, #tpu.memory_space<semaphore_mem>>)
        %dma_wait3A = arith.constant 0 : i32
        %dma_wait3A_38 = tpu.memref_slice %arg3[%arg0, %add3A_33, %dma_wait3A] : memref<2x10240x16xf32, #tpu.memory_space<hbm>> -> memref<1x128x16xf32, #tpu.memory_space<hbm>>
        %dma_wait3A_39 = tpu.memref_squeeze %dma_wait3A_38 : memref<1x128x16xf32, #tpu.memory_space<hbm>> -> memref<128x16xf32, #tpu.memory_space<hbm>>
        %dma_wait3A_40 = arith.constant 0 : i32
        %dma_wait3A_41 = tpu.memref_slice %arg7[%add3A_30, %dma_wait3A_40] : memref<10240x16xf32, #tpu.memory_space<vmem_shared>> -> memref<128x16xf32, #tpu.memory_space<vmem_shared>>
        tpu.wait_dma2 semaphore(%run_scoped3A : memref<!tpu.dma_semaphore, #tpu.memory_space<semaphore_mem>>) src(%dma_wait3A_41 : memref<128x16xf32, #tpu.memory_space<vmem_shared>>) dst(%dma_wait3A_39 : memref<128x16xf32, #tpu.memory_space<hbm>>)
        tpu.yield
      }) : () -> ()
    }
    %scan3A_22 = arith.constant 5 : i32
    return
  }
}

#map = affine_map<(d0, d1) -> (0, 0)>
#map1 = affine_map<(d0, d1) -> (0, 0, 0)>
module attributes {stable_mosaic.version = 14 : i64} {
  func.func @k(%arg0: i32, %arg1: i32, %arg2: memref<10000x128xf32, #tpu.memory_space<hbm>>, %arg3: memref<2560x128xi32, #tpu.memory_space<hbm>>, %arg4: memref<2560x128xi32, #tpu.memory_space<hbm>>, %arg5: memref<2x10240x128xf32, #tpu.memory_space<hbm>>, %arg6: memref<8x128xi32, #tpu.memory_space<vmem>>, %arg7: memref<8x128xi32, #tpu.memory_space<vmem>>, %arg8: memref<128x128xf32, #tpu.memory_space<vmem>>, %arg9: memref<128x128xf32, #tpu.memory_space<vmem>>, %arg10: memref<10240x128xf32, #tpu.memory_space<vmem_shared>>, %arg11: memref<!tpu.dma_semaphore, #tpu.memory_space<semaphore_mem>>, %arg12: memref<!tpu.dma_semaphore, #tpu.memory_space<semaphore_mem>>) attributes {dimension_semantics = [#tpu.dimension_semantics<core_parallel>, #tpu.dimension_semantics<subcore_parallel>], iteration_bounds = array<i64: 2, 16>, scalar_prefetch = 0 : i64, scratch_operands = 7 : i64, tpu.core_type = #tpu.core_type<sc_vector_subcore>, window_params = [{transform_indices = #map}, {transform_indices = #map}, {transform_indices = #map}, {transform_indices = #map1}]} {
    %scan3A = arith.constant 0 : i32
    %scan3A_0 = arith.constant 128 : i32
    %scan3A_1 = arith.addi %scan3A, %scan3A_0 : i32
    %scan3A_2 = arith.constant 1 : i32
    scf.for %scan3A_22 = %scan3A to %scan3A_1 step %scan3A_2  : i32 {
      %mul3A = arith.constant 1 : i32
      %mul3A_23 = arith.muli %scan3A_22, %mul3A : i32
      %add3A = arith.constant 0 : i32
      %add3A_24 = arith.addi %add3A, %mul3A_23 : i32
      %scan3A_25 = arith.constant 0 : i32
      %scan3A_26 = arith.constant 8 : i32
      %scan3A_27 = arith.addi %scan3A_25, %scan3A_26 : i32
      %scan3A_28 = arith.constant 1 : i32
      scf.for %scan3A_30 = %scan3A_25 to %scan3A_27 step %scan3A_28  : i32 {
        %mul3A_31 = arith.constant 16 : i32
        %mul3A_32 = arith.muli %scan3A_30, %mul3A_31 : i32
        %add3A_33 = arith.constant 0 : i32
        %add3A_34 = arith.addi %add3A_33, %mul3A_32 : i32
        %broadcast_in_dim3A = arith.constant 0.000000e+00 : f32
        %broadcast_in_dim3A_35 = vector.broadcast %broadcast_in_dim3A : f32 to vector<16xf32>
        %swap3A = arith.index_cast %add3A_24 : i32 to index
        %swap3A_36 = arith.index_cast %add3A_34 : i32 to index
        %swap3A_37 = tpu.vector_load %arg8[%swap3A, %swap3A_36] {strides = array<i32>} : memref<128x128xf32, #tpu.memory_space<vmem>>, vector<1x16xf32>,
        %swap3A_38 = vector.shape_cast %swap3A_37 : vector<1x16xf32> to vector<16xf32>
        %swap3A_39 = vector.shape_cast %broadcast_in_dim3A_35 : vector<16xf32> to vector<1x16xf32>
        tpu.vector_store %arg8[%swap3A, %swap3A_36], %swap3A_39 {strides = array<i32>} : memref<128x128xf32, #tpu.memory_space<vmem>>, vector<1x16xf32>,
      }
      %scan3A_29 = arith.constant 8 : i32
    }
    %scan3A_3 = arith.constant 128 : i32
    %scan3A_4 = arith.constant 0 : i32
    %scan3A_5 = arith.constant 5 : i32
    %scan3A_6 = arith.addi %scan3A_4, %scan3A_5 : i32
    %scan3A_7 = arith.constant 1 : i32
    scf.for %scan3A_22 = %scan3A_4 to %scan3A_6 step %scan3A_7  : i32 {
      %mul3A = arith.constant 128 : i32
      %mul3A_23 = arith.muli %scan3A_22, %mul3A : i32
      %add3A = arith.constant 0 : i32
      %add3A_24 = arith.addi %add3A, %mul3A_23 : i32
      %mul3A_25 = arith.constant 640 : i32
      %mul3A_26 = arith.muli %arg1, %mul3A_25 : i32
      %add3A_27 = arith.addi %mul3A_26, %add3A_24 : i32
      "tpu.region"() ({
        %run_scoped3A = tpu.sem_alloc : memref<!tpu.dma_semaphore, #tpu.memory_space<semaphore_mem>>
        %dma_start3A = arith.constant 0 : i32
        %dma_start3A_28 = tpu.memref_slice %arg10[%add3A_27, %dma_start3A] : memref<10240x128xf32, #tpu.memory_space<vmem_shared>> -> memref<128x128xf32, #tpu.memory_space<vmem_shared>>
        %dma_start3A_29 = arith.constant 0 : i32
        %dma_start3A_30 = tpu.memref_slice %arg10[%add3A_27, %dma_start3A_29] : memref<10240x128xf32, #tpu.memory_space<vmem_shared>> -> memref<128x128xf32, #tpu.memory_space<vmem_shared>>
        tpu.enqueue_dma source(%arg8 : memref<128x128xf32, #tpu.memory_space<vmem>>) target(%dma_start3A_30 : memref<128x128xf32, #tpu.memory_space<vmem_shared>>) target_semaphore(%run_scoped3A : memref<!tpu.dma_semaphore, #tpu.memory_space<semaphore_mem>>)
        %dma_wait3A = arith.constant 0 : i32
        %dma_wait3A_31 = tpu.memref_slice %arg10[%add3A_27, %dma_wait3A] : memref<10240x128xf32, #tpu.memory_space<vmem_shared>> -> memref<128x128xf32, #tpu.memory_space<vmem_shared>>
        %dma_wait3A_32 = arith.constant 0 : i32
        %dma_wait3A_33 = tpu.memref_slice %arg10[%add3A_27, %dma_wait3A_32] : memref<10240x128xf32, #tpu.memory_space<vmem_shared>> -> memref<128x128xf32, #tpu.memory_space<vmem_shared>>
        tpu.wait_dma2 semaphore(%run_scoped3A : memref<!tpu.dma_semaphore, #tpu.memory_space<semaphore_mem>>) src(%arg8 : memref<128x128xf32, #tpu.memory_space<vmem>>) dst(%dma_wait3A_33 : memref<128x128xf32, #tpu.memory_space<vmem_shared>>)
        tpu.yield
      }) : () -> ()
    }
    %scan3A_8 = arith.constant 5 : i32
    %barrier3A = arith.constant 0 : index
    tpu.barrier barrier_id(%barrier3A)
    %eq3A = arith.constant 0 : i32
    %eq3A_9 = arith.cmpi eq, %arg0, %eq3A : i32
    %convert_element_type3A = arith.extui %eq3A_9 : i1 to i32
    %cond3A = arith.constant 0 : i32
    %cond3A_10 = arith.cmpi ne, %convert_element_type3A, %cond3A : i32
    scf.if %cond3A_10 {
      %mul3A = arith.constant 152 : i32
      %mul3A_22 = arith.muli %arg1, %mul3A : i32
      %scan3A_23 = arith.constant 0 : i32
      %scan3A_24 = arith.constant 19 : i32
      %scan3A_25 = arith.addi %scan3A_23, %scan3A_24 : i32
      %scan3A_26 = arith.constant 1 : i32
      scf.for %scan3A_28 = %scan3A_23 to %scan3A_25 step %scan3A_26  : i32 {
        %mul3A_29 = arith.constant 8 : i32
        %mul3A_30 = arith.muli %scan3A_28, %mul3A_29 : i32
        %add3A = arith.constant 0 : i32
        %add3A_31 = arith.addi %add3A, %mul3A_30 : i32
        %add3A_32 = arith.addi %mul3A_22, %add3A_31 : i32
        "tpu.region"() ({
          %run_scoped3A = tpu.sem_alloc : memref<!tpu.dma_semaphore, #tpu.memory_space<semaphore_mem>>
          %dma_start3A = arith.constant 0 : i32
          %dma_start3A_39 = tpu.memref_slice %arg3[%add3A_32, %dma_start3A] : memref<2560x128xi32, #tpu.memory_space<hbm>> -> memref<8x128xi32, #tpu.memory_space<hbm>>
          %dma_start3A_40 = arith.constant 0 : i32
          %dma_start3A_41 = tpu.memref_slice %arg3[%add3A_32, %dma_start3A_40] : memref<2560x128xi32, #tpu.memory_space<hbm>> -> memref<8x128xi32, #tpu.memory_space<hbm>>
          tpu.enqueue_dma source(%dma_start3A_41 : memref<8x128xi32, #tpu.memory_space<hbm>>) target(%arg6 : memref<8x128xi32, #tpu.memory_space<vmem>>) target_semaphore(%run_scoped3A : memref<!tpu.dma_semaphore, #tpu.memory_space<semaphore_mem>>)
          %dma_wait3A = arith.constant 0 : i32
          %dma_wait3A_42 = tpu.memref_slice %arg3[%add3A_32, %dma_wait3A] : memref<2560x128xi32, #tpu.memory_space<hbm>> -> memref<8x128xi32, #tpu.memory_space<hbm>>
          %dma_wait3A_43 = arith.constant 0 : i32
          %dma_wait3A_44 = tpu.memref_slice %arg3[%add3A_32, %dma_wait3A_43] : memref<2560x128xi32, #tpu.memory_space<hbm>> -> memref<8x128xi32, #tpu.memory_space<hbm>>
          tpu.wait_dma2 semaphore(%run_scoped3A : memref<!tpu.dma_semaphore, #tpu.memory_space<semaphore_mem>>) src(%dma_wait3A_44 : memref<8x128xi32, #tpu.memory_space<hbm>>) dst(%arg6 : memref<8x128xi32, #tpu.memory_space<vmem>>)
          tpu.yield
        }) : () -> ()
        %add3A_33 = arith.addi %mul3A_22, %add3A_31 : i32
        "tpu.region"() ({
          %run_scoped3A = tpu.sem_alloc : memref<!tpu.dma_semaphore, #tpu.memory_space<semaphore_mem>>
          %dma_start3A = arith.constant 0 : i32
          %dma_start3A_39 = tpu.memref_slice %arg4[%add3A_33, %dma_start3A] : memref<2560x128xi32, #tpu.memory_space<hbm>> -> memref<8x128xi32, #tpu.memory_space<hbm>>
          %dma_start3A_40 = arith.constant 0 : i32
          %dma_start3A_41 = tpu.memref_slice %arg4[%add3A_33, %dma_start3A_40] : memref<2560x128xi32, #tpu.memory_space<hbm>> -> memref<8x128xi32, #tpu.memory_space<hbm>>
          tpu.enqueue_dma source(%dma_start3A_41 : memref<8x128xi32, #tpu.memory_space<hbm>>) target(%arg7 : memref<8x128xi32, #tpu.memory_space<vmem>>) target_semaphore(%run_scoped3A : memref<!tpu.dma_semaphore, #tpu.memory_space<semaphore_mem>>)
          %dma_wait3A = arith.constant 0 : i32
          %dma_wait3A_42 = tpu.memref_slice %arg4[%add3A_33, %dma_wait3A] : memref<2560x128xi32, #tpu.memory_space<hbm>> -> memref<8x128xi32, #tpu.memory_space<hbm>>
          %dma_wait3A_43 = arith.constant 0 : i32
          %dma_wait3A_44 = tpu.memref_slice %arg4[%add3A_33, %dma_wait3A_43] : memref<2560x128xi32, #tpu.memory_space<hbm>> -> memref<8x128xi32, #tpu.memory_space<hbm>>
          tpu.wait_dma2 semaphore(%run_scoped3A : memref<!tpu.dma_semaphore, #tpu.memory_space<semaphore_mem>>) src(%dma_wait3A_44 : memref<8x128xi32, #tpu.memory_space<hbm>>) dst(%arg7 : memref<8x128xi32, #tpu.memory_space<vmem>>)
          tpu.yield
        }) : () -> ()
        %scan3A_34 = arith.constant 0 : i32
        %scan3A_35 = arith.constant 4 : i32
        %scan3A_36 = arith.addi %scan3A_34, %scan3A_35 : i32
        %scan3A_37 = arith.constant 1 : i32
        scf.for %scan3A_39 = %scan3A_34 to %scan3A_36 step %scan3A_37  : i32 {
          %mul3A_40 = arith.constant 2 : i32
          %mul3A_41 = arith.muli %scan3A_39, %mul3A_40 : i32
          %add3A_42 = arith.constant 0 : i32
          %add3A_43 = arith.addi %add3A_42, %mul3A_41 : i32
          %dma_start3A = arith.constant 0 : i32
          %dma_start3A_44 = tpu.memref_slice %arg6[%add3A_43, %dma_start3A] : memref<8x128xi32, #tpu.memory_space<vmem>> -> memref<1x128xi32, #tpu.memory_space<vmem>>
          %dma_start3A_45 = tpu.memref_squeeze %dma_start3A_44 : memref<1x128xi32, #tpu.memory_space<vmem>> -> memref<128xi32, #tpu.memory_space<vmem>>
          %dma_start3A_46 = arith.constant 0 : i32
          %dma_start3A_47 = arith.constant 0 : i32
          %dma_start3A_48 = tpu.memref_slice %arg2[%dma_start3A_46, %dma_start3A_47] : memref<10000x128xf32, #tpu.memory_space<hbm>> -> memref<10000x128xf32, #tpu.memory_space<hbm>>
          tpu.enqueue_indirect_dma source(%dma_start3A_48 : memref<10000x128xf32, #tpu.memory_space<hbm>>) target(%arg8 : memref<128x128xf32, #tpu.memory_space<vmem>>) offsets(%dma_start3A_45 : memref<128xi32, #tpu.memory_space<vmem>>) semaphore(%arg11 : memref<!tpu.dma_semaphore, #tpu.memory_space<semaphore_mem>>)
          %add3A_49 = arith.constant 1 : i32
          %add3A_50 = arith.addi %add3A_43, %add3A_49 : i32
          %dma_start3A_51 = arith.constant 0 : i32
          %dma_start3A_52 = tpu.memref_slice %arg6[%add3A_50, %dma_start3A_51] : memref<8x128xi32, #tpu.memory_space<vmem>> -> memref<1x128xi32, #tpu.memory_space<vmem>>
          %dma_start3A_53 = tpu.memref_squeeze %dma_start3A_52 : memref<1x128xi32, #tpu.memory_space<vmem>> -> memref<128xi32, #tpu.memory_space<vmem>>
          %dma_start3A_54 = arith.constant 0 : i32
          %dma_start3A_55 = arith.constant 0 : i32
          %dma_start3A_56 = tpu.memref_slice %arg2[%dma_start3A_54, %dma_start3A_55] : memref<10000x128xf32, #tpu.memory_space<hbm>> -> memref<10000x128xf32, #tpu.memory_space<hbm>>
          tpu.enqueue_indirect_dma source(%dma_start3A_56 : memref<10000x128xf32, #tpu.memory_space<hbm>>) target(%arg9 : memref<128x128xf32, #tpu.memory_space<vmem>>) offsets(%dma_start3A_53 : memref<128xi32, #tpu.memory_space<vmem>>) semaphore(%arg12 : memref<!tpu.dma_semaphore, #tpu.memory_space<semaphore_mem>>)
          %dma_wait3A = arith.constant 0 : i32
          %dma_wait3A_57 = tpu.memref_slice %arg6[%add3A_43, %dma_wait3A] : memref<8x128xi32, #tpu.memory_space<vmem>> -> memref<1x128xi32, #tpu.memory_space<vmem>>
          %dma_wait3A_58 = tpu.memref_squeeze %dma_wait3A_57 : memref<1x128xi32, #tpu.memory_space<vmem>> -> memref<128xi32, #tpu.memory_space<vmem>>
          %dma_wait3A_59 = arith.constant 0 : i32
          %dma_wait3A_60 = arith.constant 0 : i32
          %dma_wait3A_61 = tpu.memref_slice %arg2[%dma_wait3A_59, %dma_wait3A_60] : memref<10000x128xf32, #tpu.memory_space<hbm>> -> memref<10000x128xf32, #tpu.memory_space<hbm>>
          tpu.wait_indirect_dma semaphore(%arg11 : memref<!tpu.dma_semaphore, #tpu.memory_space<semaphore_mem>>) src(%dma_wait3A_61 : memref<10000x128xf32, #tpu.memory_space<hbm>>) dst(%arg8 : memref<128x128xf32, #tpu.memory_space<vmem>>)
          "tpu.region"() ({
            %run_scoped3A = tpu.sem_alloc : memref<!tpu.dma_semaphore, #tpu.memory_space<semaphore_mem>>
            %dma_start3A_70 = arith.constant 0 : i32
            %dma_start3A_71 = tpu.memref_slice %arg7[%add3A_43, %dma_start3A_70] : memref<8x128xi32, #tpu.memory_space<vmem>> -> memref<1x128xi32, #tpu.memory_space<vmem>>
            %dma_start3A_72 = tpu.memref_squeeze %dma_start3A_71 : memref<1x128xi32, #tpu.memory_space<vmem>> -> memref<128xi32, #tpu.memory_space<vmem>>
            %dma_start3A_73 = arith.constant 0 : i32
            %dma_start3A_74 = arith.constant 0 : i32
            %dma_start3A_75 = tpu.memref_slice %arg10[%dma_start3A_73, %dma_start3A_74] : memref<10240x128xf32, #tpu.memory_space<vmem_shared>> -> memref<10240x128xf32, #tpu.memory_space<vmem_shared>>
            tpu.enqueue_indirect_dma source(%arg8 : memref<128x128xf32, #tpu.memory_space<vmem>>) target(%dma_start3A_75 : memref<10240x128xf32, #tpu.memory_space<vmem_shared>>) offsets(%dma_start3A_72 : memref<128xi32, #tpu.memory_space<vmem>>) semaphore(%run_scoped3A : memref<!tpu.dma_semaphore, #tpu.memory_space<semaphore_mem>>) {add = true}
            %dma_wait3A_76 = arith.constant 0 : i32
            %dma_wait3A_77 = tpu.memref_slice %arg7[%add3A_43, %dma_wait3A_76] : memref<8x128xi32, #tpu.memory_space<vmem>> -> memref<1x128xi32, #tpu.memory_space<vmem>>
            %dma_wait3A_78 = tpu.memref_squeeze %dma_wait3A_77 : memref<1x128xi32, #tpu.memory_space<vmem>> -> memref<128xi32, #tpu.memory_space<vmem>>
            %dma_wait3A_79 = arith.constant 0 : i32
            %dma_wait3A_80 = arith.constant 0 : i32
            %dma_wait3A_81 = tpu.memref_slice %arg10[%dma_wait3A_79, %dma_wait3A_80] : memref<10240x128xf32, #tpu.memory_space<vmem_shared>> -> memref<10240x128xf32, #tpu.memory_space<vmem_shared>>
            tpu.wait_indirect_dma semaphore(%run_scoped3A : memref<!tpu.dma_semaphore, #tpu.memory_space<semaphore_mem>>) src(%arg8 : memref<128x128xf32, #tpu.memory_space<vmem>>) dst(%dma_wait3A_81 : memref<10240x128xf32, #tpu.memory_space<vmem_shared>>)
            tpu.yield
          }) : () -> ()
          %dma_wait3A_62 = arith.constant 0 : i32
          %dma_wait3A_63 = tpu.memref_slice %arg6[%add3A_50, %dma_wait3A_62] : memref<8x128xi32, #tpu.memory_space<vmem>> -> memref<1x128xi32, #tpu.memory_space<vmem>>
          %dma_wait3A_64 = tpu.memref_squeeze %dma_wait3A_63 : memref<1x128xi32, #tpu.memory_space<vmem>> -> memref<128xi32, #tpu.memory_space<vmem>>
          %dma_wait3A_65 = arith.constant 0 : i32
          %dma_wait3A_66 = arith.constant 0 : i32
          %dma_wait3A_67 = tpu.memref_slice %arg2[%dma_wait3A_65, %dma_wait3A_66] : memref<10000x128xf32, #tpu.memory_space<hbm>> -> memref<10000x128xf32, #tpu.memory_space<hbm>>
          tpu.wait_indirect_dma semaphore(%arg12 : memref<!tpu.dma_semaphore, #tpu.memory_space<semaphore_mem>>) src(%dma_wait3A_67 : memref<10000x128xf32, #tpu.memory_space<hbm>>) dst(%arg9 : memref<128x128xf32, #tpu.memory_space<vmem>>)
          %add3A_68 = arith.constant 1 : i32
          %add3A_69 = arith.addi %add3A_43, %add3A_68 : i32
          "tpu.region"() ({
            %run_scoped3A = tpu.sem_alloc : memref<!tpu.dma_semaphore, #tpu.memory_space<semaphore_mem>>
            %dma_start3A_70 = arith.constant 0 : i32
            %dma_start3A_71 = tpu.memref_slice %arg7[%add3A_69, %dma_start3A_70] : memref<8x128xi32, #tpu.memory_space<vmem>> -> memref<1x128xi32, #tpu.memory_space<vmem>>
            %dma_start3A_72 = tpu.memref_squeeze %dma_start3A_71 : memref<1x128xi32, #tpu.memory_space<vmem>> -> memref<128xi32, #tpu.memory_space<vmem>>
            %dma_start3A_73 = arith.constant 0 : i32
            %dma_start3A_74 = arith.constant 0 : i32
            %dma_start3A_75 = tpu.memref_slice %arg10[%dma_start3A_73, %dma_start3A_74] : memref<10240x128xf32, #tpu.memory_space<vmem_shared>> -> memref<10240x128xf32, #tpu.memory_space<vmem_shared>>
            tpu.enqueue_indirect_dma source(%arg9 : memref<128x128xf32, #tpu.memory_space<vmem>>) target(%dma_start3A_75 : memref<10240x128xf32, #tpu.memory_space<vmem_shared>>) offsets(%dma_start3A_72 : memref<128xi32, #tpu.memory_space<vmem>>) semaphore(%run_scoped3A : memref<!tpu.dma_semaphore, #tpu.memory_space<semaphore_mem>>) {add = true}
            %dma_wait3A_76 = arith.constant 0 : i32
            %dma_wait3A_77 = tpu.memref_slice %arg7[%add3A_69, %dma_wait3A_76] : memref<8x128xi32, #tpu.memory_space<vmem>> -> memref<1x128xi32, #tpu.memory_space<vmem>>
            %dma_wait3A_78 = tpu.memref_squeeze %dma_wait3A_77 : memref<1x128xi32, #tpu.memory_space<vmem>> -> memref<128xi32, #tpu.memory_space<vmem>>
            %dma_wait3A_79 = arith.constant 0 : i32
            %dma_wait3A_80 = arith.constant 0 : i32
            %dma_wait3A_81 = tpu.memref_slice %arg10[%dma_wait3A_79, %dma_wait3A_80] : memref<10240x128xf32, #tpu.memory_space<vmem_shared>> -> memref<10240x128xf32, #tpu.memory_space<vmem_shared>>
            tpu.wait_indirect_dma semaphore(%run_scoped3A : memref<!tpu.dma_semaphore, #tpu.memory_space<semaphore_mem>>) src(%arg9 : memref<128x128xf32, #tpu.memory_space<vmem>>) dst(%dma_wait3A_81 : memref<10240x128xf32, #tpu.memory_space<vmem_shared>>)
            tpu.yield
          }) : () -> ()
        }
        %scan3A_38 = arith.constant 4 : i32
      }
      %scan3A_27 = arith.constant 19 : i32
    } else {
    }
    %eq3A_11 = arith.constant 1 : i32
    %eq3A_12 = arith.cmpi eq, %arg0, %eq3A_11 : i32
    %convert_element_type3A_13 = arith.extui %eq3A_12 : i1 to i32
    %cond3A_14 = arith.constant 0 : i32
    %cond3A_15 = arith.cmpi ne, %convert_element_type3A_13, %cond3A_14 : i32
    scf.if %cond3A_15 {
      %mul3A = arith.constant 8 : i32
      %mul3A_22 = arith.muli %arg1, %mul3A : i32
      %add3A = arith.constant 2432 : i32
      %add3A_23 = arith.addi %add3A, %mul3A_22 : i32
      %scan3A_24 = arith.constant 0 : i32
      %mul3A_25 = arith.constant 8 : i32
      %mul3A_26 = arith.muli %scan3A_24, %mul3A_25 : i32
      %add3A_27 = arith.constant 0 : i32
      %add3A_28 = arith.addi %add3A_27, %mul3A_26 : i32
      %add3A_29 = arith.addi %add3A_23, %add3A_28 : i32
      "tpu.region"() ({
        %run_scoped3A = tpu.sem_alloc : memref<!tpu.dma_semaphore, #tpu.memory_space<semaphore_mem>>
        %dma_start3A = arith.constant 0 : i32
        %dma_start3A_37 = tpu.memref_slice %arg3[%add3A_29, %dma_start3A] : memref<2560x128xi32, #tpu.memory_space<hbm>> -> memref<8x128xi32, #tpu.memory_space<hbm>>
        %dma_start3A_38 = arith.constant 0 : i32
        %dma_start3A_39 = tpu.memref_slice %arg3[%add3A_29, %dma_start3A_38] : memref<2560x128xi32, #tpu.memory_space<hbm>> -> memref<8x128xi32, #tpu.memory_space<hbm>>
        tpu.enqueue_dma source(%dma_start3A_39 : memref<8x128xi32, #tpu.memory_space<hbm>>) target(%arg6 : memref<8x128xi32, #tpu.memory_space<vmem>>) target_semaphore(%run_scoped3A : memref<!tpu.dma_semaphore, #tpu.memory_space<semaphore_mem>>)
        %dma_wait3A = arith.constant 0 : i32
        %dma_wait3A_40 = tpu.memref_slice %arg3[%add3A_29, %dma_wait3A] : memref<2560x128xi32, #tpu.memory_space<hbm>> -> memref<8x128xi32, #tpu.memory_space<hbm>>
        %dma_wait3A_41 = arith.constant 0 : i32
        %dma_wait3A_42 = tpu.memref_slice %arg3[%add3A_29, %dma_wait3A_41] : memref<2560x128xi32, #tpu.memory_space<hbm>> -> memref<8x128xi32, #tpu.memory_space<hbm>>
        tpu.wait_dma2 semaphore(%run_scoped3A : memref<!tpu.dma_semaphore, #tpu.memory_space<semaphore_mem>>) src(%dma_wait3A_42 : memref<8x128xi32, #tpu.memory_space<hbm>>) dst(%arg6 : memref<8x128xi32, #tpu.memory_space<vmem>>)
        tpu.yield
      }) : () -> ()
      %add3A_30 = arith.addi %add3A_23, %add3A_28 : i32
      "tpu.region"() ({
        %run_scoped3A = tpu.sem_alloc : memref<!tpu.dma_semaphore, #tpu.memory_space<semaphore_mem>>
        %dma_start3A = arith.constant 0 : i32
        %dma_start3A_37 = tpu.memref_slice %arg4[%add3A_30, %dma_start3A] : memref<2560x128xi32, #tpu.memory_space<hbm>> -> memref<8x128xi32, #tpu.memory_space<hbm>>
        %dma_start3A_38 = arith.constant 0 : i32
        %dma_start3A_39 = tpu.memref_slice %arg4[%add3A_30, %dma_start3A_38] : memref<2560x128xi32, #tpu.memory_space<hbm>> -> memref<8x128xi32, #tpu.memory_space<hbm>>
        tpu.enqueue_dma source(%dma_start3A_39 : memref<8x128xi32, #tpu.memory_space<hbm>>) target(%arg7 : memref<8x128xi32, #tpu.memory_space<vmem>>) target_semaphore(%run_scoped3A : memref<!tpu.dma_semaphore, #tpu.memory_space<semaphore_mem>>)
        %dma_wait3A = arith.constant 0 : i32
        %dma_wait3A_40 = tpu.memref_slice %arg4[%add3A_30, %dma_wait3A] : memref<2560x128xi32, #tpu.memory_space<hbm>> -> memref<8x128xi32, #tpu.memory_space<hbm>>
        %dma_wait3A_41 = arith.constant 0 : i32
        %dma_wait3A_42 = tpu.memref_slice %arg4[%add3A_30, %dma_wait3A_41] : memref<2560x128xi32, #tpu.memory_space<hbm>> -> memref<8x128xi32, #tpu.memory_space<hbm>>
        tpu.wait_dma2 semaphore(%run_scoped3A : memref<!tpu.dma_semaphore, #tpu.memory_space<semaphore_mem>>) src(%dma_wait3A_42 : memref<8x128xi32, #tpu.memory_space<hbm>>) dst(%arg7 : memref<8x128xi32, #tpu.memory_space<vmem>>)
        tpu.yield
      }) : () -> ()
      %scan3A_31 = arith.constant 0 : i32
      %scan3A_32 = arith.constant 4 : i32
      %scan3A_33 = arith.addi %scan3A_31, %scan3A_32 : i32
      %scan3A_34 = arith.constant 1 : i32
      scf.for %scan3A_37 = %scan3A_31 to %scan3A_33 step %scan3A_34  : i32 {
        %mul3A_38 = arith.constant 2 : i32
        %mul3A_39 = arith.muli %scan3A_37, %mul3A_38 : i32
        %add3A_40 = arith.constant 0 : i32
        %add3A_41 = arith.addi %add3A_40, %mul3A_39 : i32
        %dma_start3A = arith.constant 0 : i32
        %dma_start3A_42 = tpu.memref_slice %arg6[%add3A_41, %dma_start3A] : memref<8x128xi32, #tpu.memory_space<vmem>> -> memref<1x128xi32, #tpu.memory_space<vmem>>
        %dma_start3A_43 = tpu.memref_squeeze %dma_start3A_42 : memref<1x128xi32, #tpu.memory_space<vmem>> -> memref<128xi32, #tpu.memory_space<vmem>>
        %dma_start3A_44 = arith.constant 0 : i32
        %dma_start3A_45 = arith.constant 0 : i32
        %dma_start3A_46 = tpu.memref_slice %arg2[%dma_start3A_44, %dma_start3A_45] : memref<10000x128xf32, #tpu.memory_space<hbm>> -> memref<10000x128xf32, #tpu.memory_space<hbm>>
        tpu.enqueue_indirect_dma source(%dma_start3A_46 : memref<10000x128xf32, #tpu.memory_space<hbm>>) target(%arg8 : memref<128x128xf32, #tpu.memory_space<vmem>>) offsets(%dma_start3A_43 : memref<128xi32, #tpu.memory_space<vmem>>) semaphore(%arg11 : memref<!tpu.dma_semaphore, #tpu.memory_space<semaphore_mem>>)
        %add3A_47 = arith.constant 1 : i32
        %add3A_48 = arith.addi %add3A_41, %add3A_47 : i32
        %dma_start3A_49 = arith.constant 0 : i32
        %dma_start3A_50 = tpu.memref_slice %arg6[%add3A_48, %dma_start3A_49] : memref<8x128xi32, #tpu.memory_space<vmem>> -> memref<1x128xi32, #tpu.memory_space<vmem>>
        %dma_start3A_51 = tpu.memref_squeeze %dma_start3A_50 : memref<1x128xi32, #tpu.memory_space<vmem>> -> memref<128xi32, #tpu.memory_space<vmem>>
        %dma_start3A_52 = arith.constant 0 : i32
        %dma_start3A_53 = arith.constant 0 : i32
        %dma_start3A_54 = tpu.memref_slice %arg2[%dma_start3A_52, %dma_start3A_53] : memref<10000x128xf32, #tpu.memory_space<hbm>> -> memref<10000x128xf32, #tpu.memory_space<hbm>>
        tpu.enqueue_indirect_dma source(%dma_start3A_54 : memref<10000x128xf32, #tpu.memory_space<hbm>>) target(%arg9 : memref<128x128xf32, #tpu.memory_space<vmem>>) offsets(%dma_start3A_51 : memref<128xi32, #tpu.memory_space<vmem>>) semaphore(%arg12 : memref<!tpu.dma_semaphore, #tpu.memory_space<semaphore_mem>>)
        %dma_wait3A = arith.constant 0 : i32
        %dma_wait3A_55 = tpu.memref_slice %arg6[%add3A_41, %dma_wait3A] : memref<8x128xi32, #tpu.memory_space<vmem>> -> memref<1x128xi32, #tpu.memory_space<vmem>>
        %dma_wait3A_56 = tpu.memref_squeeze %dma_wait3A_55 : memref<1x128xi32, #tpu.memory_space<vmem>> -> memref<128xi32, #tpu.memory_space<vmem>>
        %dma_wait3A_57 = arith.constant 0 : i32
        %dma_wait3A_58 = arith.constant 0 : i32
        %dma_wait3A_59 = tpu.memref_slice %arg2[%dma_wait3A_57, %dma_wait3A_58] : memref<10000x128xf32, #tpu.memory_space<hbm>> -> memref<10000x128xf32, #tpu.memory_space<hbm>>
        tpu.wait_indirect_dma semaphore(%arg11 : memref<!tpu.dma_semaphore, #tpu.memory_space<semaphore_mem>>) src(%dma_wait3A_59 : memref<10000x128xf32, #tpu.memory_space<hbm>>) dst(%arg8 : memref<128x128xf32, #tpu.memory_space<vmem>>)
        "tpu.region"() ({
          %run_scoped3A = tpu.sem_alloc : memref<!tpu.dma_semaphore, #tpu.memory_space<semaphore_mem>>
          %dma_start3A_68 = arith.constant 0 : i32
          %dma_start3A_69 = tpu.memref_slice %arg7[%add3A_41, %dma_start3A_68] : memref<8x128xi32, #tpu.memory_space<vmem>> -> memref<1x128xi32, #tpu.memory_space<vmem>>
          %dma_start3A_70 = tpu.memref_squeeze %dma_start3A_69 : memref<1x128xi32, #tpu.memory_space<vmem>> -> memref<128xi32, #tpu.memory_space<vmem>>
          %dma_start3A_71 = arith.constant 0 : i32
          %dma_start3A_72 = arith.constant 0 : i32
          %dma_start3A_73 = tpu.memref_slice %arg10[%dma_start3A_71, %dma_start3A_72] : memref<10240x128xf32, #tpu.memory_space<vmem_shared>> -> memref<10240x128xf32, #tpu.memory_space<vmem_shared>>
          tpu.enqueue_indirect_dma source(%arg8 : memref<128x128xf32, #tpu.memory_space<vmem>>) target(%dma_start3A_73 : memref<10240x128xf32, #tpu.memory_space<vmem_shared>>) offsets(%dma_start3A_70 : memref<128xi32, #tpu.memory_space<vmem>>) semaphore(%run_scoped3A : memref<!tpu.dma_semaphore, #tpu.memory_space<semaphore_mem>>) {add = true}
          %dma_wait3A_74 = arith.constant 0 : i32
          %dma_wait3A_75 = tpu.memref_slice %arg7[%add3A_41, %dma_wait3A_74] : memref<8x128xi32, #tpu.memory_space<vmem>> -> memref<1x128xi32, #tpu.memory_space<vmem>>
          %dma_wait3A_76 = tpu.memref_squeeze %dma_wait3A_75 : memref<1x128xi32, #tpu.memory_space<vmem>> -> memref<128xi32, #tpu.memory_space<vmem>>
          %dma_wait3A_77 = arith.constant 0 : i32
          %dma_wait3A_78 = arith.constant 0 : i32
          %dma_wait3A_79 = tpu.memref_slice %arg10[%dma_wait3A_77, %dma_wait3A_78] : memref<10240x128xf32, #tpu.memory_space<vmem_shared>> -> memref<10240x128xf32, #tpu.memory_space<vmem_shared>>
          tpu.wait_indirect_dma semaphore(%run_scoped3A : memref<!tpu.dma_semaphore, #tpu.memory_space<semaphore_mem>>) src(%arg8 : memref<128x128xf32, #tpu.memory_space<vmem>>) dst(%dma_wait3A_79 : memref<10240x128xf32, #tpu.memory_space<vmem_shared>>)
          tpu.yield
        }) : () -> ()
        %dma_wait3A_60 = arith.constant 0 : i32
        %dma_wait3A_61 = tpu.memref_slice %arg6[%add3A_48, %dma_wait3A_60] : memref<8x128xi32, #tpu.memory_space<vmem>> -> memref<1x128xi32, #tpu.memory_space<vmem>>
        %dma_wait3A_62 = tpu.memref_squeeze %dma_wait3A_61 : memref<1x128xi32, #tpu.memory_space<vmem>> -> memref<128xi32, #tpu.memory_space<vmem>>
        %dma_wait3A_63 = arith.constant 0 : i32
        %dma_wait3A_64 = arith.constant 0 : i32
        %dma_wait3A_65 = tpu.memref_slice %arg2[%dma_wait3A_63, %dma_wait3A_64] : memref<10000x128xf32, #tpu.memory_space<hbm>> -> memref<10000x128xf32, #tpu.memory_space<hbm>>
        tpu.wait_indirect_dma semaphore(%arg12 : memref<!tpu.dma_semaphore, #tpu.memory_space<semaphore_mem>>) src(%dma_wait3A_65 : memref<10000x128xf32, #tpu.memory_space<hbm>>) dst(%arg9 : memref<128x128xf32, #tpu.memory_space<vmem>>)
        %add3A_66 = arith.constant 1 : i32
        %add3A_67 = arith.addi %add3A_41, %add3A_66 : i32
        "tpu.region"() ({
          %run_scoped3A = tpu.sem_alloc : memref<!tpu.dma_semaphore, #tpu.memory_space<semaphore_mem>>
          %dma_start3A_68 = arith.constant 0 : i32
          %dma_start3A_69 = tpu.memref_slice %arg7[%add3A_67, %dma_start3A_68] : memref<8x128xi32, #tpu.memory_space<vmem>> -> memref<1x128xi32, #tpu.memory_space<vmem>>
          %dma_start3A_70 = tpu.memref_squeeze %dma_start3A_69 : memref<1x128xi32, #tpu.memory_space<vmem>> -> memref<128xi32, #tpu.memory_space<vmem>>
          %dma_start3A_71 = arith.constant 0 : i32
          %dma_start3A_72 = arith.constant 0 : i32
          %dma_start3A_73 = tpu.memref_slice %arg10[%dma_start3A_71, %dma_start3A_72] : memref<10240x128xf32, #tpu.memory_space<vmem_shared>> -> memref<10240x128xf32, #tpu.memory_space<vmem_shared>>
          tpu.enqueue_indirect_dma source(%arg9 : memref<128x128xf32, #tpu.memory_space<vmem>>) target(%dma_start3A_73 : memref<10240x128xf32, #tpu.memory_space<vmem_shared>>) offsets(%dma_start3A_70 : memref<128xi32, #tpu.memory_space<vmem>>) semaphore(%run_scoped3A : memref<!tpu.dma_semaphore, #tpu.memory_space<semaphore_mem>>) {add = true}
          %dma_wait3A_74 = arith.constant 0 : i32
          %dma_wait3A_75 = tpu.memref_slice %arg7[%add3A_67, %dma_wait3A_74] : memref<8x128xi32, #tpu.memory_space<vmem>> -> memref<1x128xi32, #tpu.memory_space<vmem>>
          %dma_wait3A_76 = tpu.memref_squeeze %dma_wait3A_75 : memref<1x128xi32, #tpu.memory_space<vmem>> -> memref<128xi32, #tpu.memory_space<vmem>>
          %dma_wait3A_77 = arith.constant 0 : i32
          %dma_wait3A_78 = arith.constant 0 : i32
          %dma_wait3A_79 = tpu.memref_slice %arg10[%dma_wait3A_77, %dma_wait3A_78] : memref<10240x128xf32, #tpu.memory_space<vmem_shared>> -> memref<10240x128xf32, #tpu.memory_space<vmem_shared>>
          tpu.wait_indirect_dma semaphore(%run_scoped3A : memref<!tpu.dma_semaphore, #tpu.memory_space<semaphore_mem>>) src(%arg9 : memref<128x128xf32, #tpu.memory_space<vmem>>) dst(%dma_wait3A_79 : memref<10240x128xf32, #tpu.memory_space<vmem_shared>>)
          tpu.yield
        }) : () -> ()
      }
      %scan3A_35 = arith.constant 4 : i32
      %scan3A_36 = arith.constant 1 : i32
    } else {
    }
    %barrier3A_16 = arith.constant 0 : index
    tpu.barrier barrier_id(%barrier3A_16)
    %scan3A_17 = arith.constant 0 : i32
    %scan3A_18 = arith.constant 5 : i32
    %scan3A_19 = arith.addi %scan3A_17, %scan3A_18 : i32
    %scan3A_20 = arith.constant 1 : i32
    scf.for %scan3A_22 = %scan3A_17 to %scan3A_19 step %scan3A_20  : i32 {
      %mul3A = arith.constant 128 : i32
      %mul3A_23 = arith.muli %scan3A_22, %mul3A : i32
      %add3A = arith.constant 0 : i32
      %add3A_24 = arith.addi %add3A, %mul3A_23 : i32
      %mul3A_25 = arith.constant 640 : i32
      %mul3A_26 = arith.muli %arg1, %mul3A_25 : i32
      %add3A_27 = arith.addi %mul3A_26, %add3A_24 : i32
      %mul3A_28 = arith.constant 640 : i32
      %mul3A_29 = arith.muli %arg1, %mul3A_28 : i32
      %add3A_30 = arith.addi %mul3A_29, %add3A_24 : i32
      "tpu.region"() ({
        %run_scoped3A = tpu.sem_alloc : memref<!tpu.dma_semaphore, #tpu.memory_space<semaphore_mem>>
        %dma_start3A = arith.constant 0 : i32
        %dma_start3A_31 = tpu.memref_slice %arg5[%arg0, %add3A_30, %dma_start3A] : memref<2x10240x128xf32, #tpu.memory_space<hbm>> -> memref<1x128x128xf32, #tpu.memory_space<hbm>>
        %dma_start3A_32 = tpu.memref_squeeze %dma_start3A_31 : memref<1x128x128xf32, #tpu.memory_space<hbm>> -> memref<128x128xf32, #tpu.memory_space<hbm>>
        %dma_start3A_33 = arith.constant 0 : i32
        %dma_start3A_34 = tpu.memref_slice %arg10[%add3A_27, %dma_start3A_33] : memref<10240x128xf32, #tpu.memory_space<vmem_shared>> -> memref<128x128xf32, #tpu.memory_space<vmem_shared>>
        tpu.enqueue_dma source(%dma_start3A_34 : memref<128x128xf32, #tpu.memory_space<vmem_shared>>) target(%dma_start3A_32 : memref<128x128xf32, #tpu.memory_space<hbm>>) target_semaphore(%run_scoped3A : memref<!tpu.dma_semaphore, #tpu.memory_space<semaphore_mem>>)
        %dma_wait3A = arith.constant 0 : i32
        %dma_wait3A_35 = tpu.memref_slice %arg5[%arg0, %add3A_30, %dma_wait3A] : memref<2x10240x128xf32, #tpu.memory_space<hbm>> -> memref<1x128x128xf32, #tpu.memory_space<hbm>>
        %dma_wait3A_36 = tpu.memref_squeeze %dma_wait3A_35 : memref<1x128x128xf32, #tpu.memory_space<hbm>> -> memref<128x128xf32, #tpu.memory_space<hbm>>
        %dma_wait3A_37 = arith.constant 0 : i32
        %dma_wait3A_38 = tpu.memref_slice %arg10[%add3A_27, %dma_wait3A_37] : memref<10240x128xf32, #tpu.memory_space<vmem_shared>> -> memref<128x128xf32, #tpu.memory_space<vmem_shared>>
        tpu.wait_dma2 semaphore(%run_scoped3A : memref<!tpu.dma_semaphore, #tpu.memory_space<semaphore_mem>>) src(%dma_wait3A_38 : memref<128x128xf32, #tpu.memory_space<vmem_shared>>) dst(%dma_wait3A_36 : memref<128x128xf32, #tpu.memory_space<hbm>>)
        tpu.yield
      }) : () -> ()
    }
    %scan3A_21 = arith.constant 5 : i32
    return
  }
}

#map = affine_map<(d0, d1) -> (0, 0)>
#map1 = affine_map<(d0, d1) -> (0, 0, 0)>
module attributes {stable_mosaic.version = 14 : i64} {
  func.func @k(%arg0: i32, %arg1: i32, %arg2: memref<10000x128xf32, #tpu.memory_space<hbm>>, %arg3: memref<2560x128xi32, #tpu.memory_space<hbm>>, %arg4: memref<2560x128xi32, #tpu.memory_space<hbm>>, %arg5: memref<2x10240x128xf32, #tpu.memory_space<hbm>>, %arg6: memref<8x128xi32, #tpu.memory_space<vmem>>, %arg7: memref<8x128xi32, #tpu.memory_space<vmem>>, %arg8: memref<128x128xf32, #tpu.memory_space<vmem>>, %arg9: memref<128x128xf32, #tpu.memory_space<vmem>>, %arg10: memref<10240x128xf32, #tpu.memory_space<vmem_shared>>, %arg11: memref<!tpu.dma_semaphore, #tpu.memory_space<semaphore_mem>>, %arg12: memref<!tpu.dma_semaphore, #tpu.memory_space<semaphore_mem>>) attributes {dimension_semantics = [#tpu.dimension_semantics<core_parallel>, #tpu.dimension_semantics<subcore_parallel>], iteration_bounds = array<i64: 2, 16>, scalar_prefetch = 0 : i64, scratch_operands = 7 : i64, tpu.core_type = #tpu.core_type<sc_vector_subcore>, window_params = [{transform_indices = #map}, {transform_indices = #map}, {transform_indices = #map}, {transform_indices = #map1}]} {
    %scan3A = arith.constant 0 : i32
    %scan3A_0 = arith.constant 128 : i32
    %scan3A_1 = arith.addi %scan3A, %scan3A_0 : i32
    %scan3A_2 = arith.constant 1 : i32
    scf.for %scan3A_22 = %scan3A to %scan3A_1 step %scan3A_2  : i32 {
      %mul3A = arith.constant 1 : i32
      %mul3A_23 = arith.muli %scan3A_22, %mul3A : i32
      %add3A = arith.constant 0 : i32
      %add3A_24 = arith.addi %add3A, %mul3A_23 : i32
      %scan3A_25 = arith.constant 0 : i32
      %scan3A_26 = arith.constant 8 : i32
      %scan3A_27 = arith.addi %scan3A_25, %scan3A_26 : i32
      %scan3A_28 = arith.constant 1 : i32
      scf.for %scan3A_30 = %scan3A_25 to %scan3A_27 step %scan3A_28  : i32 {
        %mul3A_31 = arith.constant 16 : i32
        %mul3A_32 = arith.muli %scan3A_30, %mul3A_31 : i32
        %add3A_33 = arith.constant 0 : i32
        %add3A_34 = arith.addi %add3A_33, %mul3A_32 : i32
        %broadcast_in_dim3A = arith.constant 0.000000e+00 : f32
        %broadcast_in_dim3A_35 = vector.broadcast %broadcast_in_dim3A : f32 to vector<16xf32>
        %swap3A = arith.index_cast %add3A_24 : i32 to index
        %swap3A_36 = arith.index_cast %add3A_34 : i32 to index
        %swap3A_37 = tpu.vector_load %arg8[%swap3A, %swap3A_36] {strides = array<i32>} : memref<128x128xf32, #tpu.memory_space<vmem>>, vector<1x16xf32>,
        %swap3A_38 = vector.shape_cast %swap3A_37 : vector<1x16xf32> to vector<16xf32>
        %swap3A_39 = vector.shape_cast %broadcast_in_dim3A_35 : vector<16xf32> to vector<1x16xf32>
        tpu.vector_store %arg8[%swap3A, %swap3A_36], %swap3A_39 {strides = array<i32>} : memref<128x128xf32, #tpu.memory_space<vmem>>, vector<1x16xf32>,
      }
      %scan3A_29 = arith.constant 8 : i32
    }
    %scan3A_3 = arith.constant 128 : i32
    %scan3A_4 = arith.constant 0 : i32
    %scan3A_5 = arith.constant 5 : i32
    %scan3A_6 = arith.addi %scan3A_4, %scan3A_5 : i32
    %scan3A_7 = arith.constant 1 : i32
    scf.for %scan3A_22 = %scan3A_4 to %scan3A_6 step %scan3A_7  : i32 {
      %mul3A = arith.constant 128 : i32
      %mul3A_23 = arith.muli %scan3A_22, %mul3A : i32
      %add3A = arith.constant 0 : i32
      %add3A_24 = arith.addi %add3A, %mul3A_23 : i32
      %mul3A_25 = arith.constant 640 : i32
      %mul3A_26 = arith.muli %arg1, %mul3A_25 : i32
      %add3A_27 = arith.addi %mul3A_26, %add3A_24 : i32
      "tpu.region"() ({
        %run_scoped3A = tpu.sem_alloc : memref<!tpu.dma_semaphore, #tpu.memory_space<semaphore_mem>>
        %dma_start3A = arith.constant 0 : i32
        %dma_start3A_28 = tpu.memref_slice %arg10[%add3A_27, %dma_start3A] : memref<10240x128xf32, #tpu.memory_space<vmem_shared>> -> memref<128x128xf32, #tpu.memory_space<vmem_shared>>
        %dma_start3A_29 = arith.constant 0 : i32
        %dma_start3A_30 = tpu.memref_slice %arg10[%add3A_27, %dma_start3A_29] : memref<10240x128xf32, #tpu.memory_space<vmem_shared>> -> memref<128x128xf32, #tpu.memory_space<vmem_shared>>
        tpu.enqueue_dma source(%arg8 : memref<128x128xf32, #tpu.memory_space<vmem>>) target(%dma_start3A_30 : memref<128x128xf32, #tpu.memory_space<vmem_shared>>) target_semaphore(%run_scoped3A : memref<!tpu.dma_semaphore, #tpu.memory_space<semaphore_mem>>)
        %dma_wait3A = arith.constant 0 : i32
        %dma_wait3A_31 = tpu.memref_slice %arg10[%add3A_27, %dma_wait3A] : memref<10240x128xf32, #tpu.memory_space<vmem_shared>> -> memref<128x128xf32, #tpu.memory_space<vmem_shared>>
        %dma_wait3A_32 = arith.constant 0 : i32
        %dma_wait3A_33 = tpu.memref_slice %arg10[%add3A_27, %dma_wait3A_32] : memref<10240x128xf32, #tpu.memory_space<vmem_shared>> -> memref<128x128xf32, #tpu.memory_space<vmem_shared>>
        tpu.wait_dma2 semaphore(%run_scoped3A : memref<!tpu.dma_semaphore, #tpu.memory_space<semaphore_mem>>) src(%arg8 : memref<128x128xf32, #tpu.memory_space<vmem>>) dst(%dma_wait3A_33 : memref<128x128xf32, #tpu.memory_space<vmem_shared>>)
        tpu.yield
      }) : () -> ()
    }
    %scan3A_8 = arith.constant 5 : i32
    %barrier3A = arith.constant 0 : index
    tpu.barrier barrier_id(%barrier3A)
    %eq3A = arith.constant 0 : i32
    %eq3A_9 = arith.cmpi eq, %arg0, %eq3A : i32
    %convert_element_type3A = arith.extui %eq3A_9 : i1 to i32
    %cond3A = arith.constant 0 : i32
    %cond3A_10 = arith.cmpi ne, %convert_element_type3A, %cond3A : i32
    scf.if %cond3A_10 {
      %mul3A = arith.constant 152 : i32
      %mul3A_22 = arith.muli %arg1, %mul3A : i32
      %scan3A_23 = arith.constant 0 : i32
      %scan3A_24 = arith.constant 19 : i32
      %scan3A_25 = arith.addi %scan3A_23, %scan3A_24 : i32
      %scan3A_26 = arith.constant 1 : i32
      scf.for %scan3A_28 = %scan3A_23 to %scan3A_25 step %scan3A_26  : i32 {
        %mul3A_29 = arith.constant 8 : i32
        %mul3A_30 = arith.muli %scan3A_28, %mul3A_29 : i32
        %add3A = arith.constant 0 : i32
        %add3A_31 = arith.addi %add3A, %mul3A_30 : i32
        %add3A_32 = arith.addi %mul3A_22, %add3A_31 : i32
        "tpu.region"() ({
          %run_scoped3A = tpu.sem_alloc : memref<!tpu.dma_semaphore, #tpu.memory_space<semaphore_mem>>
          %dma_start3A = arith.constant 0 : i32
          %dma_start3A_39 = tpu.memref_slice %arg3[%add3A_32, %dma_start3A] : memref<2560x128xi32, #tpu.memory_space<hbm>> -> memref<8x128xi32, #tpu.memory_space<hbm>>
          %dma_start3A_40 = arith.constant 0 : i32
          %dma_start3A_41 = tpu.memref_slice %arg3[%add3A_32, %dma_start3A_40] : memref<2560x128xi32, #tpu.memory_space<hbm>> -> memref<8x128xi32, #tpu.memory_space<hbm>>
          tpu.enqueue_dma source(%dma_start3A_41 : memref<8x128xi32, #tpu.memory_space<hbm>>) target(%arg6 : memref<8x128xi32, #tpu.memory_space<vmem>>) target_semaphore(%run_scoped3A : memref<!tpu.dma_semaphore, #tpu.memory_space<semaphore_mem>>)
          %dma_wait3A = arith.constant 0 : i32
          %dma_wait3A_42 = tpu.memref_slice %arg3[%add3A_32, %dma_wait3A] : memref<2560x128xi32, #tpu.memory_space<hbm>> -> memref<8x128xi32, #tpu.memory_space<hbm>>
          %dma_wait3A_43 = arith.constant 0 : i32
          %dma_wait3A_44 = tpu.memref_slice %arg3[%add3A_32, %dma_wait3A_43] : memref<2560x128xi32, #tpu.memory_space<hbm>> -> memref<8x128xi32, #tpu.memory_space<hbm>>
          tpu.wait_dma2 semaphore(%run_scoped3A : memref<!tpu.dma_semaphore, #tpu.memory_space<semaphore_mem>>) src(%dma_wait3A_44 : memref<8x128xi32, #tpu.memory_space<hbm>>) dst(%arg6 : memref<8x128xi32, #tpu.memory_space<vmem>>)
          tpu.yield
        }) : () -> ()
        %add3A_33 = arith.addi %mul3A_22, %add3A_31 : i32
        "tpu.region"() ({
          %run_scoped3A = tpu.sem_alloc : memref<!tpu.dma_semaphore, #tpu.memory_space<semaphore_mem>>
          %dma_start3A = arith.constant 0 : i32
          %dma_start3A_39 = tpu.memref_slice %arg4[%add3A_33, %dma_start3A] : memref<2560x128xi32, #tpu.memory_space<hbm>> -> memref<8x128xi32, #tpu.memory_space<hbm>>
          %dma_start3A_40 = arith.constant 0 : i32
          %dma_start3A_41 = tpu.memref_slice %arg4[%add3A_33, %dma_start3A_40] : memref<2560x128xi32, #tpu.memory_space<hbm>> -> memref<8x128xi32, #tpu.memory_space<hbm>>
          tpu.enqueue_dma source(%dma_start3A_41 : memref<8x128xi32, #tpu.memory_space<hbm>>) target(%arg7 : memref<8x128xi32, #tpu.memory_space<vmem>>) target_semaphore(%run_scoped3A : memref<!tpu.dma_semaphore, #tpu.memory_space<semaphore_mem>>)
          %dma_wait3A = arith.constant 0 : i32
          %dma_wait3A_42 = tpu.memref_slice %arg4[%add3A_33, %dma_wait3A] : memref<2560x128xi32, #tpu.memory_space<hbm>> -> memref<8x128xi32, #tpu.memory_space<hbm>>
          %dma_wait3A_43 = arith.constant 0 : i32
          %dma_wait3A_44 = tpu.memref_slice %arg4[%add3A_33, %dma_wait3A_43] : memref<2560x128xi32, #tpu.memory_space<hbm>> -> memref<8x128xi32, #tpu.memory_space<hbm>>
          tpu.wait_dma2 semaphore(%run_scoped3A : memref<!tpu.dma_semaphore, #tpu.memory_space<semaphore_mem>>) src(%dma_wait3A_44 : memref<8x128xi32, #tpu.memory_space<hbm>>) dst(%arg7 : memref<8x128xi32, #tpu.memory_space<vmem>>)
          tpu.yield
        }) : () -> ()
        %scan3A_34 = arith.constant 0 : i32
        %scan3A_35 = arith.constant 4 : i32
        %scan3A_36 = arith.addi %scan3A_34, %scan3A_35 : i32
        %scan3A_37 = arith.constant 1 : i32
        scf.for %scan3A_39 = %scan3A_34 to %scan3A_36 step %scan3A_37  : i32 {
          %mul3A_40 = arith.constant 2 : i32
          %mul3A_41 = arith.muli %scan3A_39, %mul3A_40 : i32
          %add3A_42 = arith.constant 0 : i32
          %add3A_43 = arith.addi %add3A_42, %mul3A_41 : i32
          %dma_start3A = arith.constant 0 : i32
          %dma_start3A_44 = tpu.memref_slice %arg6[%add3A_43, %dma_start3A] : memref<8x128xi32, #tpu.memory_space<vmem>> -> memref<1x128xi32, #tpu.memory_space<vmem>>
          %dma_start3A_45 = tpu.memref_squeeze %dma_start3A_44 : memref<1x128xi32, #tpu.memory_space<vmem>> -> memref<128xi32, #tpu.memory_space<vmem>>
          %dma_start3A_46 = arith.constant 0 : i32
          %dma_start3A_47 = arith.constant 0 : i32
          %dma_start3A_48 = tpu.memref_slice %arg2[%dma_start3A_46, %dma_start3A_47] : memref<10000x128xf32, #tpu.memory_space<hbm>> -> memref<10000x128xf32, #tpu.memory_space<hbm>>
          tpu.enqueue_indirect_dma source(%dma_start3A_48 : memref<10000x128xf32, #tpu.memory_space<hbm>>) target(%arg8 : memref<128x128xf32, #tpu.memory_space<vmem>>) offsets(%dma_start3A_45 : memref<128xi32, #tpu.memory_space<vmem>>) semaphore(%arg11 : memref<!tpu.dma_semaphore, #tpu.memory_space<semaphore_mem>>)
          %add3A_49 = arith.constant 1 : i32
          %add3A_50 = arith.addi %add3A_43, %add3A_49 : i32
          %dma_start3A_51 = arith.constant 0 : i32
          %dma_start3A_52 = tpu.memref_slice %arg6[%add3A_50, %dma_start3A_51] : memref<8x128xi32, #tpu.memory_space<vmem>> -> memref<1x128xi32, #tpu.memory_space<vmem>>
          %dma_start3A_53 = tpu.memref_squeeze %dma_start3A_52 : memref<1x128xi32, #tpu.memory_space<vmem>> -> memref<128xi32, #tpu.memory_space<vmem>>
          %dma_start3A_54 = arith.constant 0 : i32
          %dma_start3A_55 = arith.constant 0 : i32
          %dma_start3A_56 = tpu.memref_slice %arg2[%dma_start3A_54, %dma_start3A_55] : memref<10000x128xf32, #tpu.memory_space<hbm>> -> memref<10000x128xf32, #tpu.memory_space<hbm>>
          tpu.enqueue_indirect_dma source(%dma_start3A_56 : memref<10000x128xf32, #tpu.memory_space<hbm>>) target(%arg9 : memref<128x128xf32, #tpu.memory_space<vmem>>) offsets(%dma_start3A_53 : memref<128xi32, #tpu.memory_space<vmem>>) semaphore(%arg12 : memref<!tpu.dma_semaphore, #tpu.memory_space<semaphore_mem>>)
          %dma_wait3A = arith.constant 0 : i32
          %dma_wait3A_57 = tpu.memref_slice %arg6[%add3A_43, %dma_wait3A] : memref<8x128xi32, #tpu.memory_space<vmem>> -> memref<1x128xi32, #tpu.memory_space<vmem>>
          %dma_wait3A_58 = tpu.memref_squeeze %dma_wait3A_57 : memref<1x128xi32, #tpu.memory_space<vmem>> -> memref<128xi32, #tpu.memory_space<vmem>>
          %dma_wait3A_59 = arith.constant 0 : i32
          %dma_wait3A_60 = arith.constant 0 : i32
          %dma_wait3A_61 = tpu.memref_slice %arg2[%dma_wait3A_59, %dma_wait3A_60] : memref<10000x128xf32, #tpu.memory_space<hbm>> -> memref<10000x128xf32, #tpu.memory_space<hbm>>
          tpu.wait_indirect_dma semaphore(%arg11 : memref<!tpu.dma_semaphore, #tpu.memory_space<semaphore_mem>>) src(%dma_wait3A_61 : memref<10000x128xf32, #tpu.memory_space<hbm>>) dst(%arg8 : memref<128x128xf32, #tpu.memory_space<vmem>>)
          "tpu.region"() ({
            %run_scoped3A = tpu.sem_alloc : memref<!tpu.dma_semaphore, #tpu.memory_space<semaphore_mem>>
            %dma_start3A_70 = arith.constant 0 : i32
            %dma_start3A_71 = tpu.memref_slice %arg7[%add3A_43, %dma_start3A_70] : memref<8x128xi32, #tpu.memory_space<vmem>> -> memref<1x128xi32, #tpu.memory_space<vmem>>
            %dma_start3A_72 = tpu.memref_squeeze %dma_start3A_71 : memref<1x128xi32, #tpu.memory_space<vmem>> -> memref<128xi32, #tpu.memory_space<vmem>>
            %dma_start3A_73 = arith.constant 0 : i32
            %dma_start3A_74 = arith.constant 0 : i32
            %dma_start3A_75 = tpu.memref_slice %arg10[%dma_start3A_73, %dma_start3A_74] : memref<10240x128xf32, #tpu.memory_space<vmem_shared>> -> memref<10240x128xf32, #tpu.memory_space<vmem_shared>>
            tpu.enqueue_indirect_dma source(%arg8 : memref<128x128xf32, #tpu.memory_space<vmem>>) target(%dma_start3A_75 : memref<10240x128xf32, #tpu.memory_space<vmem_shared>>) offsets(%dma_start3A_72 : memref<128xi32, #tpu.memory_space<vmem>>) semaphore(%run_scoped3A : memref<!tpu.dma_semaphore, #tpu.memory_space<semaphore_mem>>) {add = true}
            %dma_wait3A_76 = arith.constant 0 : i32
            %dma_wait3A_77 = tpu.memref_slice %arg7[%add3A_43, %dma_wait3A_76] : memref<8x128xi32, #tpu.memory_space<vmem>> -> memref<1x128xi32, #tpu.memory_space<vmem>>
            %dma_wait3A_78 = tpu.memref_squeeze %dma_wait3A_77 : memref<1x128xi32, #tpu.memory_space<vmem>> -> memref<128xi32, #tpu.memory_space<vmem>>
            %dma_wait3A_79 = arith.constant 0 : i32
            %dma_wait3A_80 = arith.constant 0 : i32
            %dma_wait3A_81 = tpu.memref_slice %arg10[%dma_wait3A_79, %dma_wait3A_80] : memref<10240x128xf32, #tpu.memory_space<vmem_shared>> -> memref<10240x128xf32, #tpu.memory_space<vmem_shared>>
            tpu.wait_indirect_dma semaphore(%run_scoped3A : memref<!tpu.dma_semaphore, #tpu.memory_space<semaphore_mem>>) src(%arg8 : memref<128x128xf32, #tpu.memory_space<vmem>>) dst(%dma_wait3A_81 : memref<10240x128xf32, #tpu.memory_space<vmem_shared>>)
            tpu.yield
          }) : () -> ()
          %dma_wait3A_62 = arith.constant 0 : i32
          %dma_wait3A_63 = tpu.memref_slice %arg6[%add3A_50, %dma_wait3A_62] : memref<8x128xi32, #tpu.memory_space<vmem>> -> memref<1x128xi32, #tpu.memory_space<vmem>>
          %dma_wait3A_64 = tpu.memref_squeeze %dma_wait3A_63 : memref<1x128xi32, #tpu.memory_space<vmem>> -> memref<128xi32, #tpu.memory_space<vmem>>
          %dma_wait3A_65 = arith.constant 0 : i32
          %dma_wait3A_66 = arith.constant 0 : i32
          %dma_wait3A_67 = tpu.memref_slice %arg2[%dma_wait3A_65, %dma_wait3A_66] : memref<10000x128xf32, #tpu.memory_space<hbm>> -> memref<10000x128xf32, #tpu.memory_space<hbm>>
          tpu.wait_indirect_dma semaphore(%arg12 : memref<!tpu.dma_semaphore, #tpu.memory_space<semaphore_mem>>) src(%dma_wait3A_67 : memref<10000x128xf32, #tpu.memory_space<hbm>>) dst(%arg9 : memref<128x128xf32, #tpu.memory_space<vmem>>)
          %add3A_68 = arith.constant 1 : i32
          %add3A_69 = arith.addi %add3A_43, %add3A_68 : i32
          "tpu.region"() ({
            %run_scoped3A = tpu.sem_alloc : memref<!tpu.dma_semaphore, #tpu.memory_space<semaphore_mem>>
            %dma_start3A_70 = arith.constant 0 : i32
            %dma_start3A_71 = tpu.memref_slice %arg7[%add3A_69, %dma_start3A_70] : memref<8x128xi32, #tpu.memory_space<vmem>> -> memref<1x128xi32, #tpu.memory_space<vmem>>
            %dma_start3A_72 = tpu.memref_squeeze %dma_start3A_71 : memref<1x128xi32, #tpu.memory_space<vmem>> -> memref<128xi32, #tpu.memory_space<vmem>>
            %dma_start3A_73 = arith.constant 0 : i32
            %dma_start3A_74 = arith.constant 0 : i32
            %dma_start3A_75 = tpu.memref_slice %arg10[%dma_start3A_73, %dma_start3A_74] : memref<10240x128xf32, #tpu.memory_space<vmem_shared>> -> memref<10240x128xf32, #tpu.memory_space<vmem_shared>>
            tpu.enqueue_indirect_dma source(%arg9 : memref<128x128xf32, #tpu.memory_space<vmem>>) target(%dma_start3A_75 : memref<10240x128xf32, #tpu.memory_space<vmem_shared>>) offsets(%dma_start3A_72 : memref<128xi32, #tpu.memory_space<vmem>>) semaphore(%run_scoped3A : memref<!tpu.dma_semaphore, #tpu.memory_space<semaphore_mem>>) {add = true}
            %dma_wait3A_76 = arith.constant 0 : i32
            %dma_wait3A_77 = tpu.memref_slice %arg7[%add3A_69, %dma_wait3A_76] : memref<8x128xi32, #tpu.memory_space<vmem>> -> memref<1x128xi32, #tpu.memory_space<vmem>>
            %dma_wait3A_78 = tpu.memref_squeeze %dma_wait3A_77 : memref<1x128xi32, #tpu.memory_space<vmem>> -> memref<128xi32, #tpu.memory_space<vmem>>
            %dma_wait3A_79 = arith.constant 0 : i32
            %dma_wait3A_80 = arith.constant 0 : i32
            %dma_wait3A_81 = tpu.memref_slice %arg10[%dma_wait3A_79, %dma_wait3A_80] : memref<10240x128xf32, #tpu.memory_space<vmem_shared>> -> memref<10240x128xf32, #tpu.memory_space<vmem_shared>>
            tpu.wait_indirect_dma semaphore(%run_scoped3A : memref<!tpu.dma_semaphore, #tpu.memory_space<semaphore_mem>>) src(%arg9 : memref<128x128xf32, #tpu.memory_space<vmem>>) dst(%dma_wait3A_81 : memref<10240x128xf32, #tpu.memory_space<vmem_shared>>)
            tpu.yield
          }) : () -> ()
        }
        %scan3A_38 = arith.constant 4 : i32
      }
      %scan3A_27 = arith.constant 19 : i32
    } else {
    }
    %eq3A_11 = arith.constant 1 : i32
    %eq3A_12 = arith.cmpi eq, %arg0, %eq3A_11 : i32
    %convert_element_type3A_13 = arith.extui %eq3A_12 : i1 to i32
    %cond3A_14 = arith.constant 0 : i32
    %cond3A_15 = arith.cmpi ne, %convert_element_type3A_13, %cond3A_14 : i32
    scf.if %cond3A_15 {
      %mul3A = arith.constant 8 : i32
      %mul3A_22 = arith.muli %arg1, %mul3A : i32
      %add3A = arith.constant 2432 : i32
      %add3A_23 = arith.addi %add3A, %mul3A_22 : i32
      %scan3A_24 = arith.constant 0 : i32
      %mul3A_25 = arith.constant 8 : i32
      %mul3A_26 = arith.muli %scan3A_24, %mul3A_25 : i32
      %add3A_27 = arith.constant 0 : i32
      %add3A_28 = arith.addi %add3A_27, %mul3A_26 : i32
      %add3A_29 = arith.addi %add3A_23, %add3A_28 : i32
      "tpu.region"() ({
        %run_scoped3A = tpu.sem_alloc : memref<!tpu.dma_semaphore, #tpu.memory_space<semaphore_mem>>
        %dma_start3A = arith.constant 0 : i32
        %dma_start3A_37 = tpu.memref_slice %arg3[%add3A_29, %dma_start3A] : memref<2560x128xi32, #tpu.memory_space<hbm>> -> memref<8x128xi32, #tpu.memory_space<hbm>>
        %dma_start3A_38 = arith.constant 0 : i32
        %dma_start3A_39 = tpu.memref_slice %arg3[%add3A_29, %dma_start3A_38] : memref<2560x128xi32, #tpu.memory_space<hbm>> -> memref<8x128xi32, #tpu.memory_space<hbm>>
        tpu.enqueue_dma source(%dma_start3A_39 : memref<8x128xi32, #tpu.memory_space<hbm>>) target(%arg6 : memref<8x128xi32, #tpu.memory_space<vmem>>) target_semaphore(%run_scoped3A : memref<!tpu.dma_semaphore, #tpu.memory_space<semaphore_mem>>)
        %dma_wait3A = arith.constant 0 : i32
        %dma_wait3A_40 = tpu.memref_slice %arg3[%add3A_29, %dma_wait3A] : memref<2560x128xi32, #tpu.memory_space<hbm>> -> memref<8x128xi32, #tpu.memory_space<hbm>>
        %dma_wait3A_41 = arith.constant 0 : i32
        %dma_wait3A_42 = tpu.memref_slice %arg3[%add3A_29, %dma_wait3A_41] : memref<2560x128xi32, #tpu.memory_space<hbm>> -> memref<8x128xi32, #tpu.memory_space<hbm>>
        tpu.wait_dma2 semaphore(%run_scoped3A : memref<!tpu.dma_semaphore, #tpu.memory_space<semaphore_mem>>) src(%dma_wait3A_42 : memref<8x128xi32, #tpu.memory_space<hbm>>) dst(%arg6 : memref<8x128xi32, #tpu.memory_space<vmem>>)
        tpu.yield
      }) : () -> ()
      %add3A_30 = arith.addi %add3A_23, %add3A_28 : i32
      "tpu.region"() ({
        %run_scoped3A = tpu.sem_alloc : memref<!tpu.dma_semaphore, #tpu.memory_space<semaphore_mem>>
        %dma_start3A = arith.constant 0 : i32
        %dma_start3A_37 = tpu.memref_slice %arg4[%add3A_30, %dma_start3A] : memref<2560x128xi32, #tpu.memory_space<hbm>> -> memref<8x128xi32, #tpu.memory_space<hbm>>
        %dma_start3A_38 = arith.constant 0 : i32
        %dma_start3A_39 = tpu.memref_slice %arg4[%add3A_30, %dma_start3A_38] : memref<2560x128xi32, #tpu.memory_space<hbm>> -> memref<8x128xi32, #tpu.memory_space<hbm>>
        tpu.enqueue_dma source(%dma_start3A_39 : memref<8x128xi32, #tpu.memory_space<hbm>>) target(%arg7 : memref<8x128xi32, #tpu.memory_space<vmem>>) target_semaphore(%run_scoped3A : memref<!tpu.dma_semaphore, #tpu.memory_space<semaphore_mem>>)
        %dma_wait3A = arith.constant 0 : i32
        %dma_wait3A_40 = tpu.memref_slice %arg4[%add3A_30, %dma_wait3A] : memref<2560x128xi32, #tpu.memory_space<hbm>> -> memref<8x128xi32, #tpu.memory_space<hbm>>
        %dma_wait3A_41 = arith.constant 0 : i32
        %dma_wait3A_42 = tpu.memref_slice %arg4[%add3A_30, %dma_wait3A_41] : memref<2560x128xi32, #tpu.memory_space<hbm>> -> memref<8x128xi32, #tpu.memory_space<hbm>>
        tpu.wait_dma2 semaphore(%run_scoped3A : memref<!tpu.dma_semaphore, #tpu.memory_space<semaphore_mem>>) src(%dma_wait3A_42 : memref<8x128xi32, #tpu.memory_space<hbm>>) dst(%arg7 : memref<8x128xi32, #tpu.memory_space<vmem>>)
        tpu.yield
      }) : () -> ()
      %scan3A_31 = arith.constant 0 : i32
      %scan3A_32 = arith.constant 4 : i32
      %scan3A_33 = arith.addi %scan3A_31, %scan3A_32 : i32
      %scan3A_34 = arith.constant 1 : i32
      scf.for %scan3A_37 = %scan3A_31 to %scan3A_33 step %scan3A_34  : i32 {
        %mul3A_38 = arith.constant 2 : i32
        %mul3A_39 = arith.muli %scan3A_37, %mul3A_38 : i32
        %add3A_40 = arith.constant 0 : i32
        %add3A_41 = arith.addi %add3A_40, %mul3A_39 : i32
        %dma_start3A = arith.constant 0 : i32
        %dma_start3A_42 = tpu.memref_slice %arg6[%add3A_41, %dma_start3A] : memref<8x128xi32, #tpu.memory_space<vmem>> -> memref<1x128xi32, #tpu.memory_space<vmem>>
        %dma_start3A_43 = tpu.memref_squeeze %dma_start3A_42 : memref<1x128xi32, #tpu.memory_space<vmem>> -> memref<128xi32, #tpu.memory_space<vmem>>
        %dma_start3A_44 = arith.constant 0 : i32
        %dma_start3A_45 = arith.constant 0 : i32
        %dma_start3A_46 = tpu.memref_slice %arg2[%dma_start3A_44, %dma_start3A_45] : memref<10000x128xf32, #tpu.memory_space<hbm>> -> memref<10000x128xf32, #tpu.memory_space<hbm>>
        tpu.enqueue_indirect_dma source(%dma_start3A_46 : memref<10000x128xf32, #tpu.memory_space<hbm>>) target(%arg8 : memref<128x128xf32, #tpu.memory_space<vmem>>) offsets(%dma_start3A_43 : memref<128xi32, #tpu.memory_space<vmem>>) semaphore(%arg11 : memref<!tpu.dma_semaphore, #tpu.memory_space<semaphore_mem>>)
        %add3A_47 = arith.constant 1 : i32
        %add3A_48 = arith.addi %add3A_41, %add3A_47 : i32
        %dma_start3A_49 = arith.constant 0 : i32
        %dma_start3A_50 = tpu.memref_slice %arg6[%add3A_48, %dma_start3A_49] : memref<8x128xi32, #tpu.memory_space<vmem>> -> memref<1x128xi32, #tpu.memory_space<vmem>>
        %dma_start3A_51 = tpu.memref_squeeze %dma_start3A_50 : memref<1x128xi32, #tpu.memory_space<vmem>> -> memref<128xi32, #tpu.memory_space<vmem>>
        %dma_start3A_52 = arith.constant 0 : i32
        %dma_start3A_53 = arith.constant 0 : i32
        %dma_start3A_54 = tpu.memref_slice %arg2[%dma_start3A_52, %dma_start3A_53] : memref<10000x128xf32, #tpu.memory_space<hbm>> -> memref<10000x128xf32, #tpu.memory_space<hbm>>
        tpu.enqueue_indirect_dma source(%dma_start3A_54 : memref<10000x128xf32, #tpu.memory_space<hbm>>) target(%arg9 : memref<128x128xf32, #tpu.memory_space<vmem>>) offsets(%dma_start3A_51 : memref<128xi32, #tpu.memory_space<vmem>>) semaphore(%arg12 : memref<!tpu.dma_semaphore, #tpu.memory_space<semaphore_mem>>)
        %dma_wait3A = arith.constant 0 : i32
        %dma_wait3A_55 = tpu.memref_slice %arg6[%add3A_41, %dma_wait3A] : memref<8x128xi32, #tpu.memory_space<vmem>> -> memref<1x128xi32, #tpu.memory_space<vmem>>
        %dma_wait3A_56 = tpu.memref_squeeze %dma_wait3A_55 : memref<1x128xi32, #tpu.memory_space<vmem>> -> memref<128xi32, #tpu.memory_space<vmem>>
        %dma_wait3A_57 = arith.constant 0 : i32
        %dma_wait3A_58 = arith.constant 0 : i32
        %dma_wait3A_59 = tpu.memref_slice %arg2[%dma_wait3A_57, %dma_wait3A_58] : memref<10000x128xf32, #tpu.memory_space<hbm>> -> memref<10000x128xf32, #tpu.memory_space<hbm>>
        tpu.wait_indirect_dma semaphore(%arg11 : memref<!tpu.dma_semaphore, #tpu.memory_space<semaphore_mem>>) src(%dma_wait3A_59 : memref<10000x128xf32, #tpu.memory_space<hbm>>) dst(%arg8 : memref<128x128xf32, #tpu.memory_space<vmem>>)
        "tpu.region"() ({
          %run_scoped3A = tpu.sem_alloc : memref<!tpu.dma_semaphore, #tpu.memory_space<semaphore_mem>>
          %dma_start3A_68 = arith.constant 0 : i32
          %dma_start3A_69 = tpu.memref_slice %arg7[%add3A_41, %dma_start3A_68] : memref<8x128xi32, #tpu.memory_space<vmem>> -> memref<1x128xi32, #tpu.memory_space<vmem>>
          %dma_start3A_70 = tpu.memref_squeeze %dma_start3A_69 : memref<1x128xi32, #tpu.memory_space<vmem>> -> memref<128xi32, #tpu.memory_space<vmem>>
          %dma_start3A_71 = arith.constant 0 : i32
          %dma_start3A_72 = arith.constant 0 : i32
          %dma_start3A_73 = tpu.memref_slice %arg10[%dma_start3A_71, %dma_start3A_72] : memref<10240x128xf32, #tpu.memory_space<vmem_shared>> -> memref<10240x128xf32, #tpu.memory_space<vmem_shared>>
          tpu.enqueue_indirect_dma source(%arg8 : memref<128x128xf32, #tpu.memory_space<vmem>>) target(%dma_start3A_73 : memref<10240x128xf32, #tpu.memory_space<vmem_shared>>) offsets(%dma_start3A_70 : memref<128xi32, #tpu.memory_space<vmem>>) semaphore(%run_scoped3A : memref<!tpu.dma_semaphore, #tpu.memory_space<semaphore_mem>>) {add = true}
          %dma_wait3A_74 = arith.constant 0 : i32
          %dma_wait3A_75 = tpu.memref_slice %arg7[%add3A_41, %dma_wait3A_74] : memref<8x128xi32, #tpu.memory_space<vmem>> -> memref<1x128xi32, #tpu.memory_space<vmem>>
          %dma_wait3A_76 = tpu.memref_squeeze %dma_wait3A_75 : memref<1x128xi32, #tpu.memory_space<vmem>> -> memref<128xi32, #tpu.memory_space<vmem>>
          %dma_wait3A_77 = arith.constant 0 : i32
          %dma_wait3A_78 = arith.constant 0 : i32
          %dma_wait3A_79 = tpu.memref_slice %arg10[%dma_wait3A_77, %dma_wait3A_78] : memref<10240x128xf32, #tpu.memory_space<vmem_shared>> -> memref<10240x128xf32, #tpu.memory_space<vmem_shared>>
          tpu.wait_indirect_dma semaphore(%run_scoped3A : memref<!tpu.dma_semaphore, #tpu.memory_space<semaphore_mem>>) src(%arg8 : memref<128x128xf32, #tpu.memory_space<vmem>>) dst(%dma_wait3A_79 : memref<10240x128xf32, #tpu.memory_space<vmem_shared>>)
          tpu.yield
        }) : () -> ()
        %dma_wait3A_60 = arith.constant 0 : i32
        %dma_wait3A_61 = tpu.memref_slice %arg6[%add3A_48, %dma_wait3A_60] : memref<8x128xi32, #tpu.memory_space<vmem>> -> memref<1x128xi32, #tpu.memory_space<vmem>>
        %dma_wait3A_62 = tpu.memref_squeeze %dma_wait3A_61 : memref<1x128xi32, #tpu.memory_space<vmem>> -> memref<128xi32, #tpu.memory_space<vmem>>
        %dma_wait3A_63 = arith.constant 0 : i32
        %dma_wait3A_64 = arith.constant 0 : i32
        %dma_wait3A_65 = tpu.memref_slice %arg2[%dma_wait3A_63, %dma_wait3A_64] : memref<10000x128xf32, #tpu.memory_space<hbm>> -> memref<10000x128xf32, #tpu.memory_space<hbm>>
        tpu.wait_indirect_dma semaphore(%arg12 : memref<!tpu.dma_semaphore, #tpu.memory_space<semaphore_mem>>) src(%dma_wait3A_65 : memref<10000x128xf32, #tpu.memory_space<hbm>>) dst(%arg9 : memref<128x128xf32, #tpu.memory_space<vmem>>)
        %add3A_66 = arith.constant 1 : i32
        %add3A_67 = arith.addi %add3A_41, %add3A_66 : i32
        "tpu.region"() ({
          %run_scoped3A = tpu.sem_alloc : memref<!tpu.dma_semaphore, #tpu.memory_space<semaphore_mem>>
          %dma_start3A_68 = arith.constant 0 : i32
          %dma_start3A_69 = tpu.memref_slice %arg7[%add3A_67, %dma_start3A_68] : memref<8x128xi32, #tpu.memory_space<vmem>> -> memref<1x128xi32, #tpu.memory_space<vmem>>
          %dma_start3A_70 = tpu.memref_squeeze %dma_start3A_69 : memref<1x128xi32, #tpu.memory_space<vmem>> -> memref<128xi32, #tpu.memory_space<vmem>>
          %dma_start3A_71 = arith.constant 0 : i32
          %dma_start3A_72 = arith.constant 0 : i32
          %dma_start3A_73 = tpu.memref_slice %arg10[%dma_start3A_71, %dma_start3A_72] : memref<10240x128xf32, #tpu.memory_space<vmem_shared>> -> memref<10240x128xf32, #tpu.memory_space<vmem_shared>>
          tpu.enqueue_indirect_dma source(%arg9 : memref<128x128xf32, #tpu.memory_space<vmem>>) target(%dma_start3A_73 : memref<10240x128xf32, #tpu.memory_space<vmem_shared>>) offsets(%dma_start3A_70 : memref<128xi32, #tpu.memory_space<vmem>>) semaphore(%run_scoped3A : memref<!tpu.dma_semaphore, #tpu.memory_space<semaphore_mem>>) {add = true}
          %dma_wait3A_74 = arith.constant 0 : i32
          %dma_wait3A_75 = tpu.memref_slice %arg7[%add3A_67, %dma_wait3A_74] : memref<8x128xi32, #tpu.memory_space<vmem>> -> memref<1x128xi32, #tpu.memory_space<vmem>>
          %dma_wait3A_76 = tpu.memref_squeeze %dma_wait3A_75 : memref<1x128xi32, #tpu.memory_space<vmem>> -> memref<128xi32, #tpu.memory_space<vmem>>
          %dma_wait3A_77 = arith.constant 0 : i32
          %dma_wait3A_78 = arith.constant 0 : i32
          %dma_wait3A_79 = tpu.memref_slice %arg10[%dma_wait3A_77, %dma_wait3A_78] : memref<10240x128xf32, #tpu.memory_space<vmem_shared>> -> memref<10240x128xf32, #tpu.memory_space<vmem_shared>>
          tpu.wait_indirect_dma semaphore(%run_scoped3A : memref<!tpu.dma_semaphore, #tpu.memory_space<semaphore_mem>>) src(%arg9 : memref<128x128xf32, #tpu.memory_space<vmem>>) dst(%dma_wait3A_79 : memref<10240x128xf32, #tpu.memory_space<vmem_shared>>)
          tpu.yield
        }) : () -> ()
      }
      %scan3A_35 = arith.constant 4 : i32
      %scan3A_36 = arith.constant 1 : i32
    } else {
    }
    %barrier3A_16 = arith.constant 0 : index
    tpu.barrier barrier_id(%barrier3A_16)
    %scan3A_17 = arith.constant 0 : i32
    %scan3A_18 = arith.constant 5 : i32
    %scan3A_19 = arith.addi %scan3A_17, %scan3A_18 : i32
    %scan3A_20 = arith.constant 1 : i32
    scf.for %scan3A_22 = %scan3A_17 to %scan3A_19 step %scan3A_20  : i32 {
      %mul3A = arith.constant 128 : i32
      %mul3A_23 = arith.muli %scan3A_22, %mul3A : i32
      %add3A = arith.constant 0 : i32
      %add3A_24 = arith.addi %add3A, %mul3A_23 : i32
      %mul3A_25 = arith.constant 640 : i32
      %mul3A_26 = arith.muli %arg1, %mul3A_25 : i32
      %add3A_27 = arith.addi %mul3A_26, %add3A_24 : i32
      %mul3A_28 = arith.constant 640 : i32
      %mul3A_29 = arith.muli %arg1, %mul3A_28 : i32
      %add3A_30 = arith.addi %mul3A_29, %add3A_24 : i32
      "tpu.region"() ({
        %run_scoped3A = tpu.sem_alloc : memref<!tpu.dma_semaphore, #tpu.memory_space<semaphore_mem>>
        %dma_start3A = arith.constant 0 : i32
        %dma_start3A_31 = tpu.memref_slice %arg5[%arg0, %add3A_30, %dma_start3A] : memref<2x10240x128xf32, #tpu.memory_space<hbm>> -> memref<1x128x128xf32, #tpu.memory_space<hbm>>
        %dma_start3A_32 = tpu.memref_squeeze %dma_start3A_31 : memref<1x128x128xf32, #tpu.memory_space<hbm>> -> memref<128x128xf32, #tpu.memory_space<hbm>>
        %dma_start3A_33 = arith.constant 0 : i32
        %dma_start3A_34 = tpu.memref_slice %arg10[%add3A_27, %dma_start3A_33] : memref<10240x128xf32, #tpu.memory_space<vmem_shared>> -> memref<128x128xf32, #tpu.memory_space<vmem_shared>>
        tpu.enqueue_dma source(%dma_start3A_34 : memref<128x128xf32, #tpu.memory_space<vmem_shared>>) target(%dma_start3A_32 : memref<128x128xf32, #tpu.memory_space<hbm>>) target_semaphore(%run_scoped3A : memref<!tpu.dma_semaphore, #tpu.memory_space<semaphore_mem>>)
        %dma_wait3A = arith.constant 0 : i32
        %dma_wait3A_35 = tpu.memref_slice %arg5[%arg0, %add3A_30, %dma_wait3A] : memref<2x10240x128xf32, #tpu.memory_space<hbm>> -> memref<1x128x128xf32, #tpu.memory_space<hbm>>
        %dma_wait3A_36 = tpu.memref_squeeze %dma_wait3A_35 : memref<1x128x128xf32, #tpu.memory_space<hbm>> -> memref<128x128xf32, #tpu.memory_space<hbm>>
        %dma_wait3A_37 = arith.constant 0 : i32
        %dma_wait3A_38 = tpu.memref_slice %arg10[%add3A_27, %dma_wait3A_37] : memref<10240x128xf32, #tpu.memory_space<vmem_shared>> -> memref<128x128xf32, #tpu.memory_space<vmem_shared>>
        tpu.wait_dma2 semaphore(%run_scoped3A : memref<!tpu.dma_semaphore, #tpu.memory_space<semaphore_mem>>) src(%dma_wait3A_38 : memref<128x128xf32, #tpu.memory_space<vmem_shared>>) dst(%dma_wait3A_36 : memref<128x128xf32, #tpu.memory_space<hbm>>)
        tpu.yield
      }) : () -> ()
    }
    %scan3A_21 = arith.constant 5 : i32
    return
  }
}

#map = affine_map<(d0, d1) -> (0, 0)>
#map1 = affine_map<(d0, d1) -> (0, 0, 0)>
module attributes {stable_mosaic.version = 14 : i64} {
  func.func @k(%arg0: i32, %arg1: i32, %arg2: memref<10000x128xf32, #tpu.memory_space<hbm>>, %arg3: memref<2560x128xi32, #tpu.memory_space<hbm>>, %arg4: memref<2560x128xi32, #tpu.memory_space<hbm>>, %arg5: memref<2x10240x128xf32, #tpu.memory_space<hbm>>, %arg6: memref<8x128xi32, #tpu.memory_space<vmem>>, %arg7: memref<8x128xi32, #tpu.memory_space<vmem>>, %arg8: memref<128x128xf32, #tpu.memory_space<vmem>>, %arg9: memref<128x128xf32, #tpu.memory_space<vmem>>, %arg10: memref<10240x128xf32, #tpu.memory_space<vmem_shared>>, %arg11: memref<!tpu.dma_semaphore, #tpu.memory_space<semaphore_mem>>, %arg12: memref<!tpu.dma_semaphore, #tpu.memory_space<semaphore_mem>>) attributes {dimension_semantics = [#tpu.dimension_semantics<core_parallel>, #tpu.dimension_semantics<subcore_parallel>], iteration_bounds = array<i64: 2, 16>, scalar_prefetch = 0 : i64, scratch_operands = 7 : i64, tpu.core_type = #tpu.core_type<sc_vector_subcore>, window_params = [{transform_indices = #map}, {transform_indices = #map}, {transform_indices = #map}, {transform_indices = #map1}]} {
    %scan3A = arith.constant 0 : i32
    %scan3A_0 = arith.constant 128 : i32
    %scan3A_1 = arith.addi %scan3A, %scan3A_0 : i32
    %scan3A_2 = arith.constant 1 : i32
    scf.for %scan3A_22 = %scan3A to %scan3A_1 step %scan3A_2  : i32 {
      %mul3A = arith.constant 1 : i32
      %mul3A_23 = arith.muli %scan3A_22, %mul3A : i32
      %add3A = arith.constant 0 : i32
      %add3A_24 = arith.addi %add3A, %mul3A_23 : i32
      %scan3A_25 = arith.constant 0 : i32
      %scan3A_26 = arith.constant 8 : i32
      %scan3A_27 = arith.addi %scan3A_25, %scan3A_26 : i32
      %scan3A_28 = arith.constant 1 : i32
      scf.for %scan3A_30 = %scan3A_25 to %scan3A_27 step %scan3A_28  : i32 {
        %mul3A_31 = arith.constant 16 : i32
        %mul3A_32 = arith.muli %scan3A_30, %mul3A_31 : i32
        %add3A_33 = arith.constant 0 : i32
        %add3A_34 = arith.addi %add3A_33, %mul3A_32 : i32
        %broadcast_in_dim3A = arith.constant 0.000000e+00 : f32
        %broadcast_in_dim3A_35 = vector.broadcast %broadcast_in_dim3A : f32 to vector<16xf32>
        %swap3A = arith.index_cast %add3A_24 : i32 to index
        %swap3A_36 = arith.index_cast %add3A_34 : i32 to index
        %swap3A_37 = tpu.vector_load %arg8[%swap3A, %swap3A_36] {strides = array<i32>} : memref<128x128xf32, #tpu.memory_space<vmem>>, vector<1x16xf32>,
        %swap3A_38 = vector.shape_cast %swap3A_37 : vector<1x16xf32> to vector<16xf32>
        %swap3A_39 = vector.shape_cast %broadcast_in_dim3A_35 : vector<16xf32> to vector<1x16xf32>
        tpu.vector_store %arg8[%swap3A, %swap3A_36], %swap3A_39 {strides = array<i32>} : memref<128x128xf32, #tpu.memory_space<vmem>>, vector<1x16xf32>,
      }
      %scan3A_29 = arith.constant 8 : i32
    }
    %scan3A_3 = arith.constant 128 : i32
    %scan3A_4 = arith.constant 0 : i32
    %scan3A_5 = arith.constant 5 : i32
    %scan3A_6 = arith.addi %scan3A_4, %scan3A_5 : i32
    %scan3A_7 = arith.constant 1 : i32
    scf.for %scan3A_22 = %scan3A_4 to %scan3A_6 step %scan3A_7  : i32 {
      %mul3A = arith.constant 128 : i32
      %mul3A_23 = arith.muli %scan3A_22, %mul3A : i32
      %add3A = arith.constant 0 : i32
      %add3A_24 = arith.addi %add3A, %mul3A_23 : i32
      %mul3A_25 = arith.constant 640 : i32
      %mul3A_26 = arith.muli %arg1, %mul3A_25 : i32
      %add3A_27 = arith.addi %mul3A_26, %add3A_24 : i32
      "tpu.region"() ({
        %run_scoped3A = tpu.sem_alloc : memref<!tpu.dma_semaphore, #tpu.memory_space<semaphore_mem>>
        %dma_start3A = arith.constant 0 : i32
        %dma_start3A_28 = tpu.memref_slice %arg10[%add3A_27, %dma_start3A] : memref<10240x128xf32, #tpu.memory_space<vmem_shared>> -> memref<128x128xf32, #tpu.memory_space<vmem_shared>>
        %dma_start3A_29 = arith.constant 0 : i32
        %dma_start3A_30 = tpu.memref_slice %arg10[%add3A_27, %dma_start3A_29] : memref<10240x128xf32, #tpu.memory_space<vmem_shared>> -> memref<128x128xf32, #tpu.memory_space<vmem_shared>>
        tpu.enqueue_dma source(%arg8 : memref<128x128xf32, #tpu.memory_space<vmem>>) target(%dma_start3A_30 : memref<128x128xf32, #tpu.memory_space<vmem_shared>>) target_semaphore(%run_scoped3A : memref<!tpu.dma_semaphore, #tpu.memory_space<semaphore_mem>>)
        %dma_wait3A = arith.constant 0 : i32
        %dma_wait3A_31 = tpu.memref_slice %arg10[%add3A_27, %dma_wait3A] : memref<10240x128xf32, #tpu.memory_space<vmem_shared>> -> memref<128x128xf32, #tpu.memory_space<vmem_shared>>
        %dma_wait3A_32 = arith.constant 0 : i32
        %dma_wait3A_33 = tpu.memref_slice %arg10[%add3A_27, %dma_wait3A_32] : memref<10240x128xf32, #tpu.memory_space<vmem_shared>> -> memref<128x128xf32, #tpu.memory_space<vmem_shared>>
        tpu.wait_dma2 semaphore(%run_scoped3A : memref<!tpu.dma_semaphore, #tpu.memory_space<semaphore_mem>>) src(%arg8 : memref<128x128xf32, #tpu.memory_space<vmem>>) dst(%dma_wait3A_33 : memref<128x128xf32, #tpu.memory_space<vmem_shared>>)
        tpu.yield
      }) : () -> ()
    }
    %scan3A_8 = arith.constant 5 : i32
    %barrier3A = arith.constant 0 : index
    tpu.barrier barrier_id(%barrier3A)
    %eq3A = arith.constant 0 : i32
    %eq3A_9 = arith.cmpi eq, %arg0, %eq3A : i32
    %convert_element_type3A = arith.extui %eq3A_9 : i1 to i32
    %cond3A = arith.constant 0 : i32
    %cond3A_10 = arith.cmpi ne, %convert_element_type3A, %cond3A : i32
    scf.if %cond3A_10 {
      %mul3A = arith.constant 152 : i32
      %mul3A_22 = arith.muli %arg1, %mul3A : i32
      %scan3A_23 = arith.constant 0 : i32
      %scan3A_24 = arith.constant 19 : i32
      %scan3A_25 = arith.addi %scan3A_23, %scan3A_24 : i32
      %scan3A_26 = arith.constant 1 : i32
      scf.for %scan3A_28 = %scan3A_23 to %scan3A_25 step %scan3A_26  : i32 {
        %mul3A_29 = arith.constant 8 : i32
        %mul3A_30 = arith.muli %scan3A_28, %mul3A_29 : i32
        %add3A = arith.constant 0 : i32
        %add3A_31 = arith.addi %add3A, %mul3A_30 : i32
        %add3A_32 = arith.addi %mul3A_22, %add3A_31 : i32
        "tpu.region"() ({
          %run_scoped3A = tpu.sem_alloc : memref<!tpu.dma_semaphore, #tpu.memory_space<semaphore_mem>>
          %dma_start3A = arith.constant 0 : i32
          %dma_start3A_39 = tpu.memref_slice %arg3[%add3A_32, %dma_start3A] : memref<2560x128xi32, #tpu.memory_space<hbm>> -> memref<8x128xi32, #tpu.memory_space<hbm>>
          %dma_start3A_40 = arith.constant 0 : i32
          %dma_start3A_41 = tpu.memref_slice %arg3[%add3A_32, %dma_start3A_40] : memref<2560x128xi32, #tpu.memory_space<hbm>> -> memref<8x128xi32, #tpu.memory_space<hbm>>
          tpu.enqueue_dma source(%dma_start3A_41 : memref<8x128xi32, #tpu.memory_space<hbm>>) target(%arg6 : memref<8x128xi32, #tpu.memory_space<vmem>>) target_semaphore(%run_scoped3A : memref<!tpu.dma_semaphore, #tpu.memory_space<semaphore_mem>>)
          %dma_wait3A = arith.constant 0 : i32
          %dma_wait3A_42 = tpu.memref_slice %arg3[%add3A_32, %dma_wait3A] : memref<2560x128xi32, #tpu.memory_space<hbm>> -> memref<8x128xi32, #tpu.memory_space<hbm>>
          %dma_wait3A_43 = arith.constant 0 : i32
          %dma_wait3A_44 = tpu.memref_slice %arg3[%add3A_32, %dma_wait3A_43] : memref<2560x128xi32, #tpu.memory_space<hbm>> -> memref<8x128xi32, #tpu.memory_space<hbm>>
          tpu.wait_dma2 semaphore(%run_scoped3A : memref<!tpu.dma_semaphore, #tpu.memory_space<semaphore_mem>>) src(%dma_wait3A_44 : memref<8x128xi32, #tpu.memory_space<hbm>>) dst(%arg6 : memref<8x128xi32, #tpu.memory_space<vmem>>)
          tpu.yield
        }) : () -> ()
        %add3A_33 = arith.addi %mul3A_22, %add3A_31 : i32
        "tpu.region"() ({
          %run_scoped3A = tpu.sem_alloc : memref<!tpu.dma_semaphore, #tpu.memory_space<semaphore_mem>>
          %dma_start3A = arith.constant 0 : i32
          %dma_start3A_39 = tpu.memref_slice %arg4[%add3A_33, %dma_start3A] : memref<2560x128xi32, #tpu.memory_space<hbm>> -> memref<8x128xi32, #tpu.memory_space<hbm>>
          %dma_start3A_40 = arith.constant 0 : i32
          %dma_start3A_41 = tpu.memref_slice %arg4[%add3A_33, %dma_start3A_40] : memref<2560x128xi32, #tpu.memory_space<hbm>> -> memref<8x128xi32, #tpu.memory_space<hbm>>
          tpu.enqueue_dma source(%dma_start3A_41 : memref<8x128xi32, #tpu.memory_space<hbm>>) target(%arg7 : memref<8x128xi32, #tpu.memory_space<vmem>>) target_semaphore(%run_scoped3A : memref<!tpu.dma_semaphore, #tpu.memory_space<semaphore_mem>>)
          %dma_wait3A = arith.constant 0 : i32
          %dma_wait3A_42 = tpu.memref_slice %arg4[%add3A_33, %dma_wait3A] : memref<2560x128xi32, #tpu.memory_space<hbm>> -> memref<8x128xi32, #tpu.memory_space<hbm>>
          %dma_wait3A_43 = arith.constant 0 : i32
          %dma_wait3A_44 = tpu.memref_slice %arg4[%add3A_33, %dma_wait3A_43] : memref<2560x128xi32, #tpu.memory_space<hbm>> -> memref<8x128xi32, #tpu.memory_space<hbm>>
          tpu.wait_dma2 semaphore(%run_scoped3A : memref<!tpu.dma_semaphore, #tpu.memory_space<semaphore_mem>>) src(%dma_wait3A_44 : memref<8x128xi32, #tpu.memory_space<hbm>>) dst(%arg7 : memref<8x128xi32, #tpu.memory_space<vmem>>)
          tpu.yield
        }) : () -> ()
        %scan3A_34 = arith.constant 0 : i32
        %scan3A_35 = arith.constant 4 : i32
        %scan3A_36 = arith.addi %scan3A_34, %scan3A_35 : i32
        %scan3A_37 = arith.constant 1 : i32
        scf.for %scan3A_39 = %scan3A_34 to %scan3A_36 step %scan3A_37  : i32 {
          %mul3A_40 = arith.constant 2 : i32
          %mul3A_41 = arith.muli %scan3A_39, %mul3A_40 : i32
          %add3A_42 = arith.constant 0 : i32
          %add3A_43 = arith.addi %add3A_42, %mul3A_41 : i32
          %dma_start3A = arith.constant 0 : i32
          %dma_start3A_44 = tpu.memref_slice %arg6[%add3A_43, %dma_start3A] : memref<8x128xi32, #tpu.memory_space<vmem>> -> memref<1x128xi32, #tpu.memory_space<vmem>>
          %dma_start3A_45 = tpu.memref_squeeze %dma_start3A_44 : memref<1x128xi32, #tpu.memory_space<vmem>> -> memref<128xi32, #tpu.memory_space<vmem>>
          %dma_start3A_46 = arith.constant 0 : i32
          %dma_start3A_47 = arith.constant 0 : i32
          %dma_start3A_48 = tpu.memref_slice %arg2[%dma_start3A_46, %dma_start3A_47] : memref<10000x128xf32, #tpu.memory_space<hbm>> -> memref<10000x128xf32, #tpu.memory_space<hbm>>
          tpu.enqueue_indirect_dma source(%dma_start3A_48 : memref<10000x128xf32, #tpu.memory_space<hbm>>) target(%arg8 : memref<128x128xf32, #tpu.memory_space<vmem>>) offsets(%dma_start3A_45 : memref<128xi32, #tpu.memory_space<vmem>>) semaphore(%arg11 : memref<!tpu.dma_semaphore, #tpu.memory_space<semaphore_mem>>)
          %add3A_49 = arith.constant 1 : i32
          %add3A_50 = arith.addi %add3A_43, %add3A_49 : i32
          %dma_start3A_51 = arith.constant 0 : i32
          %dma_start3A_52 = tpu.memref_slice %arg6[%add3A_50, %dma_start3A_51] : memref<8x128xi32, #tpu.memory_space<vmem>> -> memref<1x128xi32, #tpu.memory_space<vmem>>
          %dma_start3A_53 = tpu.memref_squeeze %dma_start3A_52 : memref<1x128xi32, #tpu.memory_space<vmem>> -> memref<128xi32, #tpu.memory_space<vmem>>
          %dma_start3A_54 = arith.constant 0 : i32
          %dma_start3A_55 = arith.constant 0 : i32
          %dma_start3A_56 = tpu.memref_slice %arg2[%dma_start3A_54, %dma_start3A_55] : memref<10000x128xf32, #tpu.memory_space<hbm>> -> memref<10000x128xf32, #tpu.memory_space<hbm>>
          tpu.enqueue_indirect_dma source(%dma_start3A_56 : memref<10000x128xf32, #tpu.memory_space<hbm>>) target(%arg9 : memref<128x128xf32, #tpu.memory_space<vmem>>) offsets(%dma_start3A_53 : memref<128xi32, #tpu.memory_space<vmem>>) semaphore(%arg12 : memref<!tpu.dma_semaphore, #tpu.memory_space<semaphore_mem>>)
          %dma_wait3A = arith.constant 0 : i32
          %dma_wait3A_57 = tpu.memref_slice %arg6[%add3A_43, %dma_wait3A] : memref<8x128xi32, #tpu.memory_space<vmem>> -> memref<1x128xi32, #tpu.memory_space<vmem>>
          %dma_wait3A_58 = tpu.memref_squeeze %dma_wait3A_57 : memref<1x128xi32, #tpu.memory_space<vmem>> -> memref<128xi32, #tpu.memory_space<vmem>>
          %dma_wait3A_59 = arith.constant 0 : i32
          %dma_wait3A_60 = arith.constant 0 : i32
          %dma_wait3A_61 = tpu.memref_slice %arg2[%dma_wait3A_59, %dma_wait3A_60] : memref<10000x128xf32, #tpu.memory_space<hbm>> -> memref<10000x128xf32, #tpu.memory_space<hbm>>
          tpu.wait_indirect_dma semaphore(%arg11 : memref<!tpu.dma_semaphore, #tpu.memory_space<semaphore_mem>>) src(%dma_wait3A_61 : memref<10000x128xf32, #tpu.memory_space<hbm>>) dst(%arg8 : memref<128x128xf32, #tpu.memory_space<vmem>>)
          "tpu.region"() ({
            %run_scoped3A = tpu.sem_alloc : memref<!tpu.dma_semaphore, #tpu.memory_space<semaphore_mem>>
            %dma_start3A_70 = arith.constant 0 : i32
            %dma_start3A_71 = tpu.memref_slice %arg7[%add3A_43, %dma_start3A_70] : memref<8x128xi32, #tpu.memory_space<vmem>> -> memref<1x128xi32, #tpu.memory_space<vmem>>
            %dma_start3A_72 = tpu.memref_squeeze %dma_start3A_71 : memref<1x128xi32, #tpu.memory_space<vmem>> -> memref<128xi32, #tpu.memory_space<vmem>>
            %dma_start3A_73 = arith.constant 0 : i32
            %dma_start3A_74 = arith.constant 0 : i32
            %dma_start3A_75 = tpu.memref_slice %arg10[%dma_start3A_73, %dma_start3A_74] : memref<10240x128xf32, #tpu.memory_space<vmem_shared>> -> memref<10240x128xf32, #tpu.memory_space<vmem_shared>>
            tpu.enqueue_indirect_dma source(%arg8 : memref<128x128xf32, #tpu.memory_space<vmem>>) target(%dma_start3A_75 : memref<10240x128xf32, #tpu.memory_space<vmem_shared>>) offsets(%dma_start3A_72 : memref<128xi32, #tpu.memory_space<vmem>>) semaphore(%run_scoped3A : memref<!tpu.dma_semaphore, #tpu.memory_space<semaphore_mem>>) {add = true}
            %dma_wait3A_76 = arith.constant 0 : i32
            %dma_wait3A_77 = tpu.memref_slice %arg7[%add3A_43, %dma_wait3A_76] : memref<8x128xi32, #tpu.memory_space<vmem>> -> memref<1x128xi32, #tpu.memory_space<vmem>>
            %dma_wait3A_78 = tpu.memref_squeeze %dma_wait3A_77 : memref<1x128xi32, #tpu.memory_space<vmem>> -> memref<128xi32, #tpu.memory_space<vmem>>
            %dma_wait3A_79 = arith.constant 0 : i32
            %dma_wait3A_80 = arith.constant 0 : i32
            %dma_wait3A_81 = tpu.memref_slice %arg10[%dma_wait3A_79, %dma_wait3A_80] : memref<10240x128xf32, #tpu.memory_space<vmem_shared>> -> memref<10240x128xf32, #tpu.memory_space<vmem_shared>>
            tpu.wait_indirect_dma semaphore(%run_scoped3A : memref<!tpu.dma_semaphore, #tpu.memory_space<semaphore_mem>>) src(%arg8 : memref<128x128xf32, #tpu.memory_space<vmem>>) dst(%dma_wait3A_81 : memref<10240x128xf32, #tpu.memory_space<vmem_shared>>)
            tpu.yield
          }) : () -> ()
          %dma_wait3A_62 = arith.constant 0 : i32
          %dma_wait3A_63 = tpu.memref_slice %arg6[%add3A_50, %dma_wait3A_62] : memref<8x128xi32, #tpu.memory_space<vmem>> -> memref<1x128xi32, #tpu.memory_space<vmem>>
          %dma_wait3A_64 = tpu.memref_squeeze %dma_wait3A_63 : memref<1x128xi32, #tpu.memory_space<vmem>> -> memref<128xi32, #tpu.memory_space<vmem>>
          %dma_wait3A_65 = arith.constant 0 : i32
          %dma_wait3A_66 = arith.constant 0 : i32
          %dma_wait3A_67 = tpu.memref_slice %arg2[%dma_wait3A_65, %dma_wait3A_66] : memref<10000x128xf32, #tpu.memory_space<hbm>> -> memref<10000x128xf32, #tpu.memory_space<hbm>>
          tpu.wait_indirect_dma semaphore(%arg12 : memref<!tpu.dma_semaphore, #tpu.memory_space<semaphore_mem>>) src(%dma_wait3A_67 : memref<10000x128xf32, #tpu.memory_space<hbm>>) dst(%arg9 : memref<128x128xf32, #tpu.memory_space<vmem>>)
          %add3A_68 = arith.constant 1 : i32
          %add3A_69 = arith.addi %add3A_43, %add3A_68 : i32
          "tpu.region"() ({
            %run_scoped3A = tpu.sem_alloc : memref<!tpu.dma_semaphore, #tpu.memory_space<semaphore_mem>>
            %dma_start3A_70 = arith.constant 0 : i32
            %dma_start3A_71 = tpu.memref_slice %arg7[%add3A_69, %dma_start3A_70] : memref<8x128xi32, #tpu.memory_space<vmem>> -> memref<1x128xi32, #tpu.memory_space<vmem>>
            %dma_start3A_72 = tpu.memref_squeeze %dma_start3A_71 : memref<1x128xi32, #tpu.memory_space<vmem>> -> memref<128xi32, #tpu.memory_space<vmem>>
            %dma_start3A_73 = arith.constant 0 : i32
            %dma_start3A_74 = arith.constant 0 : i32
            %dma_start3A_75 = tpu.memref_slice %arg10[%dma_start3A_73, %dma_start3A_74] : memref<10240x128xf32, #tpu.memory_space<vmem_shared>> -> memref<10240x128xf32, #tpu.memory_space<vmem_shared>>
            tpu.enqueue_indirect_dma source(%arg9 : memref<128x128xf32, #tpu.memory_space<vmem>>) target(%dma_start3A_75 : memref<10240x128xf32, #tpu.memory_space<vmem_shared>>) offsets(%dma_start3A_72 : memref<128xi32, #tpu.memory_space<vmem>>) semaphore(%run_scoped3A : memref<!tpu.dma_semaphore, #tpu.memory_space<semaphore_mem>>) {add = true}
            %dma_wait3A_76 = arith.constant 0 : i32
            %dma_wait3A_77 = tpu.memref_slice %arg7[%add3A_69, %dma_wait3A_76] : memref<8x128xi32, #tpu.memory_space<vmem>> -> memref<1x128xi32, #tpu.memory_space<vmem>>
            %dma_wait3A_78 = tpu.memref_squeeze %dma_wait3A_77 : memref<1x128xi32, #tpu.memory_space<vmem>> -> memref<128xi32, #tpu.memory_space<vmem>>
            %dma_wait3A_79 = arith.constant 0 : i32
            %dma_wait3A_80 = arith.constant 0 : i32
            %dma_wait3A_81 = tpu.memref_slice %arg10[%dma_wait3A_79, %dma_wait3A_80] : memref<10240x128xf32, #tpu.memory_space<vmem_shared>> -> memref<10240x128xf32, #tpu.memory_space<vmem_shared>>
            tpu.wait_indirect_dma semaphore(%run_scoped3A : memref<!tpu.dma_semaphore, #tpu.memory_space<semaphore_mem>>) src(%arg9 : memref<128x128xf32, #tpu.memory_space<vmem>>) dst(%dma_wait3A_81 : memref<10240x128xf32, #tpu.memory_space<vmem_shared>>)
            tpu.yield
          }) : () -> ()
        }
        %scan3A_38 = arith.constant 4 : i32
      }
      %scan3A_27 = arith.constant 19 : i32
    } else {
    }
    %eq3A_11 = arith.constant 1 : i32
    %eq3A_12 = arith.cmpi eq, %arg0, %eq3A_11 : i32
    %convert_element_type3A_13 = arith.extui %eq3A_12 : i1 to i32
    %cond3A_14 = arith.constant 0 : i32
    %cond3A_15 = arith.cmpi ne, %convert_element_type3A_13, %cond3A_14 : i32
    scf.if %cond3A_15 {
      %mul3A = arith.constant 8 : i32
      %mul3A_22 = arith.muli %arg1, %mul3A : i32
      %add3A = arith.constant 2432 : i32
      %add3A_23 = arith.addi %add3A, %mul3A_22 : i32
      %scan3A_24 = arith.constant 0 : i32
      %mul3A_25 = arith.constant 8 : i32
      %mul3A_26 = arith.muli %scan3A_24, %mul3A_25 : i32
      %add3A_27 = arith.constant 0 : i32
      %add3A_28 = arith.addi %add3A_27, %mul3A_26 : i32
      %add3A_29 = arith.addi %add3A_23, %add3A_28 : i32
      "tpu.region"() ({
        %run_scoped3A = tpu.sem_alloc : memref<!tpu.dma_semaphore, #tpu.memory_space<semaphore_mem>>
        %dma_start3A = arith.constant 0 : i32
        %dma_start3A_37 = tpu.memref_slice %arg3[%add3A_29, %dma_start3A] : memref<2560x128xi32, #tpu.memory_space<hbm>> -> memref<8x128xi32, #tpu.memory_space<hbm>>
        %dma_start3A_38 = arith.constant 0 : i32
        %dma_start3A_39 = tpu.memref_slice %arg3[%add3A_29, %dma_start3A_38] : memref<2560x128xi32, #tpu.memory_space<hbm>> -> memref<8x128xi32, #tpu.memory_space<hbm>>
        tpu.enqueue_dma source(%dma_start3A_39 : memref<8x128xi32, #tpu.memory_space<hbm>>) target(%arg6 : memref<8x128xi32, #tpu.memory_space<vmem>>) target_semaphore(%run_scoped3A : memref<!tpu.dma_semaphore, #tpu.memory_space<semaphore_mem>>)
        %dma_wait3A = arith.constant 0 : i32
        %dma_wait3A_40 = tpu.memref_slice %arg3[%add3A_29, %dma_wait3A] : memref<2560x128xi32, #tpu.memory_space<hbm>> -> memref<8x128xi32, #tpu.memory_space<hbm>>
        %dma_wait3A_41 = arith.constant 0 : i32
        %dma_wait3A_42 = tpu.memref_slice %arg3[%add3A_29, %dma_wait3A_41] : memref<2560x128xi32, #tpu.memory_space<hbm>> -> memref<8x128xi32, #tpu.memory_space<hbm>>
        tpu.wait_dma2 semaphore(%run_scoped3A : memref<!tpu.dma_semaphore, #tpu.memory_space<semaphore_mem>>) src(%dma_wait3A_42 : memref<8x128xi32, #tpu.memory_space<hbm>>) dst(%arg6 : memref<8x128xi32, #tpu.memory_space<vmem>>)
        tpu.yield
      }) : () -> ()
      %add3A_30 = arith.addi %add3A_23, %add3A_28 : i32
      "tpu.region"() ({
        %run_scoped3A = tpu.sem_alloc : memref<!tpu.dma_semaphore, #tpu.memory_space<semaphore_mem>>
        %dma_start3A = arith.constant 0 : i32
        %dma_start3A_37 = tpu.memref_slice %arg4[%add3A_30, %dma_start3A] : memref<2560x128xi32, #tpu.memory_space<hbm>> -> memref<8x128xi32, #tpu.memory_space<hbm>>
        %dma_start3A_38 = arith.constant 0 : i32
        %dma_start3A_39 = tpu.memref_slice %arg4[%add3A_30, %dma_start3A_38] : memref<2560x128xi32, #tpu.memory_space<hbm>> -> memref<8x128xi32, #tpu.memory_space<hbm>>
        tpu.enqueue_dma source(%dma_start3A_39 : memref<8x128xi32, #tpu.memory_space<hbm>>) target(%arg7 : memref<8x128xi32, #tpu.memory_space<vmem>>) target_semaphore(%run_scoped3A : memref<!tpu.dma_semaphore, #tpu.memory_space<semaphore_mem>>)
        %dma_wait3A = arith.constant 0 : i32
        %dma_wait3A_40 = tpu.memref_slice %arg4[%add3A_30, %dma_wait3A] : memref<2560x128xi32, #tpu.memory_space<hbm>> -> memref<8x128xi32, #tpu.memory_space<hbm>>
        %dma_wait3A_41 = arith.constant 0 : i32
        %dma_wait3A_42 = tpu.memref_slice %arg4[%add3A_30, %dma_wait3A_41] : memref<2560x128xi32, #tpu.memory_space<hbm>> -> memref<8x128xi32, #tpu.memory_space<hbm>>
        tpu.wait_dma2 semaphore(%run_scoped3A : memref<!tpu.dma_semaphore, #tpu.memory_space<semaphore_mem>>) src(%dma_wait3A_42 : memref<8x128xi32, #tpu.memory_space<hbm>>) dst(%arg7 : memref<8x128xi32, #tpu.memory_space<vmem>>)
        tpu.yield
      }) : () -> ()
      %scan3A_31 = arith.constant 0 : i32
      %scan3A_32 = arith.constant 4 : i32
      %scan3A_33 = arith.addi %scan3A_31, %scan3A_32 : i32
      %scan3A_34 = arith.constant 1 : i32
      scf.for %scan3A_37 = %scan3A_31 to %scan3A_33 step %scan3A_34  : i32 {
        %mul3A_38 = arith.constant 2 : i32
        %mul3A_39 = arith.muli %scan3A_37, %mul3A_38 : i32
        %add3A_40 = arith.constant 0 : i32
        %add3A_41 = arith.addi %add3A_40, %mul3A_39 : i32
        %dma_start3A = arith.constant 0 : i32
        %dma_start3A_42 = tpu.memref_slice %arg6[%add3A_41, %dma_start3A] : memref<8x128xi32, #tpu.memory_space<vmem>> -> memref<1x128xi32, #tpu.memory_space<vmem>>
        %dma_start3A_43 = tpu.memref_squeeze %dma_start3A_42 : memref<1x128xi32, #tpu.memory_space<vmem>> -> memref<128xi32, #tpu.memory_space<vmem>>
        %dma_start3A_44 = arith.constant 0 : i32
        %dma_start3A_45 = arith.constant 0 : i32
        %dma_start3A_46 = tpu.memref_slice %arg2[%dma_start3A_44, %dma_start3A_45] : memref<10000x128xf32, #tpu.memory_space<hbm>> -> memref<10000x128xf32, #tpu.memory_space<hbm>>
        tpu.enqueue_indirect_dma source(%dma_start3A_46 : memref<10000x128xf32, #tpu.memory_space<hbm>>) target(%arg8 : memref<128x128xf32, #tpu.memory_space<vmem>>) offsets(%dma_start3A_43 : memref<128xi32, #tpu.memory_space<vmem>>) semaphore(%arg11 : memref<!tpu.dma_semaphore, #tpu.memory_space<semaphore_mem>>)
        %add3A_47 = arith.constant 1 : i32
        %add3A_48 = arith.addi %add3A_41, %add3A_47 : i32
        %dma_start3A_49 = arith.constant 0 : i32
        %dma_start3A_50 = tpu.memref_slice %arg6[%add3A_48, %dma_start3A_49] : memref<8x128xi32, #tpu.memory_space<vmem>> -> memref<1x128xi32, #tpu.memory_space<vmem>>
        %dma_start3A_51 = tpu.memref_squeeze %dma_start3A_50 : memref<1x128xi32, #tpu.memory_space<vmem>> -> memref<128xi32, #tpu.memory_space<vmem>>
        %dma_start3A_52 = arith.constant 0 : i32
        %dma_start3A_53 = arith.constant 0 : i32
        %dma_start3A_54 = tpu.memref_slice %arg2[%dma_start3A_52, %dma_start3A_53] : memref<10000x128xf32, #tpu.memory_space<hbm>> -> memref<10000x128xf32, #tpu.memory_space<hbm>>
        tpu.enqueue_indirect_dma source(%dma_start3A_54 : memref<10000x128xf32, #tpu.memory_space<hbm>>) target(%arg9 : memref<128x128xf32, #tpu.memory_space<vmem>>) offsets(%dma_start3A_51 : memref<128xi32, #tpu.memory_space<vmem>>) semaphore(%arg12 : memref<!tpu.dma_semaphore, #tpu.memory_space<semaphore_mem>>)
        %dma_wait3A = arith.constant 0 : i32
        %dma_wait3A_55 = tpu.memref_slice %arg6[%add3A_41, %dma_wait3A] : memref<8x128xi32, #tpu.memory_space<vmem>> -> memref<1x128xi32, #tpu.memory_space<vmem>>
        %dma_wait3A_56 = tpu.memref_squeeze %dma_wait3A_55 : memref<1x128xi32, #tpu.memory_space<vmem>> -> memref<128xi32, #tpu.memory_space<vmem>>
        %dma_wait3A_57 = arith.constant 0 : i32
        %dma_wait3A_58 = arith.constant 0 : i32
        %dma_wait3A_59 = tpu.memref_slice %arg2[%dma_wait3A_57, %dma_wait3A_58] : memref<10000x128xf32, #tpu.memory_space<hbm>> -> memref<10000x128xf32, #tpu.memory_space<hbm>>
        tpu.wait_indirect_dma semaphore(%arg11 : memref<!tpu.dma_semaphore, #tpu.memory_space<semaphore_mem>>) src(%dma_wait3A_59 : memref<10000x128xf32, #tpu.memory_space<hbm>>) dst(%arg8 : memref<128x128xf32, #tpu.memory_space<vmem>>)
        "tpu.region"() ({
          %run_scoped3A = tpu.sem_alloc : memref<!tpu.dma_semaphore, #tpu.memory_space<semaphore_mem>>
          %dma_start3A_68 = arith.constant 0 : i32
          %dma_start3A_69 = tpu.memref_slice %arg7[%add3A_41, %dma_start3A_68] : memref<8x128xi32, #tpu.memory_space<vmem>> -> memref<1x128xi32, #tpu.memory_space<vmem>>
          %dma_start3A_70 = tpu.memref_squeeze %dma_start3A_69 : memref<1x128xi32, #tpu.memory_space<vmem>> -> memref<128xi32, #tpu.memory_space<vmem>>
          %dma_start3A_71 = arith.constant 0 : i32
          %dma_start3A_72 = arith.constant 0 : i32
          %dma_start3A_73 = tpu.memref_slice %arg10[%dma_start3A_71, %dma_start3A_72] : memref<10240x128xf32, #tpu.memory_space<vmem_shared>> -> memref<10240x128xf32, #tpu.memory_space<vmem_shared>>
          tpu.enqueue_indirect_dma source(%arg8 : memref<128x128xf32, #tpu.memory_space<vmem>>) target(%dma_start3A_73 : memref<10240x128xf32, #tpu.memory_space<vmem_shared>>) offsets(%dma_start3A_70 : memref<128xi32, #tpu.memory_space<vmem>>) semaphore(%run_scoped3A : memref<!tpu.dma_semaphore, #tpu.memory_space<semaphore_mem>>) {add = true}
          %dma_wait3A_74 = arith.constant 0 : i32
          %dma_wait3A_75 = tpu.memref_slice %arg7[%add3A_41, %dma_wait3A_74] : memref<8x128xi32, #tpu.memory_space<vmem>> -> memref<1x128xi32, #tpu.memory_space<vmem>>
          %dma_wait3A_76 = tpu.memref_squeeze %dma_wait3A_75 : memref<1x128xi32, #tpu.memory_space<vmem>> -> memref<128xi32, #tpu.memory_space<vmem>>
          %dma_wait3A_77 = arith.constant 0 : i32
          %dma_wait3A_78 = arith.constant 0 : i32
          %dma_wait3A_79 = tpu.memref_slice %arg10[%dma_wait3A_77, %dma_wait3A_78] : memref<10240x128xf32, #tpu.memory_space<vmem_shared>> -> memref<10240x128xf32, #tpu.memory_space<vmem_shared>>
          tpu.wait_indirect_dma semaphore(%run_scoped3A : memref<!tpu.dma_semaphore, #tpu.memory_space<semaphore_mem>>) src(%arg8 : memref<128x128xf32, #tpu.memory_space<vmem>>) dst(%dma_wait3A_79 : memref<10240x128xf32, #tpu.memory_space<vmem_shared>>)
          tpu.yield
        }) : () -> ()
        %dma_wait3A_60 = arith.constant 0 : i32
        %dma_wait3A_61 = tpu.memref_slice %arg6[%add3A_48, %dma_wait3A_60] : memref<8x128xi32, #tpu.memory_space<vmem>> -> memref<1x128xi32, #tpu.memory_space<vmem>>
        %dma_wait3A_62 = tpu.memref_squeeze %dma_wait3A_61 : memref<1x128xi32, #tpu.memory_space<vmem>> -> memref<128xi32, #tpu.memory_space<vmem>>
        %dma_wait3A_63 = arith.constant 0 : i32
        %dma_wait3A_64 = arith.constant 0 : i32
        %dma_wait3A_65 = tpu.memref_slice %arg2[%dma_wait3A_63, %dma_wait3A_64] : memref<10000x128xf32, #tpu.memory_space<hbm>> -> memref<10000x128xf32, #tpu.memory_space<hbm>>
        tpu.wait_indirect_dma semaphore(%arg12 : memref<!tpu.dma_semaphore, #tpu.memory_space<semaphore_mem>>) src(%dma_wait3A_65 : memref<10000x128xf32, #tpu.memory_space<hbm>>) dst(%arg9 : memref<128x128xf32, #tpu.memory_space<vmem>>)
        %add3A_66 = arith.constant 1 : i32
        %add3A_67 = arith.addi %add3A_41, %add3A_66 : i32
        "tpu.region"() ({
          %run_scoped3A = tpu.sem_alloc : memref<!tpu.dma_semaphore, #tpu.memory_space<semaphore_mem>>
          %dma_start3A_68 = arith.constant 0 : i32
          %dma_start3A_69 = tpu.memref_slice %arg7[%add3A_67, %dma_start3A_68] : memref<8x128xi32, #tpu.memory_space<vmem>> -> memref<1x128xi32, #tpu.memory_space<vmem>>
          %dma_start3A_70 = tpu.memref_squeeze %dma_start3A_69 : memref<1x128xi32, #tpu.memory_space<vmem>> -> memref<128xi32, #tpu.memory_space<vmem>>
          %dma_start3A_71 = arith.constant 0 : i32
          %dma_start3A_72 = arith.constant 0 : i32
          %dma_start3A_73 = tpu.memref_slice %arg10[%dma_start3A_71, %dma_start3A_72] : memref<10240x128xf32, #tpu.memory_space<vmem_shared>> -> memref<10240x128xf32, #tpu.memory_space<vmem_shared>>
          tpu.enqueue_indirect_dma source(%arg9 : memref<128x128xf32, #tpu.memory_space<vmem>>) target(%dma_start3A_73 : memref<10240x128xf32, #tpu.memory_space<vmem_shared>>) offsets(%dma_start3A_70 : memref<128xi32, #tpu.memory_space<vmem>>) semaphore(%run_scoped3A : memref<!tpu.dma_semaphore, #tpu.memory_space<semaphore_mem>>) {add = true}
          %dma_wait3A_74 = arith.constant 0 : i32
          %dma_wait3A_75 = tpu.memref_slice %arg7[%add3A_67, %dma_wait3A_74] : memref<8x128xi32, #tpu.memory_space<vmem>> -> memref<1x128xi32, #tpu.memory_space<vmem>>
          %dma_wait3A_76 = tpu.memref_squeeze %dma_wait3A_75 : memref<1x128xi32, #tpu.memory_space<vmem>> -> memref<128xi32, #tpu.memory_space<vmem>>
          %dma_wait3A_77 = arith.constant 0 : i32
          %dma_wait3A_78 = arith.constant 0 : i32
          %dma_wait3A_79 = tpu.memref_slice %arg10[%dma_wait3A_77, %dma_wait3A_78] : memref<10240x128xf32, #tpu.memory_space<vmem_shared>> -> memref<10240x128xf32, #tpu.memory_space<vmem_shared>>
          tpu.wait_indirect_dma semaphore(%run_scoped3A : memref<!tpu.dma_semaphore, #tpu.memory_space<semaphore_mem>>) src(%arg9 : memref<128x128xf32, #tpu.memory_space<vmem>>) dst(%dma_wait3A_79 : memref<10240x128xf32, #tpu.memory_space<vmem_shared>>)
          tpu.yield
        }) : () -> ()
      }
      %scan3A_35 = arith.constant 4 : i32
      %scan3A_36 = arith.constant 1 : i32
    } else {
    }
    %barrier3A_16 = arith.constant 0 : index
    tpu.barrier barrier_id(%barrier3A_16)
    %scan3A_17 = arith.constant 0 : i32
    %scan3A_18 = arith.constant 5 : i32
    %scan3A_19 = arith.addi %scan3A_17, %scan3A_18 : i32
    %scan3A_20 = arith.constant 1 : i32
    scf.for %scan3A_22 = %scan3A_17 to %scan3A_19 step %scan3A_20  : i32 {
      %mul3A = arith.constant 128 : i32
      %mul3A_23 = arith.muli %scan3A_22, %mul3A : i32
      %add3A = arith.constant 0 : i32
      %add3A_24 = arith.addi %add3A, %mul3A_23 : i32
      %mul3A_25 = arith.constant 640 : i32
      %mul3A_26 = arith.muli %arg1, %mul3A_25 : i32
      %add3A_27 = arith.addi %mul3A_26, %add3A_24 : i32
      %mul3A_28 = arith.constant 640 : i32
      %mul3A_29 = arith.muli %arg1, %mul3A_28 : i32
      %add3A_30 = arith.addi %mul3A_29, %add3A_24 : i32
      "tpu.region"() ({
        %run_scoped3A = tpu.sem_alloc : memref<!tpu.dma_semaphore, #tpu.memory_space<semaphore_mem>>
        %dma_start3A = arith.constant 0 : i32
        %dma_start3A_31 = tpu.memref_slice %arg5[%arg0, %add3A_30, %dma_start3A] : memref<2x10240x128xf32, #tpu.memory_space<hbm>> -> memref<1x128x128xf32, #tpu.memory_space<hbm>>
        %dma_start3A_32 = tpu.memref_squeeze %dma_start3A_31 : memref<1x128x128xf32, #tpu.memory_space<hbm>> -> memref<128x128xf32, #tpu.memory_space<hbm>>
        %dma_start3A_33 = arith.constant 0 : i32
        %dma_start3A_34 = tpu.memref_slice %arg10[%add3A_27, %dma_start3A_33] : memref<10240x128xf32, #tpu.memory_space<vmem_shared>> -> memref<128x128xf32, #tpu.memory_space<vmem_shared>>
        tpu.enqueue_dma source(%dma_start3A_34 : memref<128x128xf32, #tpu.memory_space<vmem_shared>>) target(%dma_start3A_32 : memref<128x128xf32, #tpu.memory_space<hbm>>) target_semaphore(%run_scoped3A : memref<!tpu.dma_semaphore, #tpu.memory_space<semaphore_mem>>)
        %dma_wait3A = arith.constant 0 : i32
        %dma_wait3A_35 = tpu.memref_slice %arg5[%arg0, %add3A_30, %dma_wait3A] : memref<2x10240x128xf32, #tpu.memory_space<hbm>> -> memref<1x128x128xf32, #tpu.memory_space<hbm>>
        %dma_wait3A_36 = tpu.memref_squeeze %dma_wait3A_35 : memref<1x128x128xf32, #tpu.memory_space<hbm>> -> memref<128x128xf32, #tpu.memory_space<hbm>>
        %dma_wait3A_37 = arith.constant 0 : i32
        %dma_wait3A_38 = tpu.memref_slice %arg10[%add3A_27, %dma_wait3A_37] : memref<10240x128xf32, #tpu.memory_space<vmem_shared>> -> memref<128x128xf32, #tpu.memory_space<vmem_shared>>
        tpu.wait_dma2 semaphore(%run_scoped3A : memref<!tpu.dma_semaphore, #tpu.memory_space<semaphore_mem>>) src(%dma_wait3A_38 : memref<128x128xf32, #tpu.memory_space<vmem_shared>>) dst(%dma_wait3A_36 : memref<128x128xf32, #tpu.memory_space<hbm>>)
        tpu.yield
      }) : () -> ()
    }
    %scan3A_21 = arith.constant 5 : i32
    return
  }
}

module attributes {stable_mosaic.version = 14 : i64} {
  func.func @body(%arg0: i32, %arg1: memref<2x1000x128xf32, #tpu.memory_space<vmem>>, %arg2: memref<1000x128xf32, #tpu.memory_space<vmem>>, %arg3: memref<1000x16xf32, #tpu.memory_space<vmem>>, %arg4: memref<1x128xf32, #tpu.memory_space<vmem>>, %arg5: memref<128x128xf32, #tpu.memory_space<vmem>>, %arg6: memref<1000x128xf32, #tpu.memory_space<vmem>>) attributes {dimension_semantics = [#tpu.dimension_semantics<arbitrary>], iteration_bounds = array<i64: 10>, scalar_prefetch = 0 : i64, scratch_operands = 0 : i64, tpu.core_type = #tpu.core_type<tc>, window_params = [{transform_indices = @transform_0, window_bounds = array<i64: 2, 1000, 128>}, {transform_indices = @transform_1, window_bounds = array<i64: 1000, 128>}, {transform_indices = @transform_2, window_bounds = array<i64: 1000, 16>}, {pipeline_mode = #tpu.pipeline_mode<synchronous>, transform_indices = @transform_3, window_bounds = array<i64: 1, 128>}, {pipeline_mode = #tpu.pipeline_mode<synchronous>, transform_indices = @transform_4, window_bounds = array<i64: 128, 128>}, {transform_indices = @transform_5, window_bounds = array<i64: 1000, 128>}]} {
    %get3A = arith.constant 0 : index
    %get3A_0 = arith.constant 0 : index
    %get3A_1 = vector.load %arg3[%get3A, %get3A_0] : memref<1000x16xf32, #tpu.memory_space<vmem>>, vector<1000x1xf32>
    %get3A_2 = arith.constant 0 : index
    %get3A_3 = arith.constant 0 : index
    %get3A_4 = arith.constant 0 : index
    %get3A_5 = vector.load %arg1[%get3A_2, %get3A_3, %get3A_4] : memref<2x1000x128xf32, #tpu.memory_space<vmem>>, vector<1x1000x128xf32>
    %get3A_6 = vector.shape_cast %get3A_5 : vector<1x1000x128xf32> to vector<1000x128xf32>
    %get3A_7 = arith.constant 1 : index
    %get3A_8 = arith.constant 0 : index
    %get3A_9 = arith.constant 0 : index
    %get3A_10 = vector.load %arg1[%get3A_7, %get3A_8, %get3A_9] : memref<2x1000x128xf32, #tpu.memory_space<vmem>>, vector<1x1000x128xf32>
    %get3A_11 = vector.shape_cast %get3A_10 : vector<1x1000x128xf32> to vector<1000x128xf32>
    %add3A = arith.addf %get3A_6, %get3A_11 : vector<1000x128xf32>
    %get3A_12 = arith.constant 0 : index
    %get3A_13 = arith.constant 0 : index
    %get3A_14 = vector.load %arg2[%get3A_12, %get3A_13] : memref<1000x128xf32, #tpu.memory_space<vmem>>, vector<1000x128xf32>
    %add3A_15 = arith.addf %add3A, %get3A_14 : vector<1000x128xf32>
    %mul3A = vector.broadcast %get3A_1 : vector<1000x1xf32> to vector<1000x128xf32>
    %mul3A_16 = arith.mulf %add3A_15, %mul3A : vector<1000x128xf32>
    %get3A_17 = arith.constant 0 : index
    %get3A_18 = arith.constant 0 : index
    %get3A_19 = vector.load %arg4[%get3A_17, %get3A_18] : memref<1x128xf32, #tpu.memory_space<vmem>>, vector<1x128xf32>
    %add3A_20 = vector.broadcast %get3A_19 : vector<1x128xf32> to vector<1000x128xf32>
    %add3A_21 = arith.addf %mul3A_16, %add3A_20 : vector<1000x128xf32>
    %max3A = arith.constant 0.000000e+00 : f32
    %max3A_22 = vector.broadcast %max3A : f32 to vector<1000x128xf32>
    %max3A_23 = arith.maximumf %add3A_21, %max3A_22 : vector<1000x128xf32>
    %get3A_24 = arith.constant 0 : index
    %get3A_25 = arith.constant 0 : index
    %get3A_26 = vector.load %arg5[%get3A_24, %get3A_25] : memref<128x128xf32, #tpu.memory_space<vmem>>, vector<128x128xf32>
    %dot_general3A = arith.constant dense<0.000000e+00> : vector<1000x128xf32>
    %dot_general3A_27 = tpu.matmul %max3A_23, %get3A_26, %dot_general3A {dimension_numbers = #tpu.dot_dimension_numbers<[1], [0], [0], [1], [0, 0, 1, 1], [], []>, transpose_lhs_hint = false} : vector<1000x128xf32>, vector<128x128xf32>, vector<1000x128xf32> -> vector<1000x128xf32>
    %mul3A_28 = vector.broadcast %get3A_1 : vector<1000x1xf32> to vector<1000x128xf32>
    %mul3A_29 = arith.mulf %dot_general3A_27, %mul3A_28 : vector<1000x128xf32>
    %swap3A = arith.constant 0 : index
    %swap3A_30 = arith.constant 0 : index
    %swap3A_31 = vector.load %arg6[%swap3A, %swap3A_30] : memref<1000x128xf32, #tpu.memory_space<vmem>>, vector<1000x128xf32>
    tpu.vector_store %arg6[%swap3A, %swap3A_30], %mul3A_29 {strides = array<i32>} : memref<1000x128xf32, #tpu.memory_space<vmem>>, vector<1000x128xf32>,
    return
  }
  func.func @transform_0(%arg0: i32) -> (i32, i32, i32) {
    %c0_i32 = arith.constant 0 : i32
    %c0_i32_0 = arith.constant 0 : i32
    %c0_i32_1 = arith.constant 0 : i32
    return %c0_i32, %arg0, %c0_i32_0 : i32, i32, i32
  }
  func.func @transform_1(%arg0: i32) -> (i32, i32) {
    %c0_i32 = arith.constant 0 : i32
    %c0_i32_0 = arith.constant 0 : i32
    return %arg0, %c0_i32 : i32, i32
  }
  func.func @transform_2(%arg0: i32) -> (i32, i32) {
    %c0_i32 = arith.constant 0 : i32
    %c0_i32_0 = arith.constant 0 : i32
    return %arg0, %c0_i32 : i32, i32
  }
  func.func @transform_3(%arg0: i32) -> (i32, i32) {
    %c0_i32 = arith.constant 0 : i32
    %c0_i32_0 = arith.constant 0 : i32
    %c0_i32_1 = arith.constant 0 : i32
    return %c0_i32, %c0_i32_0 : i32, i32
  }
  func.func @transform_4(%arg0: i32) -> (i32, i32) {
    %c0_i32 = arith.constant 0 : i32
    %c0_i32_0 = arith.constant 0 : i32
    %c0_i32_1 = arith.constant 0 : i32
    return %c0_i32, %c0_i32_0 : i32, i32
  }
  func.func @transform_5(%arg0: i32) -> (i32, i32) {
    %c0_i32 = arith.constant 0 : i32
    %c0_i32_0 = arith.constant 0 : i32
    return %arg0, %c0_i32 : i32, i32
  }
}

module attributes {stable_mosaic.version = 14 : i64} {
  func.func @body(%arg0: i32, %arg1: memref<1000x128xf32, #tpu.memory_space<vmem>>, %arg2: memref<128x128xf32, #tpu.memory_space<vmem>>, %arg3: memref<2x1000x16xf32, #tpu.memory_space<vmem>>, %arg4: memref<1000x128xf32, #tpu.memory_space<vmem>>, %arg5: memref<1000x16xf32, #tpu.memory_space<vmem>>) attributes {dimension_semantics = [#tpu.dimension_semantics<arbitrary>], iteration_bounds = array<i64: 10>, scalar_prefetch = 0 : i64, scratch_operands = 0 : i64, tpu.core_type = #tpu.core_type<tc>, window_params = [{transform_indices = @transform_0, window_bounds = array<i64: 1000, 128>}, {pipeline_mode = #tpu.pipeline_mode<synchronous>, transform_indices = @transform_1, window_bounds = array<i64: 128, 128>}, {transform_indices = @transform_2, window_bounds = array<i64: 2, 1000, 16>}, {transform_indices = @transform_3, window_bounds = array<i64: 1000, 128>}, {transform_indices = @transform_4, window_bounds = array<i64: 1000, 16>}]} {
    %get3A = arith.constant 0 : index
    %get3A_0 = arith.constant 0 : index
    %get3A_1 = arith.constant 0 : index
    %get3A_2 = vector.load %arg3[%get3A, %get3A_0, %get3A_1] : memref<2x1000x16xf32, #tpu.memory_space<vmem>>, vector<1x1000x16xf32>
    %get3A_3 = vector.shape_cast %get3A_2 : vector<1x1000x16xf32> to vector<1000x16xf32>
    %get3A_4 = arith.constant 1 : index
    %get3A_5 = arith.constant 0 : index
    %get3A_6 = arith.constant 0 : index
    %get3A_7 = vector.load %arg3[%get3A_4, %get3A_5, %get3A_6] : memref<2x1000x16xf32, #tpu.memory_space<vmem>>, vector<1x1000x16xf32>
    %get3A_8 = vector.shape_cast %get3A_7 : vector<1x1000x16xf32> to vector<1000x16xf32>
    %add3A = arith.addf %get3A_3, %get3A_8 : vector<1000x16xf32>
    %add3A_9 = arith.constant 1.000000e+00 : f32
    %add3A_10 = vector.broadcast %add3A_9 : f32 to vector<1000x16xf32>
    %add3A_11 = arith.addf %add3A, %add3A_10 : vector<1000x16xf32>
    %rsqrt3A = math.rsqrt %add3A_11 : vector<1000x16xf32>
    %swap3A = arith.constant 0 : index
    %swap3A_12 = arith.constant 0 : index
    %swap3A_13 = vector.load %arg5[%swap3A, %swap3A_12] : memref<1000x16xf32, #tpu.memory_space<vmem>>, vector<1000x16xf32>
    tpu.vector_store %arg5[%swap3A, %swap3A_12], %rsqrt3A {strides = array<i32>} : memref<1000x16xf32, #tpu.memory_space<vmem>>, vector<1000x16xf32>,
    %get3A_14 = arith.constant 0 : index
    %get3A_15 = arith.constant 0 : index
    %get3A_16 = vector.load %arg1[%get3A_14, %get3A_15] : memref<1000x128xf32, #tpu.memory_space<vmem>>, vector<1000x128xf32>
    %get3A_17 = arith.constant 0 : index
    %get3A_18 = arith.constant 0 : index
    %get3A_19 = vector.load %arg2[%get3A_17, %get3A_18] : memref<128x128xf32, #tpu.memory_space<vmem>>, vector<128x128xf32>
    %dot_general3A = arith.constant dense<0.000000e+00> : vector<1000x128xf32>
    %dot_general3A_20 = tpu.matmul %get3A_16, %get3A_19, %dot_general3A {dimension_numbers = #tpu.dot_dimension_numbers<[1], [0], [0], [1], [0, 0, 1, 1], [], []>, transpose_lhs_hint = false} : vector<1000x128xf32>, vector<128x128xf32>, vector<1000x128xf32> -> vector<1000x128xf32>
    %slice3A = vector.extract_strided_slice %rsqrt3A {offsets = [0, 0], sizes = [1000, 1], strides = [1, 1]} : vector<1000x16xf32> to vector<1000x1xf32>
    %mul3A = vector.broadcast %slice3A : vector<1000x1xf32> to vector<1000x128xf32>
    %mul3A_21 = arith.mulf %dot_general3A_20, %mul3A : vector<1000x128xf32>
    %swap3A_22 = arith.constant 0 : index
    %swap3A_23 = arith.constant 0 : index
    %swap3A_24 = vector.load %arg4[%swap3A_22, %swap3A_23] : memref<1000x128xf32, #tpu.memory_space<vmem>>, vector<1000x128xf32>
    tpu.vector_store %arg4[%swap3A_22, %swap3A_23], %mul3A_21 {strides = array<i32>} : memref<1000x128xf32, #tpu.memory_space<vmem>>, vector<1000x128xf32>,
    return
  }
  func.func @transform_0(%arg0: i32) -> (i32, i32) {
    %c0_i32 = arith.constant 0 : i32
    %c0_i32_0 = arith.constant 0 : i32
    return %arg0, %c0_i32 : i32, i32
  }
  func.func @transform_1(%arg0: i32) -> (i32, i32) {
    %c0_i32 = arith.constant 0 : i32
    %c0_i32_0 = arith.constant 0 : i32
    %c0_i32_1 = arith.constant 0 : i32
    return %c0_i32, %c0_i32_0 : i32, i32
  }
  func.func @transform_2(%arg0: i32) -> (i32, i32, i32) {
    %c0_i32 = arith.constant 0 : i32
    %c0_i32_0 = arith.constant 0 : i32
    %c0_i32_1 = arith.constant 0 : i32
    return %c0_i32, %arg0, %c0_i32_0 : i32, i32, i32
  }
  func.func @transform_3(%arg0: i32) -> (i32, i32) {
    %c0_i32 = arith.constant 0 : i32
    %c0_i32_0 = arith.constant 0 : i32
    return %arg0, %c0_i32 : i32, i32
  }
  func.func @transform_4(%arg0: i32) -> (i32, i32) {
    %c0_i32 = arith.constant 0 : i32
    %c0_i32_0 = arith.constant 0 : i32
    return %arg0, %c0_i32 : i32, i32
  }
}

module attributes {stable_mosaic.version = 14 : i64} {
  func.func @body(%arg0: i32, %arg1: memref<2x1000x128xf32, #tpu.memory_space<vmem>>, %arg2: memref<1000x128xf32, #tpu.memory_space<vmem>>, %arg3: memref<1000x16xf32, #tpu.memory_space<vmem>>, %arg4: memref<1x128xf32, #tpu.memory_space<vmem>>, %arg5: memref<128x128xf32, #tpu.memory_space<vmem>>, %arg6: memref<1x128xf32, #tpu.memory_space<vmem>>, %arg7: memref<1000x128xf32, #tpu.memory_space<vmem>>) attributes {dimension_semantics = [#tpu.dimension_semantics<arbitrary>], iteration_bounds = array<i64: 10>, scalar_prefetch = 0 : i64, scratch_operands = 0 : i64, tpu.core_type = #tpu.core_type<tc>, window_params = [{transform_indices = @transform_0, window_bounds = array<i64: 2, 1000, 128>}, {transform_indices = @transform_1, window_bounds = array<i64: 1000, 128>}, {transform_indices = @transform_2, window_bounds = array<i64: 1000, 16>}, {pipeline_mode = #tpu.pipeline_mode<synchronous>, transform_indices = @transform_3, window_bounds = array<i64: 1, 128>}, {pipeline_mode = #tpu.pipeline_mode<synchronous>, transform_indices = @transform_4, window_bounds = array<i64: 128, 128>}, {pipeline_mode = #tpu.pipeline_mode<synchronous>, transform_indices = @transform_5, window_bounds = array<i64: 1, 128>}, {transform_indices = @transform_6, window_bounds = array<i64: 1000, 128>}]} {
    %get3A = arith.constant 0 : index
    %get3A_0 = arith.constant 0 : index
    %get3A_1 = vector.load %arg3[%get3A, %get3A_0] : memref<1000x16xf32, #tpu.memory_space<vmem>>, vector<1000x1xf32>
    %get3A_2 = arith.constant 0 : index
    %get3A_3 = arith.constant 0 : index
    %get3A_4 = arith.constant 0 : index
    %get3A_5 = vector.load %arg1[%get3A_2, %get3A_3, %get3A_4] : memref<2x1000x128xf32, #tpu.memory_space<vmem>>, vector<1x1000x128xf32>
    %get3A_6 = vector.shape_cast %get3A_5 : vector<1x1000x128xf32> to vector<1000x128xf32>
    %get3A_7 = arith.constant 1 : index
    %get3A_8 = arith.constant 0 : index
    %get3A_9 = arith.constant 0 : index
    %get3A_10 = vector.load %arg1[%get3A_7, %get3A_8, %get3A_9] : memref<2x1000x128xf32, #tpu.memory_space<vmem>>, vector<1x1000x128xf32>
    %get3A_11 = vector.shape_cast %get3A_10 : vector<1x1000x128xf32> to vector<1000x128xf32>
    %add3A = arith.addf %get3A_6, %get3A_11 : vector<1000x128xf32>
    %get3A_12 = arith.constant 0 : index
    %get3A_13 = arith.constant 0 : index
    %get3A_14 = vector.load %arg2[%get3A_12, %get3A_13] : memref<1000x128xf32, #tpu.memory_space<vmem>>, vector<1000x128xf32>
    %add3A_15 = arith.addf %add3A, %get3A_14 : vector<1000x128xf32>
    %mul3A = vector.broadcast %get3A_1 : vector<1000x1xf32> to vector<1000x128xf32>
    %mul3A_16 = arith.mulf %add3A_15, %mul3A : vector<1000x128xf32>
    %get3A_17 = arith.constant 0 : index
    %get3A_18 = arith.constant 0 : index
    %get3A_19 = vector.load %arg4[%get3A_17, %get3A_18] : memref<1x128xf32, #tpu.memory_space<vmem>>, vector<1x128xf32>
    %add3A_20 = vector.broadcast %get3A_19 : vector<1x128xf32> to vector<1000x128xf32>
    %add3A_21 = arith.addf %mul3A_16, %add3A_20 : vector<1000x128xf32>
    %max3A = arith.constant 0.000000e+00 : f32
    %max3A_22 = vector.broadcast %max3A : f32 to vector<1000x128xf32>
    %max3A_23 = arith.maximumf %add3A_21, %max3A_22 : vector<1000x128xf32>
    %get3A_24 = arith.constant 0 : index
    %get3A_25 = arith.constant 0 : index
    %get3A_26 = vector.load %arg5[%get3A_24, %get3A_25] : memref<128x128xf32, #tpu.memory_space<vmem>>, vector<128x128xf32>
    %dot_general3A = arith.constant dense<0.000000e+00> : vector<1000x128xf32>
    %dot_general3A_27 = tpu.matmul %max3A_23, %get3A_26, %dot_general3A {dimension_numbers = #tpu.dot_dimension_numbers<[1], [0], [0], [1], [0, 0, 1, 1], [], []>, transpose_lhs_hint = false} : vector<1000x128xf32>, vector<128x128xf32>, vector<1000x128xf32> -> vector<1000x128xf32>
    %get3A_28 = arith.constant 0 : index
    %get3A_29 = arith.constant 0 : index
    %get3A_30 = vector.load %arg6[%get3A_28, %get3A_29] : memref<1x128xf32, #tpu.memory_space<vmem>>, vector<1x128xf32>
    %add3A_31 = vector.broadcast %get3A_30 : vector<1x128xf32> to vector<1000x128xf32>
    %add3A_32 = arith.addf %dot_general3A_27, %add3A_31 : vector<1000x128xf32>
    %reduce_max3A = arith.constant dense<0xFF800000> : vector<1000xf32>
    %reduce_max3A_33 = vector.multi_reduction <maximumf>, %add3A_32, %reduce_max3A [1] : vector<1000x128xf32> to vector<1000xf32>
    %broadcast_in_dim3A = vector.shape_cast %reduce_max3A_33 : vector<1000xf32> to vector<1000x1xf32>
    %sub3A = vector.broadcast %broadcast_in_dim3A : vector<1000x1xf32> to vector<1000x128xf32>
    %sub3A_34 = arith.subf %add3A_32, %sub3A : vector<1000x128xf32>
    %exp3A = math.exp %sub3A_34 : vector<1000x128xf32>
    %reduce_sum3A = arith.constant dense<0.000000e+00> : vector<1000xf32>
    %reduce_sum3A_35 = vector.multi_reduction <add>, %exp3A, %reduce_sum3A [1] : vector<1000x128xf32> to vector<1000xf32>
    %broadcast_in_dim3A_36 = vector.shape_cast %reduce_sum3A_35 : vector<1000xf32> to vector<1000x1xf32>
    %div3A = vector.broadcast %broadcast_in_dim3A_36 : vector<1000x1xf32> to vector<1000x128xf32>
    %div3A_37 = arith.divf %exp3A, %div3A : vector<1000x128xf32>
    %swap3A = arith.constant 0 : index
    %swap3A_38 = arith.constant 0 : index
    %swap3A_39 = vector.load %arg7[%swap3A, %swap3A_38] : memref<1000x128xf32, #tpu.memory_space<vmem>>, vector<1000x128xf32>
    tpu.vector_store %arg7[%swap3A, %swap3A_38], %div3A_37 {strides = array<i32>} : memref<1000x128xf32, #tpu.memory_space<vmem>>, vector<1000x128xf32>,
    return
  }
  func.func @transform_0(%arg0: i32) -> (i32, i32, i32) {
    %c0_i32 = arith.constant 0 : i32
    %c0_i32_0 = arith.constant 0 : i32
    %c0_i32_1 = arith.constant 0 : i32
    return %c0_i32, %arg0, %c0_i32_0 : i32, i32, i32
  }
  func.func @transform_1(%arg0: i32) -> (i32, i32) {
    %c0_i32 = arith.constant 0 : i32
    %c0_i32_0 = arith.constant 0 : i32
    return %arg0, %c0_i32 : i32, i32
  }
  func.func @transform_2(%arg0: i32) -> (i32, i32) {
    %c0_i32 = arith.constant 0 : i32
    %c0_i32_0 = arith.constant 0 : i32
    return %arg0, %c0_i32 : i32, i32
  }
  func.func @transform_3(%arg0: i32) -> (i32, i32) {
    %c0_i32 = arith.constant 0 : i32
    %c0_i32_0 = arith.constant 0 : i32
    %c0_i32_1 = arith.constant 0 : i32
    return %c0_i32, %c0_i32_0 : i32, i32
  }
  func.func @transform_4(%arg0: i32) -> (i32, i32) {
    %c0_i32 = arith.constant 0 : i32
    %c0_i32_0 = arith.constant 0 : i32
    %c0_i32_1 = arith.constant 0 : i32
    return %c0_i32, %c0_i32_0 : i32, i32
  }
  func.func @transform_5(%arg0: i32) -> (i32, i32) {
    %c0_i32 = arith.constant 0 : i32
    %c0_i32_0 = arith.constant 0 : i32
    %c0_i32_1 = arith.constant 0 : i32
    return %c0_i32, %c0_i32_0 : i32, i32
  }
  func.func @transform_6(%arg0: i32) -> (i32, i32) {
    %c0_i32 = arith.constant 0 : i32
    %c0_i32_0 = arith.constant 0 : i32
    return %arg0, %c0_i32 : i32, i32
  }
}

</mosaic_0001>

<sc_bundles>
// kernel: kernel.10.cloned.1.call-start
scs
__scs_entry_jumppad:
0x0: {  	(pc) =	sbr.rel $0x88, $3  }
0x1: {  	(tag) =	ssettag $0x0;
	lr =	simm.s32 $0x1  }
0x2: {  	[smem:$0x3F97] =	sst lr;
	_ =	strace $0xD0000000  }
0x3: {  	_ = 	snop  }
0x4: {  	_ = 	snop  }
0x5: {  	_ = 	snop  }
0x6: {  	_ = 	snop  }
0x7: {  	_ = 	snop  }
__scs_overlays_trampoline_lowered:
0x8: {  	[smem:$0x3FA6] =	sst s0  }
0x9: {  	[smem:$0x3FA7] =	sst s1  }
0xa: {  	[smem:$0x3FA8] =	sst s2  }
0xb: {  	[smem:$0x3FA9] =	sst s3  }
0xc: {  	[smem:$0x3FAA] =	sst s4  }
0xd: {  	[smem:$0x3FAB] =	sst s5  }
0xe: {  	[smem:$0x3FAC] =	sst s6  }
0xf: {  	[smem:$0x3FAD] =	sst s7  }
0x10: {  	[smem:$0x3FAE] =	sst s8  }
0x11: {  	[smem:$0x3FAF] =	sst s9;
	s0 =	simm.s32 @!p0 $0x0  }
0x12: {  	s1 =	sld [smem:$0x3F95];
	s0 =	simm.s32 @p0 $0x1  }
0x13: {  	[smem:$0x3FB0] =	sst s0;
	s0 =	simm.s32 @!p1 $0x0  }
0x14: {  	s2 =	sld [smem:$0x3F94];
	s0 =	simm.s32 @p1 $0x1  }
0x15: {  	[smem:$0x3FB1] =	sst s0;
	s0 =	simm.s32 @!p2 $0x0  }
0x16: {  	s3 =	sld [smem:$0x3FDB];
	s0 =	simm.s32 @p2 $0x1  }
0x17: {  	s4 =	simm.s32 $0x1BF5;
	[smem:$0x3FB3] =	sst s0  }
0x18: {  	s0 =	sld [smem:$0x3F96];
	_ =	swait.ge [sflag:s4], $0x0  }
0x19: {  	s7 =	sld [smem:$0x3F97]  }
0x1a: {  	s8 =	sadd.s32 $0xFFFFE003, lr  }
0x1b: {  	s9 =	sadd.s32 $0xFFFFFEF7, lr;
	s5 =	simm.s32 $0xFFFFFFFF;
	p2 =	slt.u32 s8, $0xFFFFF086  }
0x1c: {  	p1 =	slt.u32 s9, $0xF7A;
	s5 =	simm.s32 @!p2 $0x0  }
0x1d: {  	s5 =	simm.s32 @p1 $0x1;
	p0 =	seq.s32 s7, s2  }
0x1e: {  	s7 =	smul.u32 @!p0 $0xF7A, s2;
	p2 =	seq.s32 @!p0 s5, $0x0  }
0x1f: {  	s9 =	smul.u32 $0xF7A, s1;
	s8 =	simm.s32 @!p0 $0x1BF5;
	p2 =	por !p2, p0  }
0x20: {  	[sflag:s8] =	ssyncset.s32 @!p0 $0xFFFFF086;
	s6 =	sadd.s32 @!p0 s3, s7;
	s7 =	simm.s32 @!p0 $0x108  }
0x21: {  	s3 =	sadd.s32 s3, s9;
	s6 =	sadd.s32 @!p0 $0x88, s6;
	s7 =	simm.s32 @p2 $0x1082  }
0x22: {  	[simem:s7], [sflag:s8] =	dma.local @!p0 [hbm:s6], $0xF7A  }
0x23: {  	s9 =	sor.u32 $0xD0000000, s2;
	s6 =	simm.s32 $0x108;
	_ =	swait.ge @!p0 [sflag:s8], $0x0  }
0x24: {  	s3 =	sadd.s32 $0x88, s3;
	s6 =	simm.s32 @!p1 $0x1082;
	[sflag:s4] =	ssyncset.s32 $0xFFFFF086  }
0x25: {  	[simem:s6], [sflag:s4] =	dma.local [hbm:s3], $0xF7A  }
0x26: {  	[smem:$0x3F97] =	sst s1;
	(tag) =	ssettag s2;
	_ =	strace s9  }
0x27: {  	s1 =	sld [smem:$0x3FA7]  }
0x28: {  	s2 =	sld [smem:$0x3FA8]  }
0x29: {  	s4 =	sld [smem:$0x3FAA]  }
0x2a: {  	p0 =	seq.s32 s5, $0x0;
	s5 =	sld [smem:$0x3FAB]  }
0x2b: {  	s6 =	sld [smem:$0x3FAC]  }
0x2c: {  	s7 =	sld [smem:$0x3FAD]  }
0x2d: {  	s3 =	simm.s32 $0x108;
	s8 =	sld [smem:$0x3FAE]  }
0x2e: {  	s3 =	simm.s32 @!p0 $0x1082;
	s9 =	sld [smem:$0x3FAF]  }
0x2f: {  	lr =	sadd.s32 s0, s3;
	s0 =	sld [smem:$0x3FA6]  }
0x30: {  	s3 =	sld [smem:$0x3FA9]  }
0x31: {  	[smem:$0x3FB2] =	sst s10  }
0x32: {  	s10 =	sld [smem:$0x3FB0];
	_ =	sdelay $0x3  }
0x33: {  	p0 =	seq.s32 s10, $0x1;
	s10 =	sld [smem:$0x3FB2];
	_ =	sdelay $0x3  }
0x34: {  	[smem:$0x3FB2] =	sst s10  }
0x35: {  	s10 =	sld [smem:$0x3FB1];
	_ =	sdelay $0x3  }
0x36: {  	p1 =	seq.s32 s10, $0x1;
	s10 =	sld [smem:$0x3FB2];
	_ =	sdelay $0x3  }
0x37: {  	[smem:$0x3FB2] =	sst s10  }
0x38: {  	s10 =	sld [smem:$0x3FB3]  }
0x39: {  	_ = 	snop;
	(pc) =	sbr.ind lr, $3  }
0x3a: {  	_ = 	snop  }
0x3b: {  	_ = 	snop  }
0x3c: {  	p2 =	seq.s32 s10, $0x1;
	s10 =	sld [smem:$0x3FB2]  }
0x3d: {  	_ =	shalt  }
0x3e: {  	_ =	shalt  }
0x3f: {  	_ =	shalt  }
0x40: {  	_ =	shalt  }
0x41: {  	_ =	shalt  }
0x42: {  	_ =	shalt  }
0x43: {  	_ =	shalt  }
0x44: {  	_ =	shalt  }
0x45: {  	_ =	shalt  }
0x46: {  	_ =	shalt  }
0x47: {  	_ =	shalt  }
0x48: {  	_ =	shalt  }
0x49: {  	_ =	shalt  }
0x4a: {  	_ =	shalt  }
0x4b: {  	_ =	shalt  }
0x4c: {  	_ =	shalt  }
0x4d: {  	_ =	shalt  }
0x4e: {  	_ =	shalt  }
0x4f: {  	_ =	shalt  }
0x50: {  	_ =	shalt  }
0x51: {  	_ =	shalt  }
0x52: {  	_ =	shalt  }
0x53: {  	_ =	shalt  }
0x54: {  	_ =	shalt  }
0x55: {  	_ =	shalt  }
0x56: {  	_ =	shalt  }
0x57: {  	_ =	shalt  }
0x58: {  	_ =	shalt  }
0x59: {  	_ =	shalt  }
0x5a: {  	_ =	shalt  }
0x5b: {  	_ =	shalt  }
0x5c: {  	_ =	shalt  }
0x5d: {  	_ =	shalt  }
0x5e: {  	_ =	shalt  }
0x5f: {  	_ =	shalt  }
0x60: {  	_ =	shalt  }
0x61: {  	_ =	shalt  }
0x62: {  	_ =	shalt  }
0x63: {  	_ =	shalt  }
0x64: {  	_ =	shalt  }
0x65: {  	_ =	shalt  }
0x66: {  	_ =	shalt  }
0x67: {  	_ =	shalt  }
0x68: {  	_ =	shalt  }
0x69: {  	_ =	shalt  }
0x6a: {  	_ =	shalt  }
0x6b: {  	_ =	shalt  }
0x6c: {  	_ =	shalt  }
0x6d: {  	_ =	shalt  }
0x6e: {  	_ =	shalt  }
0x6f: {  	_ =	shalt  }
0x70: {  	_ =	shalt  }
0x71: {  	_ =	shalt  }
0x72: {  	_ =	shalt  }
0x73: {  	_ =	shalt  }
0x74: {  	_ =	shalt  }
0x75: {  	_ =	shalt  }
0x76: {  	_ =	shalt  }
0x77: {  	_ =	shalt  }
0x78: {  	_ =	shalt  }
0x79: {  	_ =	shalt  }
0x7a: {  	_ =	shalt  }
0x7b: {  	_ =	shalt  }
0x7c: {  	_ =	shalt  }
0x7d: {  	_ =	shalt  }
0x7e: {  	_ =	shalt  }
0x7f: {  	_ =	shalt  }
0x80: {  	_ =	shalt  }
0x81: {  	_ =	shalt  }
0x82: {  	_ =	shalt  }
0x83: {  	_ =	shalt  }
0x84: {  	_ =	shalt  }
0x85: {  	_ =	shalt  }
0x86: {  	_ =	shalt  }
0x87: {  	_ =	shalt  }
.Lfunc_end0:
.L_simem_size_0:
called_computation_lowered:
.L_overlay_start_0:
0x88: {  	s2 =	sld [smem:$0x3FD9]  }
0x89: {  	s3 =	sld [smem:$0x3FFE];
	_ =	sdelay $0x1  }
0x8a: {  	s1 =	srdreg.scid  }
0x8b: {  	s0 =	sand.u32 $0x1, s1  }
0x8c: {  	s16 =	sshll.u32 s0, $0xA;
	s2 =	sadd.s32 s3, s2  }
0x8d: {  	s2 =	sadd.s32 s2, s16  }
0x8e: {  	[smem:$0x3FBE] =	sst s2  }
0x8f: {  	_ = 	snop  }
0x90: {  	(tm) =	ssettm $0x1  }
0x91: {  	s17 =	sld [smem:$0x3FFB];
	_ =	sdelay $0x3  }
0x92: {  	_ =	strace s17  }
0x93: {  	s2 =	sld [smem:$0x3FFC];
	_ =	sdelay $0x3  }
0x94: {  	_ =	strace s2  }
0x95: {  	s2 =	sld [smem:$0x3FFD];
	_ =	sdelay $0x3  }
0x96: {  	_ =	strace s2  }
0x97: {  	_ =	strace $0x8FFFFFFF  }
0x98: {  	s18 =	sld [smem:$0x3FDB];
	_ =	sdelay $0x1  }
0x99: {  	s19 =	simm.s32 $_scs_section_size  }
0x9a: {  	s4 =	simm.s32 $_size__tile_overlayer_lowered;
	s5 =	simm.s32 $_tile_overlayer_lowered  }
0x9b: {  	s22 =	simm.s32 $0x1BFF;
	s21 =	sshll.u32 s5, $0x1;
	s2 =	sadd.s32 s19, s18  }
0x9c: {  	s6 =	simm.s32 $0x0;
	s20 =	sshll.u32 s4, $0x1;
	s4 =	sadd.s32 s21, s2  }
0x9d: {  	[timem:s6], [sflag:s22] =	dma.local [hbm:s4], s20  }
0x9e: {  	_ =	swait.ge [sflag:s22], s20  }
0x9f: {  	s3 =	ssub.s32 $0x0, s20;
	[sflag:s22] =	ssyncset.done $0x0  }
0xa0: {  	[sflag:s22] =	ssyncadd.s32 s3;
	_ =	sdelay $0x1  }
0xa1: {  	s23 =	simm.s32 $0x1B8B  }
0xa2: {  	_ =	swait.ge [sflag:s23], $0x1  }
0xa3: {  	[sflag:s23] =	ssyncset.done $0x0  }
0xa4: {  	s25 =	simm.s32 $0x1B8E;
	s24 =	sld [smem:$0x3FFE];
	[sflag:s23] =	ssyncadd.s32 $0xFFFFFFFF  }
0xa5: {  	s26 =	simm.s32 $execute0_lowered;
	[smem:$0x3FD2] =	sst s25  }
0xa6: {  	s4 =	sshll.u32 s26, $0x1;
	_ =	strace $0x80000046;
	[dreg:$0x1] =	wrdreg $0xFFFFFFFF  }
0xa7: {  	s28 =	simm.s32 $_size_execute0_lowered;
	s2 =	sadd.s32 s2, s4;
	[dreg:$0x0] =	wrdreg $0x0  }
0xa8: {  	s4 =	sshll.u32 s28, $0x1;
	[dreg:$0x2] =	wrdreg s2  }
0xa9: {  	[dreg:$0x3] =	wrdreg s4  }
0xaa: {  	[dreg:$0x4] =	wrdreg $0xC0  }
0xab: {  	_ =	task [dreg:s6], $0x5FFFF  }
0xac: {  	[dreg:$0x1] =	wrdreg $0xFFFFFFFF  }
0xad: {  	[dreg:$0x0] =	wrdreg $0x60  }
0xae: {  	[dreg:$0x2] =	wrdreg s24  }
0xaf: {  	[dreg:$0x3] =	wrdreg $0xA8000  }
0xb0: {  	[dreg:$0x4] =	wrdreg $0x9  }
0xb1: {  	_ =	task.clear_ibuf [dreg:s6], $0x5FFFF;
	_ =	strace $0x90000046  }
0xb2: {  	s29 =	simm.s32 $0x9;
	_ =	strace $0x80000048  }
0xb3: {  	_ =	swait.ge [sflag:s29], $0x1  }
0xb4: {  	[sflag:s29] =	ssyncadd.s32 $0xFFFFFFFF  }
0xb5: {  	_ =	strace $0x90000048  }
0xb6: {  	_ =	sfence  }
0xb7: {  	s30 =	sld [smem:$0x0];
	_ =	sdelay $0x2  }
0xb8: {  	s31 =	sshll.u32 s1, $0xD;
	s1 =	sshrl.u32 s1, $0x2  }
0xb9: {  	s3 =	sand.u32 $0x4000, s31;
	s1 =	sadd.s32 s1, s30  }
0xba: {  	s0 =	sor.u32 s3, s0;
	s1 =	sshll.u32 s1, $0x11  }
0xbb: {  	s0 =	sor.u32 s1, s0  }
0xbc: {  	s0 =	sadd.s32 $0x8F2B, s0  }
0xbd: {  	[sflag:s0] =	ssyncadd.remote.s32 $0x1  }
0xbe: {  	_ =	sfence.sel $0xFFFF  }
0xbf: {  	[dreg:$0x0] =	wrdreg $0xFFFFFFFF;
	(pc) =	sbr.abs _section_cstart, $3  }
0xc0: {  	[dreg:$0x1] =	wrdreg $0xFFFFFFFF  }
0xc1: {  	_ =	task.clear_ibuf [dreg:s6], $0x2FFFF;
	_ =	strace $0x9FFFFFFF  }
0xc2: {  	(tm) =	ssettm $0x7FFFFFFF  }
0xc3: {  	_ =	shalt  }
tec
execute0_lowered:
.L_overlay_start_1:
0x0: {  	(tag) =	ssettag $0x1  }
0x1: {  	s1 =	srdreg.scid  }
0x2: {  	s0 =	stileid.u32;
	s4 =	rddreg [dreg:$0x0]  }
0x3: {  	s2 =	rddreg [dreg:$0x1];
	s3 =	simm.s32 $0x0;
	s5 =	sand.u32 $0x1, s1  }
0x4: {  	s23 =	sshll.u32 s0, $0x1;
	s1 =	rddreg [dreg:$0x2];
	s13 =	smul.u32 $0x14000, s0  }
0x5: {  	[smem:$0x7FF] =	sst s3;
	s8 =	smul.u32 $0x50000, s0;
	s15 =	sadd.s32 $0x17800, s4  }
0x6: {  	s6 =	sor.u32 s5, s23;
	s14 =	smul.u32 $0x140000, s5;
	s5 =	ssub.s32 $0x2, s5  }
0x7: {  	_ =	strace $0x80000047;
	s6 =	smul.u32 $0x500, s6;
	s7 =	sshrl.u32 s5, $0x1  }
0x8: {  	s25 =	sshrl.u32 s8, $0x2;
	s16 =	sadd.s32 $0x4000, s13;
	s17 =	sadd.s32 $0x8000, s13  }
0x9: {  	s18 =	sadd.s32 $0xC000, s13;
	s21 =	sadd.s32 $0x10000, s13;
	s7 =	ssub.s32 s5, s7  }
0xa: {  	s24 =	sadd.s32 s14, s13;
	s5 =	sadd.s32 s25, s2;
	s11 =	sadd.s32 s14, s16  }
0xb: {  	s20 =	sadd.s32 s16, s2;
	s28 =	sadd.s32 s14, s17;
	s19 =	sadd.s32 s14, s18  }
0xc: {  	s30 =	sadd.s32 s14, s21;
	s22 =	sadd.s32 s17, s2;
	s23 =	sadd.s32 s18, s2  }
0xd: {  	s17 =	simm.s32 $0x6800;
	s18 =	simm.s32 $0x80;
	s6 =	sadd.s32 s6, s4  }
0xe: {  	s26 =	sshrl.u32 s24, $0x3;
	s7 =	smax.u32 s7, $0x1;
	s8 =	sadd.s32 $0x4000, s5  }
0xf: {  	s9 =	sadd.s32 $0x8000, s5;
	s10 =	sadd.s32 $0xC000, s5;
	s12 =	sshrl.u32 s11, $0x3  }
0x10: {  	s11 =	sadd.s32 $0x10000, s5;
	s16 =	sshrl.u32 s28, $0x3;
	s29 =	sshrl.u32 s19, $0x3  }
0x11: {  	s31 =	sshrl.u32 s30, $0x3;
	s24 =	sadd.s32 s21, s2;
	s19 =	simm.s32 $0x2800  }
0x12: {  	s20 =	sshrl.u32 s20, $0x3;
	s21 =	sshrl.u32 s22, $0x3;
	s22 =	sshrl.u32 s23, $0x3  }
0x13: {  	s4 =	sadd.s32 $0xD800, s6;
	s6 =	sadd.s32 s15, s26;
	s12 =	sadd.s32 s15, s12  }
0x14: {  	s13 =	sadd.s32 s15, s16;
	s14 =	sadd.s32 s15, s29;
	s15 =	sadd.s32 s15, s31  }
0x15: {  	v0 =	vimm.f32 $1.000000000e+00;
	v1 =	vimm.f32 $0.0e+00;
	s16 =	simm.s32 $0x1;
	s23 =	sshrl.u32 s24, $0x3;
	s24 =	simm.s32 $0x0  }
.LBB2_1:
0x16: {  	[tilespmem:s3], [sflag:$0x1] =	stream.linear.gather [hbm4b:s4+s3], $0x2800, $0x38;
	[tilespmem:$0xD000] =	vst v63  }
0x17: {  	_ =	swait.ge [sflag:s16], $0x2800  }
0x18: {  	[sflag:s16] =	ssyncset.done $0x0  }
0x19: {  	s25 =	simm.s32 $0x200;
	s26 =	simm.s32 $0x0;
	[sflag:s16] =	ssyncadd.s32 $0xFFFFD800  }
.LBB2_2:
0x1a: {  	p0 =	sne.s32 s25, $0xFE00;
	[tilespmem:s26+$0x2800] =	vst v0;
	s28 =	smov.u32 s25;
	s25 =	sadd.s32 $0x200, s25  }
.Ltmp0:
0x1b: {  	[tilespmem:s26+$0x6800] =	vst v1;
	(pc) =	sbr.rel @p0 .LBB2_2-.Ltmp0, $2  }
0x1c: {  	_ =	sdelay $0x2  }
0x1d: {  	s26 =	sshra.s32 s28, $0x2  }
0x1e: {  	[tilespmem:s26+$0x2800] =	vst v0  }
0x1f: {  	[tilespmem:s26+$0x6800] =	vst v1  }
0x20: {  	[spmem:s5] =	stream.linear.scatter [tilespmem:s17], [sflag:$0x1], $0x4000, $0x38;
	[tilespmem:$0xD000] =	vst v63  }
0x21: {  	_ =	swait.ge [sflag:s16], $0x4000  }
0x22: {  	[sflag:s16] =	ssyncset.done $0x0  }
0x23: {  	[sflag:s16] =	ssyncadd.s32 $0xFFFFC000  }
0x24: {  	[spmem:s8] =	stream.linear.scatter [tilespmem:s17], [sflag:$0x1], $0x4000, $0x38;
	[tilespmem:$0xD000] =	vst v63  }
0x25: {  	_ =	swait.ge [sflag:s16], $0x4000  }
0x26: {  	[sflag:s16] =	ssyncset.done $0x0  }
0x27: {  	[sflag:s16] =	ssyncadd.s32 $0xFFFFC000  }
0x28: {  	[spmem:s9] =	stream.linear.scatter [tilespmem:s17], [sflag:$0x1], $0x4000, $0x38;
	[tilespmem:$0xD000] =	vst v63  }
0x29: {  	_ =	swait.ge [sflag:s16], $0x4000  }
0x2a: {  	[sflag:s16] =	ssyncset.done $0x0  }
0x2b: {  	[sflag:s16] =	ssyncadd.s32 $0xFFFFC000  }
0x2c: {  	[spmem:s10] =	stream.linear.scatter [tilespmem:s17], [sflag:$0x1], $0x4000, $0x38;
	[tilespmem:$0xD000] =	vst v63  }
0x2d: {  	_ =	swait.ge [sflag:s16], $0x4000  }
0x2e: {  	[sflag:s16] =	ssyncset.done $0x0  }
0x2f: {  	[sflag:s16] =	ssyncadd.s32 $0xFFFFC000  }
0x30: {  	[spmem:s11] =	stream.linear.scatter [tilespmem:s17], [sflag:$0x1], $0x4000, $0x38;
	[tilespmem:$0xD000] =	vst v63  }
0x31: {  	_ =	swait.ge [sflag:s16], $0x4000  }
0x32: {  	[sflag:s16] =	ssyncset.done $0x0  }
0x33: {  	[sflag:s16] =	ssyncadd.s32 $0xFFFFC000  }
0x34: {  	s25 =	simm.s32 $0x0;
	[bflag:$0x0] =	sbarrier.arrive $0xFFFF  }
0x35: {  	[spmem:s2] =	stream.indirect.scatter.add.f32 [tilespmem:s19], [sflag:$0x1], $0x10, s25, s18, $0xb8;
	[tilespmem:$0xD000] =	vst v63  }
0x36: {  	_ =	swait.ge [sflag:s16], $0x800  }
0x37: {  	s25 =	simm.s32 $0x200;
	[sflag:s16] =	ssyncset.done $0x0  }
.LBB2_4:
0x38: {  	s26 =	sshra.s32 s25, $0x2;
	[sflag:s16] =	ssyncadd.s32 $0xFFFFF800;
	p0 =	sne.s32 s25, $0x9E00  }
0x39: {  	[spmem:s2] =	stream.indirect.scatter.add.f32 [tilespmem:s19], [sflag:$0x1], $0x10, s26, s18, $0xb8;
	[tilespmem:$0xD000] =	vst v63  }
.Ltmp1:
0x3a: {  	_ = 	snop;
	(pc) =	sbr.rel @p0 .LBB2_4-.Ltmp1, $4  }
0x3b: {  	_ = 	snop  }
0x3c: {  	s25 =	sadd.s32 $0x200, s25  }
0x3d: {  	_ =	swait.ge [sflag:s16], $0x800  }
0x3e: {  	[sflag:s16] =	ssyncset.done $0x0  }
0x3f: {  	[sflag:s16] =	ssyncadd.s32 $0xFFFFF800;
	s25 =	sshll.u32 s0, $0x6  }
0x40: {  	s26 =	sshrl.u32 s5, $0x3;
	[bflag:$0x0] =	sbarrier.arrive $0xFFFF;
	s25 =	sor.u32 $0x1C01, s25  }
0x41: {  	[hbm:s6], [sflag:s25] =	dma.local [spmem:s26], $0x800  }
0x42: {  	_ =	swait.ge [sflag:s16], $0x800  }
0x43: {  	[sflag:s16] =	ssyncset.done $0x0  }
0x44: {  	[sflag:s16] =	ssyncadd.s32 $0xFFFFF800  }
0x45: {  	[hbm:s12], [sflag:s25] =	dma.local [spmem:s20], $0x800  }
0x46: {  	_ =	swait.ge [sflag:s16], $0x800  }
0x47: {  	[sflag:s16] =	ssyncset.done $0x0  }
0x48: {  	[sflag:s16] =	ssyncadd.s32 $0xFFFFF800  }
0x49: {  	[hbm:s13], [sflag:s25] =	dma.local [spmem:s21], $0x800  }
0x4a: {  	_ =	swait.ge [sflag:s16], $0x800  }
0x4b: {  	[sflag:s16] =	ssyncset.done $0x0  }
0x4c: {  	[sflag:s16] =	ssyncadd.s32 $0xFFFFF800  }
0x4d: {  	[hbm:s14], [sflag:s25] =	dma.local [spmem:s22], $0x800  }
0x4e: {  	s24 =	sadd.s32 $0x1, s24;
	_ =	swait.ge [sflag:s16], $0x800  }
0x4f: {  	p0 =	sne.s32 s24, s7;
	[sflag:s16] =	ssyncset.done $0x0  }
.Ltmp2:
0x50: {  	[sflag:s16] =	ssyncadd.s32 $0xFFFFF800;
	(pc) =	sbr.rel @p0 .LBB2_1-.Ltmp2, $4  }
0x51: {  	[hbm:s15], [sflag:s25] =	dma.local [spmem:s23], $0x800  }
0x52: {  	_ =	swait.ge [sflag:s16], $0x800  }
0x53: {  	[sflag:s16] =	ssyncset.done $0x0  }
0x54: {  	[sflag:s16] =	ssyncadd.s32 $0xFFFFF800  }
0x55: {  	_ =	sfence.sel $0x180000  }
0x56: {  	[bflag:$0x0] =	sbarrier.arrive $0xFFFF  }
0x57: {  	p0 =	sne.s32 s0, $0x0;
	_ =	strace $0x90000047  }
0x58: {  	s0 =	sadd.s32 @!p0 $0x100000, s1;
	[bflag:$0x2] =	sbarrier.arrive $0xFFFF  }
0x59: {  	[sflag:s0] =	ssyncadd.tile.s32 @!p0 $0x1;
	_ =	shalt  }
.Lfunc_end2:
_tile_overlayer_lowered:
.L_overlay_start_2:
0x5a: {  	(tag) =	ssettag $0x2  }
0x5b: {  	s0 =	rddreg [dreg:$0x0];
	s2 =	stileid.u32  }
0x5c: {  	s1 =	rddreg [dreg:$0x1];
	p0 =	sne.s32 s2, $0x0  }
0x5d: {  	s3 =	rddreg [dreg:$0x2];
	[bflag:$0x3] =	sbarrier.arrive $0xFFFF;
	s2 =	simm.s32 @!p0 $0x1C01  }
0x5e: {  	[timem:s3], [sflag:s2] =	dma.local @!p0 [hbm:s0], s1  }
0x5f: {  	s0 =	simm.s32 @!p0 $0x1  }
0x60: {  	_ =	swait.ge @!p0 [sflag:s0], s1  }
0x61: {  	s1 =	ssub.s32 @!p0 $0x0, s1;
	[sflag:s0] =	ssyncset.done @!p0 $0x0  }
0x62: {  	[sflag:s0] =	ssyncadd.s32 @!p0 s1  }
0x63: {  	[bflag:$0x3] =	sbarrier.arrive $0xFFFF  }
0x64: {  	_ =	shalt  }

// kernel: kernel.13.cloned.1.call-start
scs
__scs_entry_jumppad:
0x0: {  	(pc) =	sbr.rel $0x88, $3  }
0x1: {  	(tag) =	ssettag $0x0;
	lr =	simm.s32 $0x1  }
0x2: {  	[smem:$0x3F97] =	sst lr;
	_ =	strace $0xD0000000  }
0x3: {  	_ = 	snop  }
0x4: {  	_ = 	snop  }
0x5: {  	_ = 	snop  }
0x6: {  	_ = 	snop  }
0x7: {  	_ = 	snop  }
__scs_overlays_trampoline_lowered:
0x8: {  	[smem:$0x3FA6] =	sst s0  }
0x9: {  	[smem:$0x3FA7] =	sst s1  }
0xa: {  	[smem:$0x3FA8] =	sst s2  }
0xb: {  	[smem:$0x3FA9] =	sst s3  }
0xc: {  	[smem:$0x3FAA] =	sst s4  }
0xd: {  	[smem:$0x3FAB] =	sst s5  }
0xe: {  	[smem:$0x3FAC] =	sst s6  }
0xf: {  	[smem:$0x3FAD] =	sst s7  }
0x10: {  	[smem:$0x3FAE] =	sst s8  }
0x11: {  	[smem:$0x3FAF] =	sst s9;
	s0 =	simm.s32 @!p0 $0x0  }
0x12: {  	s1 =	sld [smem:$0x3F95];
	s0 =	simm.s32 @p0 $0x1  }
0x13: {  	[smem:$0x3FB0] =	sst s0;
	s0 =	simm.s32 @!p1 $0x0  }
0x14: {  	s2 =	sld [smem:$0x3F94];
	s0 =	simm.s32 @p1 $0x1  }
0x15: {  	[smem:$0x3FB1] =	sst s0;
	s0 =	simm.s32 @!p2 $0x0  }
0x16: {  	s3 =	sld [smem:$0x3FDB];
	s0 =	simm.s32 @p2 $0x1  }
0x17: {  	s4 =	simm.s32 $0x1BF5;
	[smem:$0x3FB3] =	sst s0  }
0x18: {  	s0 =	sld [smem:$0x3F96];
	_ =	swait.ge [sflag:s4], $0x0  }
0x19: {  	s7 =	sld [smem:$0x3F97]  }
0x1a: {  	s8 =	sadd.s32 $0xFFFFE003, lr  }
0x1b: {  	s9 =	sadd.s32 $0xFFFFFEF7, lr;
	s5 =	simm.s32 $0xFFFFFFFF;
	p2 =	slt.u32 s8, $0xFFFFF086  }
0x1c: {  	p1 =	slt.u32 s9, $0xF7A;
	s5 =	simm.s32 @!p2 $0x0  }
0x1d: {  	s5 =	simm.s32 @p1 $0x1;
	p0 =	seq.s32 s7, s2  }
0x1e: {  	s7 =	smul.u32 @!p0 $0xF7A, s2;
	p2 =	seq.s32 @!p0 s5, $0x0  }
0x1f: {  	s9 =	smul.u32 $0xF7A, s1;
	s8 =	simm.s32 @!p0 $0x1BF5;
	p2 =	por !p2, p0  }
0x20: {  	[sflag:s8] =	ssyncset.s32 @!p0 $0xFFFFF086;
	s6 =	sadd.s32 @!p0 s3, s7;
	s7 =	simm.s32 @!p0 $0x108  }
0x21: {  	s3 =	sadd.s32 s3, s9;
	s6 =	sadd.s32 @!p0 $0x88, s6;
	s7 =	simm.s32 @p2 $0x1082  }
0x22: {  	[simem:s7], [sflag:s8] =	dma.local @!p0 [hbm:s6], $0xF7A  }
0x23: {  	s9 =	sor.u32 $0xD0000000, s2;
	s6 =	simm.s32 $0x108;
	_ =	swait.ge @!p0 [sflag:s8], $0x0  }
0x24: {  	s3 =	sadd.s32 $0x88, s3;
	s6 =	simm.s32 @!p1 $0x1082;
	[sflag:s4] =	ssyncset.s32 $0xFFFFF086  }
0x25: {  	[simem:s6], [sflag:s4] =	dma.local [hbm:s3], $0xF7A  }
0x26: {  	[smem:$0x3F97] =	sst s1;
	(tag) =	ssettag s2;
	_ =	strace s9  }
0x27: {  	s1 =	sld [smem:$0x3FA7]  }
0x28: {  	s2 =	sld [smem:$0x3FA8]  }
0x29: {  	s4 =	sld [smem:$0x3FAA]  }
0x2a: {  	p0 =	seq.s32 s5, $0x0;
	s5 =	sld [smem:$0x3FAB]  }
0x2b: {  	s6 =	sld [smem:$0x3FAC]  }
0x2c: {  	s7 =	sld [smem:$0x3FAD]  }
0x2d: {  	s3 =	simm.s32 $0x108;
	s8 =	sld [smem:$0x3FAE]  }
0x2e: {  	s3 =	simm.s32 @!p0 $0x1082;
	s9 =	sld [smem:$0x3FAF]  }
0x2f: {  	lr =	sadd.s32 s0, s3;
	s0 =	sld [smem:$0x3FA6]  }
0x30: {  	s3 =	sld [smem:$0x3FA9]  }
0x31: {  	[smem:$0x3FB2] =	sst s10  }
0x32: {  	s10 =	sld [smem:$0x3FB0];
	_ =	sdelay $0x3  }
0x33: {  	p0 =	seq.s32 s10, $0x1;
	s10 =	sld [smem:$0x3FB2];
	_ =	sdelay $0x3  }
0x34: {  	[smem:$0x3FB2] =	sst s10  }
0x35: {  	s10 =	sld [smem:$0x3FB1];
	_ =	sdelay $0x3  }
0x36: {  	p1 =	seq.s32 s10, $0x1;
	s10 =	sld [smem:$0x3FB2];
	_ =	sdelay $0x3  }
0x37: {  	[smem:$0x3FB2] =	sst s10  }
0x38: {  	s10 =	sld [smem:$0x3FB3]  }
0x39: {  	_ = 	snop;
	(pc) =	sbr.ind lr, $3  }
0x3a: {  	_ = 	snop  }
0x3b: {  	_ = 	snop  }
0x3c: {  	p2 =	seq.s32 s10, $0x1;
	s10 =	sld [smem:$0x3FB2]  }
0x3d: {  	_ =	shalt  }
0x3e: {  	_ =	shalt  }
0x3f: {  	_ =	shalt  }
0x40: {  	_ =	shalt  }
0x41: {  	_ =	shalt  }
0x42: {  	_ =	shalt  }
0x43: {  	_ =	shalt  }
0x44: {  	_ =	shalt  }
0x45: {  	_ =	shalt  }
0x46: {  	_ =	shalt  }
0x47: {  	_ =	shalt  }
0x48: {  	_ =	shalt  }
0x49: {  	_ =	shalt  }
0x4a: {  	_ =	shalt  }
0x4b: {  	_ =	shalt  }
0x4c: {  	_ =	shalt  }
0x4d: {  	_ =	shalt  }
0x4e: {  	_ =	shalt  }
0x4f: {  	_ =	shalt  }
0x50: {  	_ =	shalt  }
0x51: {  	_ =	shalt  }
0x52: {  	_ =	shalt  }
0x53: {  	_ =	shalt  }
0x54: {  	_ =	shalt  }
0x55: {  	_ =	shalt  }
0x56: {  	_ =	shalt  }
0x57: {  	_ =	shalt  }
0x58: {  	_ =	shalt  }
0x59: {  	_ =	shalt  }
0x5a: {  	_ =	shalt  }
0x5b: {  	_ =	shalt  }
0x5c: {  	_ =	shalt  }
0x5d: {  	_ =	shalt  }
0x5e: {  	_ =	shalt  }
0x5f: {  	_ =	shalt  }
0x60: {  	_ =	shalt  }
0x61: {  	_ =	shalt  }
0x62: {  	_ =	shalt  }
0x63: {  	_ =	shalt  }
0x64: {  	_ =	shalt  }
0x65: {  	_ =	shalt  }
0x66: {  	_ =	shalt  }
0x67: {  	_ =	shalt  }
0x68: {  	_ =	shalt  }
0x69: {  	_ =	shalt  }
0x6a: {  	_ =	shalt  }
0x6b: {  	_ =	shalt  }
0x6c: {  	_ =	shalt  }
0x6d: {  	_ =	shalt  }
0x6e: {  	_ =	shalt  }
0x6f: {  	_ =	shalt  }
0x70: {  	_ =	shalt  }
0x71: {  	_ =	shalt  }
0x72: {  	_ =	shalt  }
0x73: {  	_ =	shalt  }
0x74: {  	_ =	shalt  }
0x75: {  	_ =	shalt  }
0x76: {  	_ =	shalt  }
0x77: {  	_ =	shalt  }
0x78: {  	_ =	shalt  }
0x79: {  	_ =	shalt  }
0x7a: {  	_ =	shalt  }
0x7b: {  	_ =	shalt  }
0x7c: {  	_ =	shalt  }
0x7d: {  	_ =	shalt  }
0x7e: {  	_ =	shalt  }
0x7f: {  	_ =	shalt  }
0x80: {  	_ =	shalt  }
0x81: {  	_ =	shalt  }
0x82: {  	_ =	shalt  }
0x83: {  	_ =	shalt  }
0x84: {  	_ =	shalt  }
0x85: {  	_ =	shalt  }
0x86: {  	_ =	shalt  }
0x87: {  	_ =	shalt  }
.Lfunc_end0:
.L_simem_size_0:
called_computation.1_lowered:
.L_overlay_start_0:
0x88: {  	s2 =	sld [smem:$0x3FD9]  }
0x89: {  	s3 =	sld [smem:$0x3FFE];
	_ =	sdelay $0x1  }
0x8a: {  	s1 =	srdreg.scid  }
0x8b: {  	s0 =	sand.u32 $0x1, s1  }
0x8c: {  	s17 =	sshll.u32 s0, $0xA;
	s2 =	sadd.s32 s3, s2  }
0x8d: {  	s2 =	sadd.s32 s2, s17  }
0x8e: {  	[smem:$0x3FBE] =	sst s2  }
0x8f: {  	_ = 	snop  }
0x90: {  	s2 =	sld [smem:$0x3FD0];
	(tm) =	ssettm $0x1  }
0x91: {  	s18 =	sld [smem:$0x3FFB];
	_ =	sdelay $0x3  }
0x92: {  	_ =	strace s18  }
0x93: {  	s3 =	sld [smem:$0x3FFC];
	_ =	sdelay $0x3  }
0x94: {  	_ =	strace s3  }
0x95: {  	s3 =	sld [smem:$0x3FFD];
	_ =	sdelay $0x3  }
0x96: {  	_ =	strace s3  }
0x97: {  	_ =	strace $0x8FFFFFFF  }
0x98: {  	s19 =	sld [smem:$0x3FDB];
	_ =	sdelay $0x1  }
0x99: {  	s4 =	simm.s32 $_scs_section_size  }
0x9a: {  	s5 =	simm.s32 $_size__tile_overlayer_lowered;
	s6 =	simm.s32 $_tile_overlayer_lowered  }
0x9b: {  	s22 =	simm.s32 $0x1BFF;
	s21 =	sshll.u32 s6, $0x1;
	s3 =	sadd.s32 s4, s19  }
0x9c: {  	s7 =	simm.s32 $0x0;
	s20 =	sshll.u32 s5, $0x1;
	s5 =	sadd.s32 s21, s3  }
0x9d: {  	[timem:s7], [sflag:s22] =	dma.local [hbm:s5], s20  }
0x9e: {  	_ =	swait.ge [sflag:s22], s20  }
0x9f: {  	s4 =	ssub.s32 $0x0, s20;
	[sflag:s22] =	ssyncset.done $0x0  }
0xa0: {  	[sflag:s22] =	ssyncadd.s32 s4;
	_ =	sdelay $0x1  }
0xa1: {  	s23 =	simm.s32 $0x1B8B  }
0xa2: {  	_ =	swait.ge [sflag:s23], $0x1  }
0xa3: {  	[sflag:s23] =	ssyncset.done $0x0  }
0xa4: {  	s25 =	simm.s32 $0x1B8E;
	s24 =	sld [smem:$0x3FFE];
	[sflag:s23] =	ssyncadd.s32 $0xFFFFFFFF  }
0xa5: {  	s26 =	simm.s32 $execute0_lowered;
	[smem:$0x3FD2] =	sst s25  }
0xa6: {  	s5 =	sshll.u32 s26, $0x1;
	_ =	strace $0x80000049;
	[dreg:$0x1] =	wrdreg $0xFFFFFFFF  }
0xa7: {  	s28 =	simm.s32 $_size_execute0_lowered;
	s3 =	sadd.s32 s3, s5;
	[dreg:$0x0] =	wrdreg $0x0  }
0xa8: {  	s5 =	sshll.u32 s28, $0x1;
	[dreg:$0x2] =	wrdreg s3  }
0xa9: {  	[dreg:$0x3] =	wrdreg s5  }
0xaa: {  	[dreg:$0x4] =	wrdreg $0xC0  }
0xab: {  	_ =	task [dreg:s7], $0x5FFFF  }
0xac: {  	[dreg:$0x1] =	wrdreg $0xFFFFFFFF  }
0xad: {  	[dreg:$0x0] =	wrdreg $0x60  }
0xae: {  	[dreg:$0x2] =	wrdreg s2  }
0xaf: {  	[dreg:$0x3] =	wrdreg s24  }
0xb0: {  	[dreg:$0x4] =	wrdreg $0x88000  }
0xb1: {  	[dreg:$0x5] =	wrdreg $0x9  }
0xb2: {  	_ =	task.clear_ibuf [dreg:s7], $0x6FFFF;
	_ =	strace $0x90000049  }
0xb3: {  	s29 =	simm.s32 $0x9;
	_ =	strace $0x8000004B  }
0xb4: {  	_ =	swait.ge [sflag:s29], $0x1  }
0xb5: {  	[sflag:s29] =	ssyncadd.s32 $0xFFFFFFFF  }
0xb6: {  	_ =	strace $0x9000004B  }
0xb7: {  	_ =	sfence  }
0xb8: {  	s30 =	sld [smem:$0x0];
	_ =	sdelay $0x2  }
0xb9: {  	s31 =	sshll.u32 s1, $0xD;
	s1 =	sshrl.u32 s1, $0x2  }
0xba: {  	s3 =	sand.u32 $0x4000, s31;
	s1 =	sadd.s32 s1, s30  }
0xbb: {  	s0 =	sor.u32 s3, s0;
	s1 =	sshll.u32 s1, $0x11  }
0xbc: {  	s0 =	sor.u32 s1, s0  }
0xbd: {  	s0 =	sadd.s32 $0x8F2B, s0  }
0xbe: {  	[sflag:s0] =	ssyncadd.remote.s32 $0x1  }
0xbf: {  	_ =	sfence.sel $0xFFFF  }
0xc0: {  	[dreg:$0x0] =	wrdreg $0xFFFFFFFF;
	(pc) =	sbr.abs _section_cstart, $3  }
0xc1: {  	[dreg:$0x1] =	wrdreg $0xFFFFFFFF  }
0xc2: {  	_ =	task.clear_ibuf [dreg:s7], $0x2FFFF;
	_ =	strace $0x9FFFFFFF  }
0xc3: {  	(tm) =	ssettm $0x7FFFFFFF  }
tec
execute0_lowered:
.L_overlay_start_1:
0x0: {  	(tag) =	ssettag $0x1  }
0x1: {  	s1 =	rddreg [dreg:$0x0]  }
0x2: {  	s0 =	rddreg [dreg:$0x1]  }
0x3: {  	s2 =	rddreg [dreg:$0x2]  }
0x4: {  	s3 =	simm.s32 $0x0;
	s5 =	srdreg.scid;
	s24 =	stileid.u32  }
0x5: {  	s28 =	simm.s32 $0x80;
	s29 =	simm.s32 $0x4800;
	s30 =	simm.s32 $0x1  }
0x6: {  	s31 =	simm.s32 $0x2;
	[smem:$0x7FF] =	sst s3;
	s4 =	sadd.s32 $0x3800, s0  }
0x7: {  	s6 =	sadd.s32 $0xD800, s0;
	s7 =	sand.u32 $0x1, s5;
	s21 =	smul.u32 $0x50000, s24  }
0x8: {  	s0 =	sadd.s32 $0x17800, s0;
	s11 =	smul.u32 $0x14000, s24;
	s22 =	sshll.u32 s24, $0x7  }
0x9: {  	_ =	strace $0x8000004A;
	s8 =	ssub.s32 $0x2, s7;
	s9 =	smul.u32 $0x140000, s7  }
0xa: {  	p0 =	seq.s32 s7, $0x1;
	s23 =	sor.u32 $0x9800, s22;
	s10 =	sshrl.u32 s8, $0x1  }
0xb: {  	s5 =	sshrl.u32 s21, $0x2;
	s12 =	sadd.s32 s4, s23;
	s13 =	sadd.s32 s6, s23  }
0xc: {  	s17 =	sadd.s32 $0x4000, s11;
	s22 =	sadd.s32 $0x8000, s11;
	s8 =	ssub.s32 s8, s10  }
0xd: {  	s25 =	sadd.s32 s5, s2;
	s26 =	sadd.s32 s9, s11;
	[dreg:$0x5] =	wrdreg s12  }
0xe: {  	[dreg:$0x6] =	wrdreg s13;
	s20 =	sadd.s32 s9, s17;
	s5 =	sadd.s32 s9, s22  }
0xf: {  	s7 =	sadd.s32 s17, s2;
	s12 =	sadd.s32 $0xC000, s11;
	s11 =	sadd.s32 $0x10000, s11  }
0x10: {  	s10 =	sadd.s32 s22, s2;
	s14 =	sshrl.u32 s26, $0x3;
	s16 =	smax.u32 s8, $0x1  }
0x11: {  	s18 =	sadd.s32 $0x4000, s25;
	s19 =	sadd.s32 $0x8000, s25;
	s21 =	sadd.s32 $0xC000, s25  }
0x12: {  	s8 =	sshrl.u32 s20, $0x3;
	s23 =	sadd.s32 $0x10000, s25;
	[dreg:$0x4] =	wrdreg s25  }
0x13: {  	s13 =	sadd.s32 s9, s12;
	s9 =	sadd.s32 s9, s11;
	[dreg:$0x8] =	wrdreg s16  }
0x14: {  	s12 =	sadd.s32 s12, s2;
	s17 =	sadd.s32 s11, s2;
	[dreg:$0x9] =	wrdreg s18  }
0x15: {  	s20 =	simm.s32 $0x800;
	s22 =	sshrl.u32 s7, $0x3;
	[dreg:$0xa] =	wrdreg s19  }
0x16: {  	s7 =	simm.s32 $0x180;
	s11 =	simm.s32 $0x600;
	[dreg:$0xb] =	wrdreg s21  }
0x17: {  	s15 =	sadd.s32 s0, s14;
	[dreg:$0xc] =	wrdreg s23;
	s26 =	sadd.s32 s0, s8  }
0x18: {  	s8 =	sshrl.u32 s5, $0x3;
	s16 =	smul.u32 $0x980, s24;
	[dreg:$0x11] =	wrdreg s22  }
0x19: {  	s21 =	simm.s32 $0x3;
	s23 =	sshrl.u32 s10, $0x3;
	[dreg:$0x7] =	wrdreg s15  }
0x1a: {  	s10 =	simm.s32 $0x280;
	[dreg:$0xd] =	wrdreg s26;
	s8 =	sadd.s32 s0, s8  }
0x1b: {  	s15 =	sshrl.u32 s9, $0x3;
	[dreg:$0x12] =	wrdreg s23;
	s26 =	sshrl.u32 s12, $0x3  }
0x1c: {  	s9 =	simm.s32 $0x200;
	s12 =	simm.s32 $0x680;
	[dreg:$0xe] =	wrdreg s8  }
0x1d: {  	s8 =	sshrl.u32 s13, $0x3;
	s18 =	sadd.s32 s16, s6;
	s19 =	sadd.s32 s16, s4  }
0x1e: {  	[dreg:$0x13] =	wrdreg s26;
	s26 =	simm.s32 $0x400;
	s6 =	simm.s32 $0x100  }
.Ltmp0:
0x1f: {  	s4 =	simm.s32 $0x500;
	s13 =	simm.s32 $0x300;
	(pc) =	sbr.rel .LBB2_1-.Ltmp0, $4  }
0x20: {  	s16 =	simm.s32 $0x780;
	s14 =	sadd.s32 s0, s8;
	s0 =	sadd.s32 s0, s15  }
0x21: {  	s8 =	simm.s32 $0x580;
	s15 =	simm.s32 $0x700;
	[dreg:$0xf] =	wrdreg s14  }
0x22: {  	[dreg:$0x10] =	wrdreg s0;
	s0 =	sshrl.u32 s17, $0x3;
	s14 =	simm.s32 $0x380  }
0x23: {  	v0 =	vimm.f32 $0.0e+00;
	s17 =	simm.s32 $0x0;
	[dreg:$0x14] =	wrdreg s0;
	s0 =	simm.s32 $0x480  }
.LBB2_7:
0x24: {  	s5 =	rddreg [dreg:$0x5]  }
0x25: {  	[tilespmem:s3], [sflag:$0x3] =	stream.linear.gather [hbm4b:s5+s3], $0x400, $0x38;
	[tilespmem:$0x1C800] =	vst v63  }
0x26: {  	_ =	swait.ge [sflag:s21], $0x400  }
0x27: {  	[sflag:s21] =	ssyncset.done $0x0  }
0x28: {  	s23 =	rddreg [dreg:$0x6];
	[sflag:s21] =	ssyncadd.s32 $0xFFFFFC00  }
0x29: {  	[tilespmem:s26], [sflag:$0x3] =	stream.linear.gather [hbm4b:s23+s3], $0x400, $0x38;
	[tilespmem:$0x1C800] =	vst v63  }
0x2a: {  	_ =	swait.ge [sflag:s21], $0x400  }
0x2b: {  	[sflag:s21] =	ssyncset.done $0x0  }
0x2c: {  	[sflag:s21] =	ssyncadd.s32 $0xFFFFFC00  }
0x2d: {  	[tilespmem:s20], [sflag:$0x1] =	stream.indirect.gather [hbm4b:s1+s28], $0x80, s3, s28, $0xb8;
	[tilespmem:$0x1C800] =	vst v63  }
0x2e: {  	_ = 	snop  }
0x2f: {  	[tilespmem:s29], [sflag:$0x2] =	stream.indirect.gather [hbm4b:s1+s28], $0x80, s28, s28, $0xb8;
	[tilespmem:$0x1C800] =	vst v63  }
0x30: {  	_ =	swait.ge [sflag:s30], $0x4000  }
0x31: {  	[sflag:s30] =	ssyncset.done $0x0  }
0x32: {  	[sflag:s30] =	ssyncadd.s32 $0xFFFFC000  }
0x33: {  	[spmem:s2] =	stream.indirect.scatter.add.f32 [tilespmem:s20], [sflag:$0x3], $0x80, s26, s28, $0xb8;
	[tilespmem:$0x1C800] =	vst v63  }
0x34: {  	_ =	swait.ge [sflag:s21], $0x4000  }
0x35: {  	[sflag:s21] =	ssyncset.done $0x0  }
0x36: {  	[sflag:s21] =	ssyncadd.s32 $0xFFFFC000  }
0x37: {  	_ =	swait.ge [sflag:s31], $0x4000  }
0x38: {  	[sflag:s31] =	ssyncset.done $0x0  }
0x39: {  	[sflag:s31] =	ssyncadd.s32 $0xFFFFC000  }
0x3a: {  	[spmem:s2] =	stream.indirect.scatter.add.f32 [tilespmem:s29], [sflag:$0x3], $0x80, s0, s28, $0xb8;
	[tilespmem:$0x1C800] =	vst v63  }
0x3b: {  	_ =	swait.ge [sflag:s21], $0x4000  }
0x3c: {  	[sflag:s21] =	ssyncset.done $0x0  }
0x3d: {  	[sflag:s21] =	ssyncadd.s32 $0xFFFFC000  }
0x3e: {  	[tilespmem:s20], [sflag:$0x1] =	stream.indirect.gather [hbm4b:s1+s28], $0x80, s6, s28, $0xb8;
	[tilespmem:$0x1C800] =	vst v63  }
0x3f: {  	_ = 	snop  }
0x40: {  	[tilespmem:s29], [sflag:$0x2] =	stream.indirect.gather [hbm4b:s1+s28], $0x80, s7, s28, $0xb8;
	[tilespmem:$0x1C800] =	vst v63  }
0x41: {  	_ =	swait.ge [sflag:s30], $0x4000  }
0x42: {  	[sflag:s30] =	ssyncset.done $0x0  }
0x43: {  	[sflag:s30] =	ssyncadd.s32 $0xFFFFC000  }
0x44: {  	[spmem:s2] =	stream.indirect.scatter.add.f32 [tilespmem:s20], [sflag:$0x3], $0x80, s4, s28, $0xb8;
	[tilespmem:$0x1C800] =	vst v63  }
0x45: {  	_ =	swait.ge [sflag:s21], $0x4000  }
0x46: {  	[sflag:s21] =	ssyncset.done $0x0  }
0x47: {  	[sflag:s21] =	ssyncadd.s32 $0xFFFFC000  }
0x48: {  	_ =	swait.ge [sflag:s31], $0x4000  }
0x49: {  	[sflag:s31] =	ssyncset.done $0x0  }
0x4a: {  	[sflag:s31] =	ssyncadd.s32 $0xFFFFC000  }
0x4b: {  	[spmem:s2] =	stream.indirect.scatter.add.f32 [tilespmem:s29], [sflag:$0x3], $0x80, s8, s28, $0xb8;
	[tilespmem:$0x1C800] =	vst v63  }
0x4c: {  	_ =	swait.ge [sflag:s21], $0x4000  }
0x4d: {  	[sflag:s21] =	ssyncset.done $0x0  }
0x4e: {  	[sflag:s21] =	ssyncadd.s32 $0xFFFFC000  }
0x4f: {  	[tilespmem:s20], [sflag:$0x1] =	stream.indirect.gather [hbm4b:s1+s28], $0x80, s9, s28, $0xb8;
	[tilespmem:$0x1C800] =	vst v63  }
0x50: {  	_ = 	snop  }
0x51: {  	[tilespmem:s29], [sflag:$0x2] =	stream.indirect.gather [hbm4b:s1+s28], $0x80, s10, s28, $0xb8;
	[tilespmem:$0x1C800] =	vst v63  }
0x52: {  	_ =	swait.ge [sflag:s30], $0x4000  }
0x53: {  	[sflag:s30] =	ssyncset.done $0x0  }
0x54: {  	[sflag:s30] =	ssyncadd.s32 $0xFFFFC000  }
0x55: {  	[spmem:s2] =	stream.indirect.scatter.add.f32 [tilespmem:s20], [sflag:$0x3], $0x80, s11, s28, $0xb8;
	[tilespmem:$0x1C800] =	vst v63  }
0x56: {  	_ =	swait.ge [sflag:s21], $0x4000  }
0x57: {  	[sflag:s21] =	ssyncset.done $0x0  }
0x58: {  	[sflag:s21] =	ssyncadd.s32 $0xFFFFC000  }
0x59: {  	_ =	swait.ge [sflag:s31], $0x4000  }
0x5a: {  	[sflag:s31] =	ssyncset.done $0x0  }
0x5b: {  	[sflag:s31] =	ssyncadd.s32 $0xFFFFC000  }
0x5c: {  	[spmem:s2] =	stream.indirect.scatter.add.f32 [tilespmem:s29], [sflag:$0x3], $0x80, s12, s28, $0xb8;
	[tilespmem:$0x1C800] =	vst v63  }
0x5d: {  	_ =	swait.ge [sflag:s21], $0x4000  }
0x5e: {  	[sflag:s21] =	ssyncset.done $0x0  }
0x5f: {  	[sflag:s21] =	ssyncadd.s32 $0xFFFFC000  }
0x60: {  	[tilespmem:s20], [sflag:$0x1] =	stream.indirect.gather [hbm4b:s1+s28], $0x80, s13, s28, $0xb8;
	[tilespmem:$0x1C800] =	vst v63  }
0x61: {  	_ = 	snop  }
0x62: {  	[tilespmem:s29], [sflag:$0x2] =	stream.indirect.gather [hbm4b:s1+s28], $0x80, s14, s28, $0xb8;
	[tilespmem:$0x1C800] =	vst v63  }
0x63: {  	_ =	swait.ge [sflag:s30], $0x4000  }
0x64: {  	[sflag:s30] =	ssyncset.done $0x0  }
0x65: {  	[sflag:s30] =	ssyncadd.s32 $0xFFFFC000  }
0x66: {  	[spmem:s2] =	stream.indirect.scatter.add.f32 [tilespmem:s20], [sflag:$0x3], $0x80, s15, s28, $0xb8;
	[tilespmem:$0x1C800] =	vst v63  }
0x67: {  	_ =	swait.ge [sflag:s21], $0x4000  }
0x68: {  	[sflag:s21] =	ssyncset.done $0x0  }
0x69: {  	[sflag:s21] =	ssyncadd.s32 $0xFFFFC000  }
0x6a: {  	_ =	swait.ge [sflag:s31], $0x4000  }
0x6b: {  	[sflag:s31] =	ssyncset.done $0x0  }
0x6c: {  	[sflag:s31] =	ssyncadd.s32 $0xFFFFC000  }
0x6d: {  	[spmem:s2] =	stream.indirect.scatter.add.f32 [tilespmem:s29], [sflag:$0x3], $0x80, s16, s28, $0xb8;
	[tilespmem:$0x1C800] =	vst v63  }
0x6e: {  	_ =	swait.ge [sflag:s21], $0x4000  }
0x6f: {  	[sflag:s21] =	ssyncset.done $0x0  }
0x70: {  	[sflag:s21] =	ssyncadd.s32 $0xFFFFC000  }
.LBB2_8:
0x71: {  	s5 =	sshll.u32 s24, $0x6;
	[bflag:$0x0] =	sbarrier.arrive $0xFFFF  }
0x72: {  	s22 =	sshrl.u32 s25, $0x3;
	s5 =	sor.u32 $0x1C03, s5;
	s23 =	rddreg [dreg:$0x7]  }
0x73: {  	[hbm:s23], [sflag:s5] =	dma.local [spmem:s22], $0x800  }
0x74: {  	_ =	swait.ge [sflag:s21], $0x800  }
0x75: {  	[sflag:s21] =	ssyncset.done $0x0;
	s22 =	rddreg [dreg:$0xd]  }
0x76: {  	s23 =	rddreg [dreg:$0x11];
	[sflag:s21] =	ssyncadd.s32 $0xFFFFF800  }
0x77: {  	[hbm:s22], [sflag:s5] =	dma.local [spmem:s23], $0x800  }
0x78: {  	_ =	swait.ge [sflag:s21], $0x800  }
0x79: {  	[sflag:s21] =	ssyncset.done $0x0;
	s22 =	rddreg [dreg:$0xe]  }
0x7a: {  	s23 =	rddreg [dreg:$0x12];
	[sflag:s21] =	ssyncadd.s32 $0xFFFFF800  }
0x7b: {  	[hbm:s22], [sflag:s5] =	dma.local [spmem:s23], $0x800  }
0x7c: {  	_ =	swait.ge [sflag:s21], $0x800  }
0x7d: {  	[sflag:s21] =	ssyncset.done $0x0;
	s22 =	rddreg [dreg:$0xf]  }
0x7e: {  	s23 =	rddreg [dreg:$0x13];
	[sflag:s21] =	ssyncadd.s32 $0xFFFFF800  }
0x7f: {  	[hbm:s22], [sflag:s5] =	dma.local [spmem:s23], $0x800  }
0x80: {  	_ =	swait.ge [sflag:s21], $0x800  }
0x81: {  	[sflag:s21] =	ssyncset.done $0x0;
	s22 =	rddreg [dreg:$0x10]  }
0x82: {  	s23 =	rddreg [dreg:$0x14];
	[sflag:s21] =	ssyncadd.s32 $0xFFFFF800  }
0x83: {  	[hbm:s22], [sflag:s5] =	dma.local [spmem:s23], $0x800  }
0x84: {  	_ =	swait.ge [sflag:s21], $0x800  }
0x85: {  	s17 =	sadd.s32 $0x1, s17;
	s23 =	rddreg [dreg:$0x8]  }
0x86: {  	p1 =	sne.s32 s17, s23  }
.Ltmp1:
0x87: {  	_ = 	snop;
	(pc) =	sbr.rel @!p1 .LBB2_9-.Ltmp1, $3  }
0x88: {  	_ =	sdelay $0x1  }
0x89: {  	[sflag:s21] =	ssyncset.done $0x0  }
0x8a: {  	[sflag:s21] =	ssyncadd.s32 $0xFFFFF800  }
.LBB2_1:
0x8b: {  	s22 =	simm.s32 $0x0;
	s23 =	simm.s32 $0x200  }
.LBB2_2:
0x8c: {  	p1 =	sne.s32 s23, $0xFE00;
	[tilespmem:s22+$0x870] =	vst v0  }
0x8d: {  	[tilespmem:s22+$0x800] =	vst v0  }
0x8e: {  	[tilespmem:s22+$0x810] =	vst v0  }
.Ltmp2:
0x8f: {  	[tilespmem:s22+$0x820] =	vst v0;
	(pc) =	sbr.rel @p1 .LBB2_2-.Ltmp2, $4  }
0x90: {  	[tilespmem:s22+$0x830] =	vst v0  }
0x91: {  	[tilespmem:s22+$0x840] =	vst v0  }
0x92: {  	[tilespmem:s22+$0x850] =	vst v0  }
0x93: {  	[tilespmem:s22+$0x860] =	vst v0;
	s22 =	sshra.s32 s23, $0x2;
	s23 =	sadd.s32 $0x200, s23  }
0x94: {  	[tilespmem:s22+$0x870] =	vst v0  }
0x95: {  	[tilespmem:s22+$0x800] =	vst v0  }
0x96: {  	[tilespmem:s22+$0x810] =	vst v0  }
0x97: {  	[tilespmem:s22+$0x820] =	vst v0  }
0x98: {  	[tilespmem:s22+$0x830] =	vst v0  }
0x99: {  	[tilespmem:s22+$0x840] =	vst v0  }
0x9a: {  	[tilespmem:s22+$0x850] =	vst v0  }
0x9b: {  	[tilespmem:s22+$0x860] =	vst v0  }
0x9c: {  	[spmem:s25] =	stream.linear.scatter [tilespmem:s20], [sflag:$0x3], $0x4000, $0x38;
	[tilespmem:$0x1C800] =	vst v63  }
0x9d: {  	_ =	swait.ge [sflag:s21], $0x4000  }
0x9e: {  	[sflag:s21] =	ssyncset.done $0x0  }
0x9f: {  	s5 =	rddreg [dreg:$0x9];
	[sflag:s21] =	ssyncadd.s32 $0xFFFFC000  }
0xa0: {  	[spmem:s5] =	stream.linear.scatter [tilespmem:s20], [sflag:$0x3], $0x4000, $0x38;
	[tilespmem:$0x1C800] =	vst v63  }
0xa1: {  	_ =	swait.ge [sflag:s21], $0x4000  }
0xa2: {  	[sflag:s21] =	ssyncset.done $0x0  }
0xa3: {  	s23 =	rddreg [dreg:$0xa];
	[sflag:s21] =	ssyncadd.s32 $0xFFFFC000  }
0xa4: {  	[spmem:s23] =	stream.linear.scatter [tilespmem:s20], [sflag:$0x3], $0x4000, $0x38;
	[tilespmem:$0x1C800] =	vst v63  }
0xa5: {  	_ =	swait.ge [sflag:s21], $0x4000  }
0xa6: {  	[sflag:s21] =	ssyncset.done $0x0  }
0xa7: {  	s22 =	rddreg [dreg:$0xb];
	[sflag:s21] =	ssyncadd.s32 $0xFFFFC000  }
0xa8: {  	[spmem:s22] =	stream.linear.scatter [tilespmem:s20], [sflag:$0x3], $0x4000, $0x38;
	[tilespmem:$0x1C800] =	vst v63  }
0xa9: {  	_ =	swait.ge [sflag:s21], $0x4000  }
0xaa: {  	[sflag:s21] =	ssyncset.done $0x0  }
0xab: {  	s23 =	rddreg [dreg:$0xc];
	[sflag:s21] =	ssyncadd.s32 $0xFFFFC000  }
0xac: {  	[spmem:s23] =	stream.linear.scatter [tilespmem:s20], [sflag:$0x3], $0x4000, $0x38;
	[tilespmem:$0x1C800] =	vst v63  }
.Ltmp3:
0xad: {  	_ =	swait.ge [sflag:s21], $0x4000;
	(pc) =	sbr.rel @p0 .LBB2_7-.Ltmp3, $3  }
0xae: {  	[sflag:s21] =	ssyncset.done $0x0  }
0xaf: {  	[sflag:s21] =	ssyncadd.s32 $0xFFFFC000  }
0xb0: {  	[bflag:$0x0] =	sbarrier.arrive $0xFFFF;
	_ =	sdelay $0x1  }
0xb1: {  	s22 =	sadd.s32 $0x0, s19  }
0xb2: {  	[tilespmem:s3], [sflag:$0x3] =	stream.linear.gather [hbm4b:s22+s3], $0x400, $0x38;
	[tilespmem:$0x1C800] =	vst v63  }
0xb3: {  	_ =	swait.ge [sflag:s21], $0x400  }
0xb4: {  	[sflag:s21] =	ssyncset.done $0x0  }
0xb5: {  	s25 =	sadd.s32 $0x0, s18;
	[sflag:s21] =	ssyncadd.s32 $0xFFFFFC00  }
0xb6: {  	[tilespmem:s26], [sflag:$0x3] =	stream.linear.gather [hbm4b:s25+s3], $0x400, $0x38;
	[tilespmem:$0x1C800] =	vst v63  }
0xb7: {  	_ =	swait.ge [sflag:s21], $0x400  }
0xb8: {  	[sflag:s21] =	ssyncset.done $0x0  }
0xb9: {  	[sflag:s21] =	ssyncadd.s32 $0xFFFFFC00  }
0xba: {  	[tilespmem:s20], [sflag:$0x1] =	stream.indirect.gather [hbm4b:s1+s28], $0x80, s3, s28, $0xb8;
	[tilespmem:$0x1C800] =	vst v63  }
0xbb: {  	_ = 	snop  }
0xbc: {  	[tilespmem:s29], [sflag:$0x2] =	stream.indirect.gather [hbm4b:s1+s28], $0x80, s28, s28, $0xb8;
	[tilespmem:$0x1C800] =	vst v63  }
0xbd: {  	_ =	swait.ge [sflag:s30], $0x4000  }
0xbe: {  	[sflag:s30] =	ssyncset.done $0x0  }
0xbf: {  	[sflag:s30] =	ssyncadd.s32 $0xFFFFC000  }
0xc0: {  	[spmem:s2] =	stream.indirect.scatter.add.f32 [tilespmem:s20], [sflag:$0x3], $0x80, s26, s28, $0xb8;
	[tilespmem:$0x1C800] =	vst v63  }
0xc1: {  	_ =	swait.ge [sflag:s21], $0x4000  }
0xc2: {  	[sflag:s21] =	ssyncset.done $0x0  }
0xc3: {  	[sflag:s21] =	ssyncadd.s32 $0xFFFFC000  }
0xc4: {  	_ =	swait.ge [sflag:s31], $0x4000  }
0xc5: {  	[sflag:s31] =	ssyncset.done $0x0  }
0xc6: {  	[sflag:s31] =	ssyncadd.s32 $0xFFFFC000  }
0xc7: {  	[spmem:s2] =	stream.indirect.scatter.add.f32 [tilespmem:s29], [sflag:$0x3], $0x80, s0, s28, $0xb8;
	[tilespmem:$0x1C800] =	vst v63  }
0xc8: {  	_ =	swait.ge [sflag:s21], $0x4000  }
0xc9: {  	[sflag:s21] =	ssyncset.done $0x0  }
0xca: {  	[sflag:s21] =	ssyncadd.s32 $0xFFFFC000  }
0xcb: {  	[tilespmem:s20], [sflag:$0x1] =	stream.indirect.gather [hbm4b:s1+s28], $0x80, s6, s28, $0xb8;
	[tilespmem:$0x1C800] =	vst v63  }
0xcc: {  	_ = 	snop  }
0xcd: {  	[tilespmem:s29], [sflag:$0x2] =	stream.indirect.gather [hbm4b:s1+s28], $0x80, s7, s28, $0xb8;
	[tilespmem:$0x1C800] =	vst v63  }
0xce: {  	_ =	swait.ge [sflag:s30], $0x4000  }
0xcf: {  	[sflag:s30] =	ssyncset.done $0x0  }
0xd0: {  	[sflag:s30] =	ssyncadd.s32 $0xFFFFC000  }
0xd1: {  	[spmem:s2] =	stream.indirect.scatter.add.f32 [tilespmem:s20], [sflag:$0x3], $0x80, s4, s28, $0xb8;
	[tilespmem:$0x1C800] =	vst v63  }
0xd2: {  	_ =	swait.ge [sflag:s21], $0x4000  }
0xd3: {  	[sflag:s21] =	ssyncset.done $0x0  }
0xd4: {  	[sflag:s21] =	ssyncadd.s32 $0xFFFFC000  }
0xd5: {  	_ =	swait.ge [sflag:s31], $0x4000  }
0xd6: {  	[sflag:s31] =	ssyncset.done $0x0  }
0xd7: {  	[sflag:s31] =	ssyncadd.s32 $0xFFFFC000  }
0xd8: {  	[spmem:s2] =	stream.indirect.scatter.add.f32 [tilespmem:s29], [sflag:$0x3], $0x80, s8, s28, $0xb8;
	[tilespmem:$0x1C800] =	vst v63  }
0xd9: {  	_ =	swait.ge [sflag:s21], $0x4000  }
0xda: {  	[sflag:s21] =	ssyncset.done $0x0  }
0xdb: {  	[sflag:s21] =	ssyncadd.s32 $0xFFFFC000  }
0xdc: {  	[tilespmem:s20], [sflag:$0x1] =	stream.indirect.gather [hbm4b:s1+s28], $0x80, s9, s28, $0xb8;
	[tilespmem:$0x1C800] =	vst v63  }
0xdd: {  	_ = 	snop  }
0xde: {  	[tilespmem:s29], [sflag:$0x2] =	stream.indirect.gather [hbm4b:s1+s28], $0x80, s10, s28, $0xb8;
	[tilespmem:$0x1C800] =	vst v63  }
0xdf: {  	_ =	swait.ge [sflag:s30], $0x4000  }
0xe0: {  	[sflag:s30] =	ssyncset.done $0x0  }
0xe1: {  	[sflag:s30] =	ssyncadd.s32 $0xFFFFC000  }
0xe2: {  	[spmem:s2] =	stream.indirect.scatter.add.f32 [tilespmem:s20], [sflag:$0x3], $0x80, s11, s28, $0xb8;
	[tilespmem:$0x1C800] =	vst v63  }
0xe3: {  	_ =	swait.ge [sflag:s21], $0x4000  }
0xe4: {  	[sflag:s21] =	ssyncset.done $0x0  }
0xe5: {  	[sflag:s21] =	ssyncadd.s32 $0xFFFFC000  }
0xe6: {  	_ =	swait.ge [sflag:s31], $0x4000  }
0xe7: {  	[sflag:s31] =	ssyncset.done $0x0  }
0xe8: {  	[sflag:s31] =	ssyncadd.s32 $0xFFFFC000  }
0xe9: {  	[spmem:s2] =	stream.indirect.scatter.add.f32 [tilespmem:s29], [sflag:$0x3], $0x80, s12, s28, $0xb8;
	[tilespmem:$0x1C800] =	vst v63  }
0xea: {  	_ =	swait.ge [sflag:s21], $0x4000  }
0xeb: {  	[sflag:s21] =	ssyncset.done $0x0  }
0xec: {  	[sflag:s21] =	ssyncadd.s32 $0xFFFFC000  }
0xed: {  	[tilespmem:s20], [sflag:$0x1] =	stream.indirect.gather [hbm4b:s1+s28], $0x80, s13, s28, $0xb8;
	[tilespmem:$0x1C800] =	vst v63  }
0xee: {  	_ = 	snop  }
0xef: {  	[tilespmem:s29], [sflag:$0x2] =	stream.indirect.gather [hbm4b:s1+s28], $0x80, s14, s28, $0xb8;
	[tilespmem:$0x1C800] =	vst v63  }
0xf0: {  	_ =	swait.ge [sflag:s30], $0x4000  }
0xf1: {  	[sflag:s30] =	ssyncset.done $0x0  }
0xf2: {  	[sflag:s30] =	ssyncadd.s32 $0xFFFFC000  }
0xf3: {  	[spmem:s2] =	stream.indirect.scatter.add.f32 [tilespmem:s20], [sflag:$0x3], $0x80, s15, s28, $0xb8;
	[tilespmem:$0x1C800] =	vst v63  }
0xf4: {  	_ =	swait.ge [sflag:s21], $0x4000  }
0xf5: {  	[sflag:s21] =	ssyncset.done $0x0  }
0xf6: {  	[sflag:s21] =	ssyncadd.s32 $0xFFFFC000  }
0xf7: {  	_ =	swait.ge [sflag:s31], $0x4000  }
0xf8: {  	[sflag:s31] =	ssyncset.done $0x0  }
0xf9: {  	[sflag:s31] =	ssyncadd.s32 $0xFFFFC000  }
0xfa: {  	[spmem:s2] =	stream.indirect.scatter.add.f32 [tilespmem:s29], [sflag:$0x3], $0x80, s16, s28, $0xb8;
	[tilespmem:$0x1C800] =	vst v63  }
0xfb: {  	_ =	swait.ge [sflag:s21], $0x4000  }
0xfc: {  	s23 =	simm.s32 $0x100;
	s22 =	simm.s32 $0x80;
	[sflag:s21] =	ssyncset.done $0x0  }
.LBB2_5:
0xfd: {  	s25 =	sadd.s32 s22, s19  }
0xfe: {  	[sflag:s21] =	ssyncadd.s32 $0xFFFFC000;
	s5 =	smov.u32 s23;
	s24 =	sadd.s32 $0x80, s23  }
0xff: {  	[tilespmem:s3], [sflag:$0x3] =	stream.linear.gather [hbm4b:s25+s3], $0x400, $0x38;
	[tilespmem:$0x1C800] =	vst v63  }
0x100: {  	p1 =	seq.s32 s23, $0x900;
	_ =	swait.ge [sflag:s21], $0x400  }
0x101: {  	[sflag:s21] =	ssyncset.done $0x0  }
0x102: {  	s23 =	sadd.s32 s22, s18;
	s22 =	smov.u32 s5;
	[sflag:s21] =	ssyncadd.s32 $0xFFFFFC00  }
0x103: {  	[tilespmem:s26], [sflag:$0x3] =	stream.linear.gather [hbm4b:s23+s3], $0x400, $0x38;
	[tilespmem:$0x1C800] =	vst v63  }
0x104: {  	_ =	swait.ge [sflag:s21], $0x400  }
0x105: {  	[sflag:s21] =	ssyncset.done $0x0  }
0x106: {  	[sflag:s21] =	ssyncadd.s32 $0xFFFFFC00  }
0x107: {  	[tilespmem:s20], [sflag:$0x1] =	stream.indirect.gather [hbm4b:s1+s28], $0x80, s3, s28, $0xb8;
	[tilespmem:$0x1C800] =	vst v63  }
0x108: {  	_ = 	snop  }
0x109: {  	[tilespmem:s29], [sflag:$0x2] =	stream.indirect.gather [hbm4b:s1+s28], $0x80, s28, s28, $0xb8;
	[tilespmem:$0x1C800] =	vst v63  }
0x10a: {  	_ =	swait.ge [sflag:s30], $0x4000  }
0x10b: {  	[sflag:s30] =	ssyncset.done $0x0  }
0x10c: {  	[sflag:s30] =	ssyncadd.s32 $0xFFFFC000  }
0x10d: {  	[spmem:s2] =	stream.indirect.scatter.add.f32 [tilespmem:s20], [sflag:$0x3], $0x80, s26, s28, $0xb8;
	[tilespmem:$0x1C800] =	vst v63  }
0x10e: {  	_ =	swait.ge [sflag:s21], $0x4000  }
0x10f: {  	[sflag:s21] =	ssyncset.done $0x0  }
0x110: {  	[sflag:s21] =	ssyncadd.s32 $0xFFFFC000  }
0x111: {  	_ =	swait.ge [sflag:s31], $0x4000  }
0x112: {  	[sflag:s31] =	ssyncset.done $0x0  }
0x113: {  	[sflag:s31] =	ssyncadd.s32 $0xFFFFC000  }
0x114: {  	[spmem:s2] =	stream.indirect.scatter.add.f32 [tilespmem:s29], [sflag:$0x3], $0x80, s0, s28, $0xb8;
	[tilespmem:$0x1C800] =	vst v63  }
0x115: {  	_ =	swait.ge [sflag:s21], $0x4000  }
0x116: {  	[sflag:s21] =	ssyncset.done $0x0  }
0x117: {  	[sflag:s21] =	ssyncadd.s32 $0xFFFFC000  }
0x118: {  	[tilespmem:s20], [sflag:$0x1] =	stream.indirect.gather [hbm4b:s1+s28], $0x80, s6, s28, $0xb8;
	[tilespmem:$0x1C800] =	vst v63  }
0x119: {  	_ = 	snop  }
0x11a: {  	[tilespmem:s29], [sflag:$0x2] =	stream.indirect.gather [hbm4b:s1+s28], $0x80, s7, s28, $0xb8;
	[tilespmem:$0x1C800] =	vst v63  }
0x11b: {  	_ =	swait.ge [sflag:s30], $0x4000  }
0x11c: {  	[sflag:s30] =	ssyncset.done $0x0  }
0x11d: {  	[sflag:s30] =	ssyncadd.s32 $0xFFFFC000  }
0x11e: {  	[spmem:s2] =	stream.indirect.scatter.add.f32 [tilespmem:s20], [sflag:$0x3], $0x80, s4, s28, $0xb8;
	[tilespmem:$0x1C800] =	vst v63  }
0x11f: {  	_ =	swait.ge [sflag:s21], $0x4000  }
0x120: {  	[sflag:s21] =	ssyncset.done $0x0  }
0x121: {  	[sflag:s21] =	ssyncadd.s32 $0xFFFFC000  }
0x122: {  	_ =	swait.ge [sflag:s31], $0x4000  }
0x123: {  	[sflag:s31] =	ssyncset.done $0x0  }
0x124: {  	[sflag:s31] =	ssyncadd.s32 $0xFFFFC000  }
0x125: {  	[spmem:s2] =	stream.indirect.scatter.add.f32 [tilespmem:s29], [sflag:$0x3], $0x80, s8, s28, $0xb8;
	[tilespmem:$0x1C800] =	vst v63  }
0x126: {  	_ =	swait.ge [sflag:s21], $0x4000  }
0x127: {  	[sflag:s21] =	ssyncset.done $0x0  }
0x128: {  	[sflag:s21] =	ssyncadd.s32 $0xFFFFC000  }
0x129: {  	[tilespmem:s20], [sflag:$0x1] =	stream.indirect.gather [hbm4b:s1+s28], $0x80, s9, s28, $0xb8;
	[tilespmem:$0x1C800] =	vst v63  }
0x12a: {  	_ = 	snop  }
0x12b: {  	[tilespmem:s29], [sflag:$0x2] =	stream.indirect.gather [hbm4b:s1+s28], $0x80, s10, s28, $0xb8;
	[tilespmem:$0x1C800] =	vst v63  }
0x12c: {  	_ =	swait.ge [sflag:s30], $0x4000  }
0x12d: {  	[sflag:s30] =	ssyncset.done $0x0  }
0x12e: {  	[sflag:s30] =	ssyncadd.s32 $0xFFFFC000  }
0x12f: {  	[spmem:s2] =	stream.indirect.scatter.add.f32 [tilespmem:s20], [sflag:$0x3], $0x80, s11, s28, $0xb8;
	[tilespmem:$0x1C800] =	vst v63  }
0x130: {  	_ =	swait.ge [sflag:s21], $0x4000  }
0x131: {  	[sflag:s21] =	ssyncset.done $0x0  }
0x132: {  	[sflag:s21] =	ssyncadd.s32 $0xFFFFC000  }
0x133: {  	_ =	swait.ge [sflag:s31], $0x4000  }
0x134: {  	[sflag:s31] =	ssyncset.done $0x0  }
0x135: {  	[sflag:s31] =	ssyncadd.s32 $0xFFFFC000  }
0x136: {  	[spmem:s2] =	stream.indirect.scatter.add.f32 [tilespmem:s29], [sflag:$0x3], $0x80, s12, s28, $0xb8;
	[tilespmem:$0x1C800] =	vst v63  }
0x137: {  	_ =	swait.ge [sflag:s21], $0x4000  }
0x138: {  	[sflag:s21] =	ssyncset.done $0x0  }
0x139: {  	[sflag:s21] =	ssyncadd.s32 $0xFFFFC000  }
0x13a: {  	[tilespmem:s20], [sflag:$0x1] =	stream.indirect.gather [hbm4b:s1+s28], $0x80, s13, s28, $0xb8;
	[tilespmem:$0x1C800] =	vst v63  }
0x13b: {  	_ = 	snop  }
0x13c: {  	[tilespmem:s29], [sflag:$0x2] =	stream.indirect.gather [hbm4b:s1+s28], $0x80, s14, s28, $0xb8;
	[tilespmem:$0x1C800] =	vst v63  }
0x13d: {  	_ =	swait.ge [sflag:s30], $0x4000  }
0x13e: {  	[sflag:s30] =	ssyncset.done $0x0  }
0x13f: {  	[sflag:s30] =	ssyncadd.s32 $0xFFFFC000  }
0x140: {  	[spmem:s2] =	stream.indirect.scatter.add.f32 [tilespmem:s20], [sflag:$0x3], $0x80, s15, s28, $0xb8;
	[tilespmem:$0x1C800] =	vst v63  }
0x141: {  	_ =	swait.ge [sflag:s21], $0x4000  }
0x142: {  	[sflag:s21] =	ssyncset.done $0x0  }
0x143: {  	[sflag:s21] =	ssyncadd.s32 $0xFFFFC000  }
0x144: {  	_ =	swait.ge [sflag:s31], $0x4000  }
.Ltmp4:
0x145: {  	[sflag:s31] =	ssyncset.done $0x0;
	(pc) =	sbr.rel @!p1 .LBB2_5-.Ltmp4, $4  }
0x146: {  	[sflag:s31] =	ssyncadd.s32 $0xFFFFC000  }
0x147: {  	[spmem:s2] =	stream.indirect.scatter.add.f32 [tilespmem:s29], [sflag:$0x3], $0x80, s16, s28, $0xb8;
	[tilespmem:$0x1C800] =	vst v63  }
0x148: {  	_ =	swait.ge [sflag:s21], $0x4000  }
0x149: {  	s23 =	smov.u32 s24;
	[sflag:s21] =	ssyncset.done $0x0  }
0x14a: {  	s5 =	sadd.s32 s22, s19;
	[sflag:s21] =	ssyncadd.s32 $0xFFFFC000  }
0x14b: {  	[tilespmem:s3], [sflag:$0x3] =	stream.linear.gather [hbm4b:s5+s3], $0x400, $0x38;
	[tilespmem:$0x1C800] =	vst v63  }
0x14c: {  	_ =	swait.ge [sflag:s21], $0x400  }
0x14d: {  	[sflag:s21] =	ssyncset.done $0x0  }
0x14e: {  	s25 =	sadd.s32 s22, s18;
	[sflag:s21] =	ssyncadd.s32 $0xFFFFFC00  }
0x14f: {  	[tilespmem:s26], [sflag:$0x3] =	stream.linear.gather [hbm4b:s25+s3], $0x400, $0x38;
	[tilespmem:$0x1C800] =	vst v63  }
0x150: {  	_ =	swait.ge [sflag:s21], $0x400  }
0x151: {  	[sflag:s21] =	ssyncset.done $0x0  }
0x152: {  	[sflag:s21] =	ssyncadd.s32 $0xFFFFFC00  }
0x153: {  	[tilespmem:s20], [sflag:$0x1] =	stream.indirect.gather [hbm4b:s1+s28], $0x80, s3, s28, $0xb8;
	[tilespmem:$0x1C800] =	vst v63  }
0x154: {  	_ = 	snop  }
0x155: {  	[tilespmem:s29], [sflag:$0x2] =	stream.indirect.gather [hbm4b:s1+s28], $0x80, s28, s28, $0xb8;
	[tilespmem:$0x1C800] =	vst v63  }
0x156: {  	_ =	swait.ge [sflag:s30], $0x4000  }
0x157: {  	[sflag:s30] =	ssyncset.done $0x0  }
0x158: {  	[sflag:s30] =	ssyncadd.s32 $0xFFFFC000  }
0x159: {  	[spmem:s2] =	stream.indirect.scatter.add.f32 [tilespmem:s20], [sflag:$0x3], $0x80, s26, s28, $0xb8;
	[tilespmem:$0x1C800] =	vst v63  }
0x15a: {  	_ =	swait.ge [sflag:s21], $0x4000  }
0x15b: {  	[sflag:s21] =	ssyncset.done $0x0  }
0x15c: {  	[sflag:s21] =	ssyncadd.s32 $0xFFFFC000  }
0x15d: {  	_ =	swait.ge [sflag:s31], $0x4000  }
0x15e: {  	[sflag:s31] =	ssyncset.done $0x0  }
0x15f: {  	[sflag:s31] =	ssyncadd.s32 $0xFFFFC000  }
0x160: {  	[spmem:s2] =	stream.indirect.scatter.add.f32 [tilespmem:s29], [sflag:$0x3], $0x80, s0, s28, $0xb8;
	[tilespmem:$0x1C800] =	vst v63  }
0x161: {  	_ =	swait.ge [sflag:s21], $0x4000  }
0x162: {  	[sflag:s21] =	ssyncset.done $0x0  }
0x163: {  	[sflag:s21] =	ssyncadd.s32 $0xFFFFC000  }
0x164: {  	[tilespmem:s20], [sflag:$0x1] =	stream.indirect.gather [hbm4b:s1+s28], $0x80, s6, s28, $0xb8;
	[tilespmem:$0x1C800] =	vst v63  }
0x165: {  	_ = 	snop  }
0x166: {  	[tilespmem:s29], [sflag:$0x2] =	stream.indirect.gather [hbm4b:s1+s28], $0x80, s7, s28, $0xb8;
	[tilespmem:$0x1C800] =	vst v63  }
0x167: {  	_ =	swait.ge [sflag:s30], $0x4000  }
0x168: {  	[sflag:s30] =	ssyncset.done $0x0  }
0x169: {  	[sflag:s30] =	ssyncadd.s32 $0xFFFFC000  }
0x16a: {  	[spmem:s2] =	stream.indirect.scatter.add.f32 [tilespmem:s20], [sflag:$0x3], $0x80, s4, s28, $0xb8;
	[tilespmem:$0x1C800] =	vst v63  }
0x16b: {  	_ =	swait.ge [sflag:s21], $0x4000  }
0x16c: {  	[sflag:s21] =	ssyncset.done $0x0  }
0x16d: {  	[sflag:s21] =	ssyncadd.s32 $0xFFFFC000  }
0x16e: {  	_ =	swait.ge [sflag:s31], $0x4000  }
0x16f: {  	[sflag:s31] =	ssyncset.done $0x0  }
0x170: {  	[sflag:s31] =	ssyncadd.s32 $0xFFFFC000  }
0x171: {  	[spmem:s2] =	stream.indirect.scatter.add.f32 [tilespmem:s29], [sflag:$0x3], $0x80, s8, s28, $0xb8;
	[tilespmem:$0x1C800] =	vst v63  }
0x172: {  	_ =	swait.ge [sflag:s21], $0x4000  }
0x173: {  	[sflag:s21] =	ssyncset.done $0x0  }
0x174: {  	[sflag:s21] =	ssyncadd.s32 $0xFFFFC000  }
0x175: {  	[tilespmem:s20], [sflag:$0x1] =	stream.indirect.gather [hbm4b:s1+s28], $0x80, s9, s28, $0xb8;
	[tilespmem:$0x1C800] =	vst v63  }
0x176: {  	_ = 	snop  }
0x177: {  	[tilespmem:s29], [sflag:$0x2] =	stream.indirect.gather [hbm4b:s1+s28], $0x80, s10, s28, $0xb8;
	[tilespmem:$0x1C800] =	vst v63  }
0x178: {  	_ =	swait.ge [sflag:s30], $0x4000  }
0x179: {  	[sflag:s30] =	ssyncset.done $0x0  }
0x17a: {  	[sflag:s30] =	ssyncadd.s32 $0xFFFFC000  }
0x17b: {  	[spmem:s2] =	stream.indirect.scatter.add.f32 [tilespmem:s20], [sflag:$0x3], $0x80, s11, s28, $0xb8;
	[tilespmem:$0x1C800] =	vst v63  }
0x17c: {  	_ =	swait.ge [sflag:s21], $0x4000  }
0x17d: {  	[sflag:s21] =	ssyncset.done $0x0  }
0x17e: {  	[sflag:s21] =	ssyncadd.s32 $0xFFFFC000  }
0x17f: {  	_ =	swait.ge [sflag:s31], $0x4000  }
0x180: {  	[sflag:s31] =	ssyncset.done $0x0  }
0x181: {  	[sflag:s31] =	ssyncadd.s32 $0xFFFFC000  }
0x182: {  	[spmem:s2] =	stream.indirect.scatter.add.f32 [tilespmem:s29], [sflag:$0x3], $0x80, s12, s28, $0xb8;
	[tilespmem:$0x1C800] =	vst v63  }
0x183: {  	_ =	swait.ge [sflag:s21], $0x4000  }
0x184: {  	[sflag:s21] =	ssyncset.done $0x0  }
0x185: {  	[sflag:s21] =	ssyncadd.s32 $0xFFFFC000  }
0x186: {  	[tilespmem:s20], [sflag:$0x1] =	stream.indirect.gather [hbm4b:s1+s28], $0x80, s13, s28, $0xb8;
	[tilespmem:$0x1C800] =	vst v63  }
0x187: {  	_ = 	snop  }
0x188: {  	[tilespmem:s29], [sflag:$0x2] =	stream.indirect.gather [hbm4b:s1+s28], $0x80, s14, s28, $0xb8;
	[tilespmem:$0x1C800] =	vst v63  }
0x189: {  	_ =	swait.ge [sflag:s30], $0x4000  }
0x18a: {  	[sflag:s30] =	ssyncset.done $0x0  }
0x18b: {  	[sflag:s30] =	ssyncadd.s32 $0xFFFFC000  }
0x18c: {  	[spmem:s2] =	stream.indirect.scatter.add.f32 [tilespmem:s20], [sflag:$0x3], $0x80, s15, s28, $0xb8;
	[tilespmem:$0x1C800] =	vst v63  }
0x18d: {  	_ =	swait.ge [sflag:s21], $0x4000  }
0x18e: {  	[sflag:s21] =	ssyncset.done $0x0  }
0x18f: {  	[sflag:s21] =	ssyncadd.s32 $0xFFFFC000  }
0x190: {  	_ =	swait.ge [sflag:s31], $0x4000  }
0x191: {  	[sflag:s31] =	ssyncset.done $0x0  }
.Ltmp5:
0x192: {  	[sflag:s31] =	ssyncadd.s32 $0xFFFFC000;
	(pc) =	sbr.rel .LBB2_8-.Ltmp5, $4  }
0x193: {  	[spmem:s2] =	stream.indirect.scatter.add.f32 [tilespmem:s29], [sflag:$0x3], $0x80, s16, s28, $0xb8;
	[tilespmem:$0x1C800] =	vst v63  }
0x194: {  	_ =	swait.ge [sflag:s21], $0x4000  }
0x195: {  	[sflag:s21] =	ssyncset.done $0x0  }
0x196: {  	s24 =	stileid.u32;
	s25 =	rddreg [dreg:$0x4];
	[sflag:s21] =	ssyncadd.s32 $0xFFFFC000  }
.LBB2_9:
0x197: {  	_ =	sfence.sel $0x180000  }
0x198: {  	[bflag:$0x0] =	sbarrier.arrive $0xFFFF  }
0x199: {  	_ =	strace $0x9000004A  }
0x19a: {  	[bflag:$0x2] =	sbarrier.arrive $0xFFFF  }
0x19b: {  	p0 =	sne.s32 s24, $0x0;
	s0 =	rddreg [dreg:$0x3]  }
0x19c: {  	s0 =	sadd.s32 @!p0 $0x100000, s0  }
0x19d: {  	[sflag:s0] =	ssyncadd.tile.s32 @!p0 $0x1;
	_ =	shalt  }
.Lfunc_end2:
_tile_overlayer_lowered:
.L_overlay_start_2:
0x19e: {  	(tag) =	ssettag $0x2  }
0x19f: {  	s0 =	rddreg [dreg:$0x0];
	s2 =	stileid.u32  }
0x1a0: {  	s1 =	rddreg [dreg:$0x1];
	p0 =	sne.s32 s2, $0x0  }
0x1a1: {  	s3 =	rddreg [dreg:$0x2];
	[bflag:$0x3] =	sbarrier.arrive $0xFFFF;
	s2 =	simm.s32 @!p0 $0x1C03  }
0x1a2: {  	[timem:s3], [sflag:s2] =	dma.local @!p0 [hbm:s0], s1  }
0x1a3: {  	s0 =	simm.s32 @!p0 $0x3  }
0x1a4: {  	_ =	swait.ge @!p0 [sflag:s0], s1  }
0x1a5: {  	s1 =	ssub.s32 @!p0 $0x0, s1;
	[sflag:s0] =	ssyncset.done @!p0 $0x0  }
0x1a6: {  	[sflag:s0] =	ssyncadd.s32 @!p0 s1  }
0x1a7: {  	[bflag:$0x3] =	sbarrier.arrive $0xFFFF  }
0x1a8: {  	_ =	shalt  }

// kernel: kernel.16.cloned.1.call-start
scs
__scs_entry_jumppad:
0x0: {  	(pc) =	sbr.rel $0x88, $3  }
0x1: {  	(tag) =	ssettag $0x0;
	lr =	simm.s32 $0x1  }
0x2: {  	[smem:$0x3F97] =	sst lr;
	_ =	strace $0xD0000000  }
0x3: {  	_ = 	snop  }
0x4: {  	_ = 	snop  }
0x5: {  	_ = 	snop  }
0x6: {  	_ = 	snop  }
0x7: {  	_ = 	snop  }
__scs_overlays_trampoline_lowered:
0x8: {  	[smem:$0x3FA6] =	sst s0  }
0x9: {  	[smem:$0x3FA7] =	sst s1  }
0xa: {  	[smem:$0x3FA8] =	sst s2  }
0xb: {  	[smem:$0x3FA9] =	sst s3  }
0xc: {  	[smem:$0x3FAA] =	sst s4  }
0xd: {  	[smem:$0x3FAB] =	sst s5  }
0xe: {  	[smem:$0x3FAC] =	sst s6  }
0xf: {  	[smem:$0x3FAD] =	sst s7  }
0x10: {  	[smem:$0x3FAE] =	sst s8  }
0x11: {  	[smem:$0x3FAF] =	sst s9;
	s0 =	simm.s32 @!p0 $0x0  }
0x12: {  	s1 =	sld [smem:$0x3F95];
	s0 =	simm.s32 @p0 $0x1  }
0x13: {  	[smem:$0x3FB0] =	sst s0;
	s0 =	simm.s32 @!p1 $0x0  }
0x14: {  	s2 =	sld [smem:$0x3F94];
	s0 =	simm.s32 @p1 $0x1  }
0x15: {  	[smem:$0x3FB1] =	sst s0;
	s0 =	simm.s32 @!p2 $0x0  }
0x16: {  	s3 =	sld [smem:$0x3FDB];
	s0 =	simm.s32 @p2 $0x1  }
0x17: {  	s4 =	simm.s32 $0x1BF5;
	[smem:$0x3FB3] =	sst s0  }
0x18: {  	s0 =	sld [smem:$0x3F96];
	_ =	swait.ge [sflag:s4], $0x0  }
0x19: {  	s7 =	sld [smem:$0x3F97]  }
0x1a: {  	s8 =	sadd.s32 $0xFFFFE003, lr  }
0x1b: {  	s9 =	sadd.s32 $0xFFFFFEF7, lr;
	s5 =	simm.s32 $0xFFFFFFFF;
	p2 =	slt.u32 s8, $0xFFFFF086  }
0x1c: {  	p1 =	slt.u32 s9, $0xF7A;
	s5 =	simm.s32 @!p2 $0x0  }
0x1d: {  	s5 =	simm.s32 @p1 $0x1;
	p0 =	seq.s32 s7, s2  }
0x1e: {  	s7 =	smul.u32 @!p0 $0xF7A, s2;
	p2 =	seq.s32 @!p0 s5, $0x0  }
0x1f: {  	s9 =	smul.u32 $0xF7A, s1;
	s8 =	simm.s32 @!p0 $0x1BF5;
	p2 =	por !p2, p0  }
0x20: {  	[sflag:s8] =	ssyncset.s32 @!p0 $0xFFFFF086;
	s6 =	sadd.s32 @!p0 s3, s7;
	s7 =	simm.s32 @!p0 $0x108  }
0x21: {  	s3 =	sadd.s32 s3, s9;
	s6 =	sadd.s32 @!p0 $0x88, s6;
	s7 =	simm.s32 @p2 $0x1082  }
0x22: {  	[simem:s7], [sflag:s8] =	dma.local @!p0 [hbm:s6], $0xF7A  }
0x23: {  	s9 =	sor.u32 $0xD0000000, s2;
	s6 =	simm.s32 $0x108;
	_ =	swait.ge @!p0 [sflag:s8], $0x0  }
0x24: {  	s3 =	sadd.s32 $0x88, s3;
	s6 =	simm.s32 @!p1 $0x1082;
	[sflag:s4] =	ssyncset.s32 $0xFFFFF086  }
0x25: {  	[simem:s6], [sflag:s4] =	dma.local [hbm:s3], $0xF7A  }
0x26: {  	[smem:$0x3F97] =	sst s1;
	(tag) =	ssettag s2;
	_ =	strace s9  }
0x27: {  	s1 =	sld [smem:$0x3FA7]  }
0x28: {  	s2 =	sld [smem:$0x3FA8]  }
0x29: {  	s4 =	sld [smem:$0x3FAA]  }
0x2a: {  	p0 =	seq.s32 s5, $0x0;
	s5 =	sld [smem:$0x3FAB]  }
0x2b: {  	s6 =	sld [smem:$0x3FAC]  }
0x2c: {  	s7 =	sld [smem:$0x3FAD]  }
0x2d: {  	s3 =	simm.s32 $0x108;
	s8 =	sld [smem:$0x3FAE]  }
0x2e: {  	s3 =	simm.s32 @!p0 $0x1082;
	s9 =	sld [smem:$0x3FAF]  }
0x2f: {  	lr =	sadd.s32 s0, s3;
	s0 =	sld [smem:$0x3FA6]  }
0x30: {  	s3 =	sld [smem:$0x3FA9]  }
0x31: {  	[smem:$0x3FB2] =	sst s10  }
0x32: {  	s10 =	sld [smem:$0x3FB0];
	_ =	sdelay $0x3  }
0x33: {  	p0 =	seq.s32 s10, $0x1;
	s10 =	sld [smem:$0x3FB2];
	_ =	sdelay $0x3  }
0x34: {  	[smem:$0x3FB2] =	sst s10  }
0x35: {  	s10 =	sld [smem:$0x3FB1];
	_ =	sdelay $0x3  }
0x36: {  	p1 =	seq.s32 s10, $0x1;
	s10 =	sld [smem:$0x3FB2];
	_ =	sdelay $0x3  }
0x37: {  	[smem:$0x3FB2] =	sst s10  }
0x38: {  	s10 =	sld [smem:$0x3FB3]  }
0x39: {  	_ = 	snop;
	(pc) =	sbr.ind lr, $3  }
0x3a: {  	_ = 	snop  }
0x3b: {  	_ = 	snop  }
0x3c: {  	p2 =	seq.s32 s10, $0x1;
	s10 =	sld [smem:$0x3FB2]  }
0x3d: {  	_ =	shalt  }
0x3e: {  	_ =	shalt  }
0x3f: {  	_ =	shalt  }
0x40: {  	_ =	shalt  }
0x41: {  	_ =	shalt  }
0x42: {  	_ =	shalt  }
0x43: {  	_ =	shalt  }
0x44: {  	_ =	shalt  }
0x45: {  	_ =	shalt  }
0x46: {  	_ =	shalt  }
0x47: {  	_ =	shalt  }
0x48: {  	_ =	shalt  }
0x49: {  	_ =	shalt  }
0x4a: {  	_ =	shalt  }
0x4b: {  	_ =	shalt  }
0x4c: {  	_ =	shalt  }
0x4d: {  	_ =	shalt  }
0x4e: {  	_ =	shalt  }
0x4f: {  	_ =	shalt  }
0x50: {  	_ =	shalt  }
0x51: {  	_ =	shalt  }
0x52: {  	_ =	shalt  }
0x53: {  	_ =	shalt  }
0x54: {  	_ =	shalt  }
0x55: {  	_ =	shalt  }
0x56: {  	_ =	shalt  }
0x57: {  	_ =	shalt  }
0x58: {  	_ =	shalt  }
0x59: {  	_ =	shalt  }
0x5a: {  	_ =	shalt  }
0x5b: {  	_ =	shalt  }
0x5c: {  	_ =	shalt  }
0x5d: {  	_ =	shalt  }
0x5e: {  	_ =	shalt  }
0x5f: {  	_ =	shalt  }
0x60: {  	_ =	shalt  }
0x61: {  	_ =	shalt  }
0x62: {  	_ =	shalt  }
0x63: {  	_ =	shalt  }
0x64: {  	_ =	shalt  }
0x65: {  	_ =	shalt  }
0x66: {  	_ =	shalt  }
0x67: {  	_ =	shalt  }
0x68: {  	_ =	shalt  }
0x69: {  	_ =	shalt  }
0x6a: {  	_ =	shalt  }
0x6b: {  	_ =	shalt  }
0x6c: {  	_ =	shalt  }
0x6d: {  	_ =	shalt  }
0x6e: {  	_ =	shalt  }
0x6f: {  	_ =	shalt  }
0x70: {  	_ =	shalt  }
0x71: {  	_ =	shalt  }
0x72: {  	_ =	shalt  }
0x73: {  	_ =	shalt  }
0x74: {  	_ =	shalt  }
0x75: {  	_ =	shalt  }
0x76: {  	_ =	shalt  }
0x77: {  	_ =	shalt  }
0x78: {  	_ =	shalt  }
0x79: {  	_ =	shalt  }
0x7a: {  	_ =	shalt  }
0x7b: {  	_ =	shalt  }
0x7c: {  	_ =	shalt  }
0x7d: {  	_ =	shalt  }
0x7e: {  	_ =	shalt  }
0x7f: {  	_ =	shalt  }
0x80: {  	_ =	shalt  }
0x81: {  	_ =	shalt  }
0x82: {  	_ =	shalt  }
0x83: {  	_ =	shalt  }
0x84: {  	_ =	shalt  }
0x85: {  	_ =	shalt  }
0x86: {  	_ =	shalt  }
0x87: {  	_ =	shalt  }
.Lfunc_end0:
.L_simem_size_0:
called_computation.2_lowered:
.L_overlay_start_0:
0x88: {  	s2 =	sld [smem:$0x3FD9]  }
0x89: {  	s3 =	sld [smem:$0x3FFE];
	_ =	sdelay $0x1  }
0x8a: {  	s1 =	srdreg.scid  }
0x8b: {  	s0 =	sand.u32 $0x1, s1  }
0x8c: {  	s17 =	sshll.u32 s0, $0xA;
	s2 =	sadd.s32 s3, s2  }
0x8d: {  	s2 =	sadd.s32 s2, s17  }
0x8e: {  	[smem:$0x3FBE] =	sst s2  }
0x8f: {  	_ = 	snop  }
0x90: {  	s2 =	sld [smem:$0x3FD0];
	(tm) =	ssettm $0x1  }
0x91: {  	s18 =	sld [smem:$0x3FFB];
	_ =	sdelay $0x3  }
0x92: {  	_ =	strace s18  }
0x93: {  	s3 =	sld [smem:$0x3FFC];
	_ =	sdelay $0x3  }
0x94: {  	_ =	strace s3  }
0x95: {  	s3 =	sld [smem:$0x3FFD];
	_ =	sdelay $0x3  }
0x96: {  	_ =	strace s3  }
0x97: {  	_ =	strace $0x8FFFFFFF  }
0x98: {  	s19 =	sld [smem:$0x3FDB];
	_ =	sdelay $0x1  }
0x99: {  	s4 =	simm.s32 $_scs_section_size  }
0x9a: {  	s5 =	simm.s32 $_size__tile_overlayer_lowered;
	s6 =	simm.s32 $_tile_overlayer_lowered  }
0x9b: {  	s22 =	simm.s32 $0x1BFF;
	s21 =	sshll.u32 s6, $0x1;
	s3 =	sadd.s32 s4, s19  }
0x9c: {  	s7 =	simm.s32 $0x0;
	s20 =	sshll.u32 s5, $0x1;
	s5 =	sadd.s32 s21, s3  }
0x9d: {  	[timem:s7], [sflag:s22] =	dma.local [hbm:s5], s20  }
0x9e: {  	_ =	swait.ge [sflag:s22], s20  }
0x9f: {  	s4 =	ssub.s32 $0x0, s20;
	[sflag:s22] =	ssyncset.done $0x0  }
0xa0: {  	[sflag:s22] =	ssyncadd.s32 s4;
	_ =	sdelay $0x1  }
0xa1: {  	s23 =	simm.s32 $0x1B8B  }
0xa2: {  	_ =	swait.ge [sflag:s23], $0x1  }
0xa3: {  	[sflag:s23] =	ssyncset.done $0x0  }
0xa4: {  	s25 =	simm.s32 $0x1B8E;
	s24 =	sld [smem:$0x3FFE];
	[sflag:s23] =	ssyncadd.s32 $0xFFFFFFFF  }
0xa5: {  	s26 =	simm.s32 $execute0_lowered;
	[smem:$0x3FD2] =	sst s25  }
0xa6: {  	s5 =	sshll.u32 s26, $0x1;
	_ =	strace $0x8000004C;
	[dreg:$0x1] =	wrdreg $0xFFFFFFFF  }
0xa7: {  	s28 =	simm.s32 $_size_execute0_lowered;
	s3 =	sadd.s32 s3, s5;
	[dreg:$0x0] =	wrdreg $0x0  }
0xa8: {  	s5 =	sshll.u32 s28, $0x1;
	[dreg:$0x2] =	wrdreg s3  }
0xa9: {  	[dreg:$0x3] =	wrdreg s5  }
0xaa: {  	[dreg:$0x4] =	wrdreg $0xC0  }
0xab: {  	_ =	task [dreg:s7], $0x5FFFF  }
0xac: {  	[dreg:$0x1] =	wrdreg $0xFFFFFFFF  }
0xad: {  	[dreg:$0x0] =	wrdreg $0x60  }
0xae: {  	[dreg:$0x2] =	wrdreg s2  }
0xaf: {  	[dreg:$0x3] =	wrdreg s24  }
0xb0: {  	[dreg:$0x4] =	wrdreg $0x88000  }
0xb1: {  	[dreg:$0x5] =	wrdreg $0x9  }
0xb2: {  	_ =	task.clear_ibuf [dreg:s7], $0x6FFFF;
	_ =	strace $0x9000004C  }
0xb3: {  	s29 =	simm.s32 $0x9;
	_ =	strace $0x8000004E  }
0xb4: {  	_ =	swait.ge [sflag:s29], $0x1  }
0xb5: {  	[sflag:s29] =	ssyncadd.s32 $0xFFFFFFFF  }
0xb6: {  	_ =	strace $0x9000004E  }
0xb7: {  	_ =	sfence  }
0xb8: {  	s30 =	sld [smem:$0x0];
	_ =	sdelay $0x2  }
0xb9: {  	s31 =	sshll.u32 s1, $0xD;
	s1 =	sshrl.u32 s1, $0x2  }
0xba: {  	s3 =	sand.u32 $0x4000, s31;
	s1 =	sadd.s32 s1, s30  }
0xbb: {  	s0 =	sor.u32 s3, s0;
	s1 =	sshll.u32 s1, $0x11  }
0xbc: {  	s0 =	sor.u32 s1, s0  }
0xbd: {  	s0 =	sadd.s32 $0x8F2B, s0  }
0xbe: {  	[sflag:s0] =	ssyncadd.remote.s32 $0x1  }
0xbf: {  	_ =	sfence.sel $0xFFFF  }
0xc0: {  	[dreg:$0x0] =	wrdreg $0xFFFFFFFF;
	(pc) =	sbr.abs _section_cstart, $3  }
0xc1: {  	[dreg:$0x1] =	wrdreg $0xFFFFFFFF  }
0xc2: {  	_ =	task.clear_ibuf [dreg:s7], $0x2FFFF;
	_ =	strace $0x9FFFFFFF  }
0xc3: {  	(tm) =	ssettm $0x7FFFFFFF  }
tec
execute0_lowered:
.L_overlay_start_1:
0x0: {  	(tag) =	ssettag $0x1  }
0x1: {  	s1 =	rddreg [dreg:$0x0]  }
0x2: {  	s0 =	rddreg [dreg:$0x1]  }
0x3: {  	s2 =	rddreg [dreg:$0x2]  }
0x4: {  	s3 =	simm.s32 $0x0;
	s5 =	srdreg.scid;
	s24 =	stileid.u32  }
0x5: {  	s28 =	simm.s32 $0x80;
	s29 =	simm.s32 $0x4800;
	s30 =	simm.s32 $0x1  }
0x6: {  	s31 =	simm.s32 $0x2;
	[smem:$0x7FF] =	sst s3;
	s4 =	sadd.s32 $0x3800, s0  }
0x7: {  	s6 =	sadd.s32 $0xD800, s0;
	s7 =	sand.u32 $0x1, s5;
	s21 =	smul.u32 $0x50000, s24  }
0x8: {  	s0 =	sadd.s32 $0x17800, s0;
	s11 =	smul.u32 $0x14000, s24;
	s22 =	sshll.u32 s24, $0x7  }
0x9: {  	_ =	strace $0x8000004D;
	s8 =	ssub.s32 $0x2, s7;
	s9 =	smul.u32 $0x140000, s7  }
0xa: {  	p0 =	seq.s32 s7, $0x1;
	s23 =	sor.u32 $0x9800, s22;
	s10 =	sshrl.u32 s8, $0x1  }
0xb: {  	s5 =	sshrl.u32 s21, $0x2;
	s12 =	sadd.s32 s4, s23;
	s13 =	sadd.s32 s6, s23  }
0xc: {  	s17 =	sadd.s32 $0x4000, s11;
	s22 =	sadd.s32 $0x8000, s11;
	s8 =	ssub.s32 s8, s10  }
0xd: {  	s25 =	sadd.s32 s5, s2;
	s26 =	sadd.s32 s9, s11;
	[dreg:$0x5] =	wrdreg s12  }
0xe: {  	[dreg:$0x6] =	wrdreg s13;
	s20 =	sadd.s32 s9, s17;
	s5 =	sadd.s32 s9, s22  }
0xf: {  	s7 =	sadd.s32 s17, s2;
	s12 =	sadd.s32 $0xC000, s11;
	s11 =	sadd.s32 $0x10000, s11  }
0x10: {  	s10 =	sadd.s32 s22, s2;
	s14 =	sshrl.u32 s26, $0x3;
	s16 =	smax.u32 s8, $0x1  }
0x11: {  	s18 =	sadd.s32 $0x4000, s25;
	s19 =	sadd.s32 $0x8000, s25;
	s21 =	sadd.s32 $0xC000, s25  }
0x12: {  	s8 =	sshrl.u32 s20, $0x3;
	s23 =	sadd.s32 $0x10000, s25;
	[dreg:$0x4] =	wrdreg s25  }
0x13: {  	s13 =	sadd.s32 s9, s12;
	s9 =	sadd.s32 s9, s11;
	[dreg:$0x8] =	wrdreg s16  }
0x14: {  	s12 =	sadd.s32 s12, s2;
	s17 =	sadd.s32 s11, s2;
	[dreg:$0x9] =	wrdreg s18  }
0x15: {  	s20 =	simm.s32 $0x800;
	s22 =	sshrl.u32 s7, $0x3;
	[dreg:$0xa] =	wrdreg s19  }
0x16: {  	s7 =	simm.s32 $0x180;
	s11 =	simm.s32 $0x600;
	[dreg:$0xb] =	wrdreg s21  }
0x17: {  	s15 =	sadd.s32 s0, s14;
	[dreg:$0xc] =	wrdreg s23;
	s26 =	sadd.s32 s0, s8  }
0x18: {  	s8 =	sshrl.u32 s5, $0x3;
	s16 =	smul.u32 $0x980, s24;
	[dreg:$0x11] =	wrdreg s22  }
0x19: {  	s21 =	simm.s32 $0x3;
	s23 =	sshrl.u32 s10, $0x3;
	[dreg:$0x7] =	wrdreg s15  }
0x1a: {  	s10 =	simm.s32 $0x280;
	[dreg:$0xd] =	wrdreg s26;
	s8 =	sadd.s32 s0, s8  }
0x1b: {  	s15 =	sshrl.u32 s9, $0x3;
	[dreg:$0x12] =	wrdreg s23;
	s26 =	sshrl.u32 s12, $0x3  }
0x1c: {  	s9 =	simm.s32 $0x200;
	s12 =	simm.s32 $0x680;
	[dreg:$0xe] =	wrdreg s8  }
0x1d: {  	s8 =	sshrl.u32 s13, $0x3;
	s18 =	sadd.s32 s16, s6;
	s19 =	sadd.s32 s16, s4  }
0x1e: {  	[dreg:$0x13] =	wrdreg s26;
	s26 =	simm.s32 $0x400;
	s6 =	simm.s32 $0x100  }
.Ltmp0:
0x1f: {  	s4 =	simm.s32 $0x500;
	s13 =	simm.s32 $0x300;
	(pc) =	sbr.rel .LBB2_1-.Ltmp0, $4  }
0x20: {  	s16 =	simm.s32 $0x780;
	s14 =	sadd.s32 s0, s8;
	s0 =	sadd.s32 s0, s15  }
0x21: {  	s8 =	simm.s32 $0x580;
	s15 =	simm.s32 $0x700;
	[dreg:$0xf] =	wrdreg s14  }
0x22: {  	[dreg:$0x10] =	wrdreg s0;
	s0 =	sshrl.u32 s17, $0x3;
	s14 =	simm.s32 $0x380  }
0x23: {  	v0 =	vimm.f32 $0.0e+00;
	s17 =	simm.s32 $0x0;
	[dreg:$0x14] =	wrdreg s0;
	s0 =	simm.s32 $0x480  }
.LBB2_7:
0x24: {  	s5 =	rddreg [dreg:$0x5]  }
0x25: {  	[tilespmem:s3], [sflag:$0x3] =	stream.linear.gather [hbm4b:s5+s3], $0x400, $0x38;
	[tilespmem:$0x1C800] =	vst v63  }
0x26: {  	_ =	swait.ge [sflag:s21], $0x400  }
0x27: {  	[sflag:s21] =	ssyncset.done $0x0  }
0x28: {  	s23 =	rddreg [dreg:$0x6];
	[sflag:s21] =	ssyncadd.s32 $0xFFFFFC00  }
0x29: {  	[tilespmem:s26], [sflag:$0x3] =	stream.linear.gather [hbm4b:s23+s3], $0x400, $0x38;
	[tilespmem:$0x1C800] =	vst v63  }
0x2a: {  	_ =	swait.ge [sflag:s21], $0x400  }
0x2b: {  	[sflag:s21] =	ssyncset.done $0x0  }
0x2c: {  	[sflag:s21] =	ssyncadd.s32 $0xFFFFFC00  }
0x2d: {  	[tilespmem:s20], [sflag:$0x1] =	stream.indirect.gather [hbm4b:s1+s28], $0x80, s3, s28, $0xb8;
	[tilespmem:$0x1C800] =	vst v63  }
0x2e: {  	_ = 	snop  }
0x2f: {  	[tilespmem:s29], [sflag:$0x2] =	stream.indirect.gather [hbm4b:s1+s28], $0x80, s28, s28, $0xb8;
	[tilespmem:$0x1C800] =	vst v63  }
0x30: {  	_ =	swait.ge [sflag:s30], $0x4000  }
0x31: {  	[sflag:s30] =	ssyncset.done $0x0  }
0x32: {  	[sflag:s30] =	ssyncadd.s32 $0xFFFFC000  }
0x33: {  	[spmem:s2] =	stream.indirect.scatter.add.f32 [tilespmem:s20], [sflag:$0x3], $0x80, s26, s28, $0xb8;
	[tilespmem:$0x1C800] =	vst v63  }
0x34: {  	_ =	swait.ge [sflag:s21], $0x4000  }
0x35: {  	[sflag:s21] =	ssyncset.done $0x0  }
0x36: {  	[sflag:s21] =	ssyncadd.s32 $0xFFFFC000  }
0x37: {  	_ =	swait.ge [sflag:s31], $0x4000  }
0x38: {  	[sflag:s31] =	ssyncset.done $0x0  }
0x39: {  	[sflag:s31] =	ssyncadd.s32 $0xFFFFC000  }
0x3a: {  	[spmem:s2] =	stream.indirect.scatter.add.f32 [tilespmem:s29], [sflag:$0x3], $0x80, s0, s28, $0xb8;
	[tilespmem:$0x1C800] =	vst v63  }
0x3b: {  	_ =	swait.ge [sflag:s21], $0x4000  }
0x3c: {  	[sflag:s21] =	ssyncset.done $0x0  }
0x3d: {  	[sflag:s21] =	ssyncadd.s32 $0xFFFFC000  }
0x3e: {  	[tilespmem:s20], [sflag:$0x1] =	stream.indirect.gather [hbm4b:s1+s28], $0x80, s6, s28, $0xb8;
	[tilespmem:$0x1C800] =	vst v63  }
0x3f: {  	_ = 	snop  }
0x40: {  	[tilespmem:s29], [sflag:$0x2] =	stream.indirect.gather [hbm4b:s1+s28], $0x80, s7, s28, $0xb8;
	[tilespmem:$0x1C800] =	vst v63  }
0x41: {  	_ =	swait.ge [sflag:s30], $0x4000  }
0x42: {  	[sflag:s30] =	ssyncset.done $0x0  }
0x43: {  	[sflag:s30] =	ssyncadd.s32 $0xFFFFC000  }
0x44: {  	[spmem:s2] =	stream.indirect.scatter.add.f32 [tilespmem:s20], [sflag:$0x3], $0x80, s4, s28, $0xb8;
	[tilespmem:$0x1C800] =	vst v63  }
0x45: {  	_ =	swait.ge [sflag:s21], $0x4000  }
0x46: {  	[sflag:s21] =	ssyncset.done $0x0  }
0x47: {  	[sflag:s21] =	ssyncadd.s32 $0xFFFFC000  }
0x48: {  	_ =	swait.ge [sflag:s31], $0x4000  }
0x49: {  	[sflag:s31] =	ssyncset.done $0x0  }
0x4a: {  	[sflag:s31] =	ssyncadd.s32 $0xFFFFC000  }
0x4b: {  	[spmem:s2] =	stream.indirect.scatter.add.f32 [tilespmem:s29], [sflag:$0x3], $0x80, s8, s28, $0xb8;
	[tilespmem:$0x1C800] =	vst v63  }
0x4c: {  	_ =	swait.ge [sflag:s21], $0x4000  }
0x4d: {  	[sflag:s21] =	ssyncset.done $0x0  }
0x4e: {  	[sflag:s21] =	ssyncadd.s32 $0xFFFFC000  }
0x4f: {  	[tilespmem:s20], [sflag:$0x1] =	stream.indirect.gather [hbm4b:s1+s28], $0x80, s9, s28, $0xb8;
	[tilespmem:$0x1C800] =	vst v63  }
0x50: {  	_ = 	snop  }
0x51: {  	[tilespmem:s29], [sflag:$0x2] =	stream.indirect.gather [hbm4b:s1+s28], $0x80, s10, s28, $0xb8;
	[tilespmem:$0x1C800] =	vst v63  }
0x52: {  	_ =	swait.ge [sflag:s30], $0x4000  }
0x53: {  	[sflag:s30] =	ssyncset.done $0x0  }
0x54: {  	[sflag:s30] =	ssyncadd.s32 $0xFFFFC000  }
0x55: {  	[spmem:s2] =	stream.indirect.scatter.add.f32 [tilespmem:s20], [sflag:$0x3], $0x80, s11, s28, $0xb8;
	[tilespmem:$0x1C800] =	vst v63  }
0x56: {  	_ =	swait.ge [sflag:s21], $0x4000  }
0x57: {  	[sflag:s21] =	ssyncset.done $0x0  }
0x58: {  	[sflag:s21] =	ssyncadd.s32 $0xFFFFC000  }
0x59: {  	_ =	swait.ge [sflag:s31], $0x4000  }
0x5a: {  	[sflag:s31] =	ssyncset.done $0x0  }
0x5b: {  	[sflag:s31] =	ssyncadd.s32 $0xFFFFC000  }
0x5c: {  	[spmem:s2] =	stream.indirect.scatter.add.f32 [tilespmem:s29], [sflag:$0x3], $0x80, s12, s28, $0xb8;
	[tilespmem:$0x1C800] =	vst v63  }
0x5d: {  	_ =	swait.ge [sflag:s21], $0x4000  }
0x5e: {  	[sflag:s21] =	ssyncset.done $0x0  }
0x5f: {  	[sflag:s21] =	ssyncadd.s32 $0xFFFFC000  }
0x60: {  	[tilespmem:s20], [sflag:$0x1] =	stream.indirect.gather [hbm4b:s1+s28], $0x80, s13, s28, $0xb8;
	[tilespmem:$0x1C800] =	vst v63  }
0x61: {  	_ = 	snop  }
0x62: {  	[tilespmem:s29], [sflag:$0x2] =	stream.indirect.gather [hbm4b:s1+s28], $0x80, s14, s28, $0xb8;
	[tilespmem:$0x1C800] =	vst v63  }
0x63: {  	_ =	swait.ge [sflag:s30], $0x4000  }
0x64: {  	[sflag:s30] =	ssyncset.done $0x0  }
0x65: {  	[sflag:s30] =	ssyncadd.s32 $0xFFFFC000  }
0x66: {  	[spmem:s2] =	stream.indirect.scatter.add.f32 [tilespmem:s20], [sflag:$0x3], $0x80, s15, s28, $0xb8;
	[tilespmem:$0x1C800] =	vst v63  }
0x67: {  	_ =	swait.ge [sflag:s21], $0x4000  }
0x68: {  	[sflag:s21] =	ssyncset.done $0x0  }
0x69: {  	[sflag:s21] =	ssyncadd.s32 $0xFFFFC000  }
0x6a: {  	_ =	swait.ge [sflag:s31], $0x4000  }
0x6b: {  	[sflag:s31] =	ssyncset.done $0x0  }
0x6c: {  	[sflag:s31] =	ssyncadd.s32 $0xFFFFC000  }
0x6d: {  	[spmem:s2] =	stream.indirect.scatter.add.f32 [tilespmem:s29], [sflag:$0x3], $0x80, s16, s28, $0xb8;
	[tilespmem:$0x1C800] =	vst v63  }
0x6e: {  	_ =	swait.ge [sflag:s21], $0x4000  }
0x6f: {  	[sflag:s21] =	ssyncset.done $0x0  }
0x70: {  	[sflag:s21] =	ssyncadd.s32 $0xFFFFC000  }
.LBB2_8:
0x71: {  	s5 =	sshll.u32 s24, $0x6;
	[bflag:$0x0] =	sbarrier.arrive $0xFFFF  }
0x72: {  	s22 =	sshrl.u32 s25, $0x3;
	s5 =	sor.u32 $0x1C03, s5;
	s23 =	rddreg [dreg:$0x7]  }
0x73: {  	[hbm:s23], [sflag:s5] =	dma.local [spmem:s22], $0x800  }
0x74: {  	_ =	swait.ge [sflag:s21], $0x800  }
0x75: {  	[sflag:s21] =	ssyncset.done $0x0;
	s22 =	rddreg [dreg:$0xd]  }
0x76: {  	s23 =	rddreg [dreg:$0x11];
	[sflag:s21] =	ssyncadd.s32 $0xFFFFF800  }
0x77: {  	[hbm:s22], [sflag:s5] =	dma.local [spmem:s23], $0x800  }
0x78: {  	_ =	swait.ge [sflag:s21], $0x800  }
0x79: {  	[sflag:s21] =	ssyncset.done $0x0;
	s22 =	rddreg [dreg:$0xe]  }
0x7a: {  	s23 =	rddreg [dreg:$0x12];
	[sflag:s21] =	ssyncadd.s32 $0xFFFFF800  }
0x7b: {  	[hbm:s22], [sflag:s5] =	dma.local [spmem:s23], $0x800  }
0x7c: {  	_ =	swait.ge [sflag:s21], $0x800  }
0x7d: {  	[sflag:s21] =	ssyncset.done $0x0;
	s22 =	rddreg [dreg:$0xf]  }
0x7e: {  	s23 =	rddreg [dreg:$0x13];
	[sflag:s21] =	ssyncadd.s32 $0xFFFFF800  }
0x7f: {  	[hbm:s22], [sflag:s5] =	dma.local [spmem:s23], $0x800  }
0x80: {  	_ =	swait.ge [sflag:s21], $0x800  }
0x81: {  	[sflag:s21] =	ssyncset.done $0x0;
	s22 =	rddreg [dreg:$0x10]  }
0x82: {  	s23 =	rddreg [dreg:$0x14];
	[sflag:s21] =	ssyncadd.s32 $0xFFFFF800  }
0x83: {  	[hbm:s22], [sflag:s5] =	dma.local [spmem:s23], $0x800  }
0x84: {  	_ =	swait.ge [sflag:s21], $0x800  }
0x85: {  	s17 =	sadd.s32 $0x1, s17;
	s23 =	rddreg [dreg:$0x8]  }
0x86: {  	p1 =	sne.s32 s17, s23  }
.Ltmp1:
0x87: {  	_ = 	snop;
	(pc) =	sbr.rel @!p1 .LBB2_9-.Ltmp1, $3  }
0x88: {  	_ =	sdelay $0x1  }
0x89: {  	[sflag:s21] =	ssyncset.done $0x0  }
0x8a: {  	[sflag:s21] =	ssyncadd.s32 $0xFFFFF800  }
.LBB2_1:
0x8b: {  	s22 =	simm.s32 $0x0;
	s23 =	simm.s32 $0x200  }
.LBB2_2:
0x8c: {  	p1 =	sne.s32 s23, $0xFE00;
	[tilespmem:s22+$0x870] =	vst v0  }
0x8d: {  	[tilespmem:s22+$0x800] =	vst v0  }
0x8e: {  	[tilespmem:s22+$0x810] =	vst v0  }
.Ltmp2:
0x8f: {  	[tilespmem:s22+$0x820] =	vst v0;
	(pc) =	sbr.rel @p1 .LBB2_2-.Ltmp2, $4  }
0x90: {  	[tilespmem:s22+$0x830] =	vst v0  }
0x91: {  	[tilespmem:s22+$0x840] =	vst v0  }
0x92: {  	[tilespmem:s22+$0x850] =	vst v0  }
0x93: {  	[tilespmem:s22+$0x860] =	vst v0;
	s22 =	sshra.s32 s23, $0x2;
	s23 =	sadd.s32 $0x200, s23  }
0x94: {  	[tilespmem:s22+$0x870] =	vst v0  }
0x95: {  	[tilespmem:s22+$0x800] =	vst v0  }
0x96: {  	[tilespmem:s22+$0x810] =	vst v0  }
0x97: {  	[tilespmem:s22+$0x820] =	vst v0  }
0x98: {  	[tilespmem:s22+$0x830] =	vst v0  }
0x99: {  	[tilespmem:s22+$0x840] =	vst v0  }
0x9a: {  	[tilespmem:s22+$0x850] =	vst v0  }
0x9b: {  	[tilespmem:s22+$0x860] =	vst v0  }
0x9c: {  	[spmem:s25] =	stream.linear.scatter [tilespmem:s20], [sflag:$0x3], $0x4000, $0x38;
	[tilespmem:$0x1C800] =	vst v63  }
0x9d: {  	_ =	swait.ge [sflag:s21], $0x4000  }
0x9e: {  	[sflag:s21] =	ssyncset.done $0x0  }
0x9f: {  	s5 =	rddreg [dreg:$0x9];
	[sflag:s21] =	ssyncadd.s32 $0xFFFFC000  }
0xa0: {  	[spmem:s5] =	stream.linear.scatter [tilespmem:s20], [sflag:$0x3], $0x4000, $0x38;
	[tilespmem:$0x1C800] =	vst v63  }
0xa1: {  	_ =	swait.ge [sflag:s21], $0x4000  }
0xa2: {  	[sflag:s21] =	ssyncset.done $0x0  }
0xa3: {  	s23 =	rddreg [dreg:$0xa];
	[sflag:s21] =	ssyncadd.s32 $0xFFFFC000  }
0xa4: {  	[spmem:s23] =	stream.linear.scatter [tilespmem:s20], [sflag:$0x3], $0x4000, $0x38;
	[tilespmem:$0x1C800] =	vst v63  }
0xa5: {  	_ =	swait.ge [sflag:s21], $0x4000  }
0xa6: {  	[sflag:s21] =	ssyncset.done $0x0  }
0xa7: {  	s22 =	rddreg [dreg:$0xb];
	[sflag:s21] =	ssyncadd.s32 $0xFFFFC000  }
0xa8: {  	[spmem:s22] =	stream.linear.scatter [tilespmem:s20], [sflag:$0x3], $0x4000, $0x38;
	[tilespmem:$0x1C800] =	vst v63  }
0xa9: {  	_ =	swait.ge [sflag:s21], $0x4000  }
0xaa: {  	[sflag:s21] =	ssyncset.done $0x0  }
0xab: {  	s23 =	rddreg [dreg:$0xc];
	[sflag:s21] =	ssyncadd.s32 $0xFFFFC000  }
0xac: {  	[spmem:s23] =	stream.linear.scatter [tilespmem:s20], [sflag:$0x3], $0x4000, $0x38;
	[tilespmem:$0x1C800] =	vst v63  }
.Ltmp3:
0xad: {  	_ =	swait.ge [sflag:s21], $0x4000;
	(pc) =	sbr.rel @p0 .LBB2_7-.Ltmp3, $3  }
0xae: {  	[sflag:s21] =	ssyncset.done $0x0  }
0xaf: {  	[sflag:s21] =	ssyncadd.s32 $0xFFFFC000  }
0xb0: {  	[bflag:$0x0] =	sbarrier.arrive $0xFFFF;
	_ =	sdelay $0x1  }
0xb1: {  	s22 =	sadd.s32 $0x0, s19  }
0xb2: {  	[tilespmem:s3], [sflag:$0x3] =	stream.linear.gather [hbm4b:s22+s3], $0x400, $0x38;
	[tilespmem:$0x1C800] =	vst v63  }
0xb3: {  	_ =	swait.ge [sflag:s21], $0x400  }
0xb4: {  	[sflag:s21] =	ssyncset.done $0x0  }
0xb5: {  	s25 =	sadd.s32 $0x0, s18;
	[sflag:s21] =	ssyncadd.s32 $0xFFFFFC00  }
0xb6: {  	[tilespmem:s26], [sflag:$0x3] =	stream.linear.gather [hbm4b:s25+s3], $0x400, $0x38;
	[tilespmem:$0x1C800] =	vst v63  }
0xb7: {  	_ =	swait.ge [sflag:s21], $0x400  }
0xb8: {  	[sflag:s21] =	ssyncset.done $0x0  }
0xb9: {  	[sflag:s21] =	ssyncadd.s32 $0xFFFFFC00  }
0xba: {  	[tilespmem:s20], [sflag:$0x1] =	stream.indirect.gather [hbm4b:s1+s28], $0x80, s3, s28, $0xb8;
	[tilespmem:$0x1C800] =	vst v63  }
0xbb: {  	_ = 	snop  }
0xbc: {  	[tilespmem:s29], [sflag:$0x2] =	stream.indirect.gather [hbm4b:s1+s28], $0x80, s28, s28, $0xb8;
	[tilespmem:$0x1C800] =	vst v63  }
0xbd: {  	_ =	swait.ge [sflag:s30], $0x4000  }
0xbe: {  	[sflag:s30] =	ssyncset.done $0x0  }
0xbf: {  	[sflag:s30] =	ssyncadd.s32 $0xFFFFC000  }
0xc0: {  	[spmem:s2] =	stream.indirect.scatter.add.f32 [tilespmem:s20], [sflag:$0x3], $0x80, s26, s28, $0xb8;
	[tilespmem:$0x1C800] =	vst v63  }
0xc1: {  	_ =	swait.ge [sflag:s21], $0x4000  }
0xc2: {  	[sflag:s21] =	ssyncset.done $0x0  }
0xc3: {  	[sflag:s21] =	ssyncadd.s32 $0xFFFFC000  }
0xc4: {  	_ =	swait.ge [sflag:s31], $0x4000  }
0xc5: {  	[sflag:s31] =	ssyncset.done $0x0  }
0xc6: {  	[sflag:s31] =	ssyncadd.s32 $0xFFFFC000  }
0xc7: {  	[spmem:s2] =	stream.indirect.scatter.add.f32 [tilespmem:s29], [sflag:$0x3], $0x80, s0, s28, $0xb8;
	[tilespmem:$0x1C800] =	vst v63  }
0xc8: {  	_ =	swait.ge [sflag:s21], $0x4000  }
0xc9: {  	[sflag:s21] =	ssyncset.done $0x0  }
0xca: {  	[sflag:s21] =	ssyncadd.s32 $0xFFFFC000  }
0xcb: {  	[tilespmem:s20], [sflag:$0x1] =	stream.indirect.gather [hbm4b:s1+s28], $0x80, s6, s28, $0xb8;
	[tilespmem:$0x1C800] =	vst v63  }
0xcc: {  	_ = 	snop  }
0xcd: {  	[tilespmem:s29], [sflag:$0x2] =	stream.indirect.gather [hbm4b:s1+s28], $0x80, s7, s28, $0xb8;
	[tilespmem:$0x1C800] =	vst v63  }
0xce: {  	_ =	swait.ge [sflag:s30], $0x4000  }
0xcf: {  	[sflag:s30] =	ssyncset.done $0x0  }
0xd0: {  	[sflag:s30] =	ssyncadd.s32 $0xFFFFC000  }
0xd1: {  	[spmem:s2] =	stream.indirect.scatter.add.f32 [tilespmem:s20], [sflag:$0x3], $0x80, s4, s28, $0xb8;
	[tilespmem:$0x1C800] =	vst v63  }
0xd2: {  	_ =	swait.ge [sflag:s21], $0x4000  }
0xd3: {  	[sflag:s21] =	ssyncset.done $0x0  }
0xd4: {  	[sflag:s21] =	ssyncadd.s32 $0xFFFFC000  }
0xd5: {  	_ =	swait.ge [sflag:s31], $0x4000  }
0xd6: {  	[sflag:s31] =	ssyncset.done $0x0  }
0xd7: {  	[sflag:s31] =	ssyncadd.s32 $0xFFFFC000  }
0xd8: {  	[spmem:s2] =	stream.indirect.scatter.add.f32 [tilespmem:s29], [sflag:$0x3], $0x80, s8, s28, $0xb8;
	[tilespmem:$0x1C800] =	vst v63  }
0xd9: {  	_ =	swait.ge [sflag:s21], $0x4000  }
0xda: {  	[sflag:s21] =	ssyncset.done $0x0  }
0xdb: {  	[sflag:s21] =	ssyncadd.s32 $0xFFFFC000  }
0xdc: {  	[tilespmem:s20], [sflag:$0x1] =	stream.indirect.gather [hbm4b:s1+s28], $0x80, s9, s28, $0xb8;
	[tilespmem:$0x1C800] =	vst v63  }
0xdd: {  	_ = 	snop  }
0xde: {  	[tilespmem:s29], [sflag:$0x2] =	stream.indirect.gather [hbm4b:s1+s28], $0x80, s10, s28, $0xb8;
	[tilespmem:$0x1C800] =	vst v63  }
0xdf: {  	_ =	swait.ge [sflag:s30], $0x4000  }
0xe0: {  	[sflag:s30] =	ssyncset.done $0x0  }
0xe1: {  	[sflag:s30] =	ssyncadd.s32 $0xFFFFC000  }
0xe2: {  	[spmem:s2] =	stream.indirect.scatter.add.f32 [tilespmem:s20], [sflag:$0x3], $0x80, s11, s28, $0xb8;
	[tilespmem:$0x1C800] =	vst v63  }
0xe3: {  	_ =	swait.ge [sflag:s21], $0x4000  }
0xe4: {  	[sflag:s21] =	ssyncset.done $0x0  }
0xe5: {  	[sflag:s21] =	ssyncadd.s32 $0xFFFFC000  }
0xe6: {  	_ =	swait.ge [sflag:s31], $0x4000  }
0xe7: {  	[sflag:s31] =	ssyncset.done $0x0  }
0xe8: {  	[sflag:s31] =	ssyncadd.s32 $0xFFFFC000  }
0xe9: {  	[spmem:s2] =	stream.indirect.scatter.add.f32 [tilespmem:s29], [sflag:$0x3], $0x80, s12, s28, $0xb8;
	[tilespmem:$0x1C800] =	vst v63  }
0xea: {  	_ =	swait.ge [sflag:s21], $0x4000  }
0xeb: {  	[sflag:s21] =	ssyncset.done $0x0  }
0xec: {  	[sflag:s21] =	ssyncadd.s32 $0xFFFFC000  }
0xed: {  	[tilespmem:s20], [sflag:$0x1] =	stream.indirect.gather [hbm4b:s1+s28], $0x80, s13, s28, $0xb8;
	[tilespmem:$0x1C800] =	vst v63  }
0xee: {  	_ = 	snop  }
0xef: {  	[tilespmem:s29], [sflag:$0x2] =	stream.indirect.gather [hbm4b:s1+s28], $0x80, s14, s28, $0xb8;
	[tilespmem:$0x1C800] =	vst v63  }
0xf0: {  	_ =	swait.ge [sflag:s30], $0x4000  }
0xf1: {  	[sflag:s30] =	ssyncset.done $0x0  }
0xf2: {  	[sflag:s30] =	ssyncadd.s32 $0xFFFFC000  }
0xf3: {  	[spmem:s2] =	stream.indirect.scatter.add.f32 [tilespmem:s20], [sflag:$0x3], $0x80, s15, s28, $0xb8;
	[tilespmem:$0x1C800] =	vst v63  }
0xf4: {  	_ =	swait.ge [sflag:s21], $0x4000  }
0xf5: {  	[sflag:s21] =	ssyncset.done $0x0  }
0xf6: {  	[sflag:s21] =	ssyncadd.s32 $0xFFFFC000  }
0xf7: {  	_ =	swait.ge [sflag:s31], $0x4000  }
0xf8: {  	[sflag:s31] =	ssyncset.done $0x0  }
0xf9: {  	[sflag:s31] =	ssyncadd.s32 $0xFFFFC000  }
0xfa: {  	[spmem:s2] =	stream.indirect.scatter.add.f32 [tilespmem:s29], [sflag:$0x3], $0x80, s16, s28, $0xb8;
	[tilespmem:$0x1C800] =	vst v63  }
0xfb: {  	_ =	swait.ge [sflag:s21], $0x4000  }
0xfc: {  	s23 =	simm.s32 $0x100;
	s22 =	simm.s32 $0x80;
	[sflag:s21] =	ssyncset.done $0x0  }
.LBB2_5:
0xfd: {  	s25 =	sadd.s32 s22, s19  }
0xfe: {  	[sflag:s21] =	ssyncadd.s32 $0xFFFFC000;
	s5 =	smov.u32 s23;
	s24 =	sadd.s32 $0x80, s23  }
0xff: {  	[tilespmem:s3], [sflag:$0x3] =	stream.linear.gather [hbm4b:s25+s3], $0x400, $0x38;
	[tilespmem:$0x1C800] =	vst v63  }
0x100: {  	p1 =	seq.s32 s23, $0x900;
	_ =	swait.ge [sflag:s21], $0x400  }
0x101: {  	[sflag:s21] =	ssyncset.done $0x0  }
0x102: {  	s23 =	sadd.s32 s22, s18;
	s22 =	smov.u32 s5;
	[sflag:s21] =	ssyncadd.s32 $0xFFFFFC00  }
0x103: {  	[tilespmem:s26], [sflag:$0x3] =	stream.linear.gather [hbm4b:s23+s3], $0x400, $0x38;
	[tilespmem:$0x1C800] =	vst v63  }
0x104: {  	_ =	swait.ge [sflag:s21], $0x400  }
0x105: {  	[sflag:s21] =	ssyncset.done $0x0  }
0x106: {  	[sflag:s21] =	ssyncadd.s32 $0xFFFFFC00  }
0x107: {  	[tilespmem:s20], [sflag:$0x1] =	stream.indirect.gather [hbm4b:s1+s28], $0x80, s3, s28, $0xb8;
	[tilespmem:$0x1C800] =	vst v63  }
0x108: {  	_ = 	snop  }
0x109: {  	[tilespmem:s29], [sflag:$0x2] =	stream.indirect.gather [hbm4b:s1+s28], $0x80, s28, s28, $0xb8;
	[tilespmem:$0x1C800] =	vst v63  }
0x10a: {  	_ =	swait.ge [sflag:s30], $0x4000  }
0x10b: {  	[sflag:s30] =	ssyncset.done $0x0  }
0x10c: {  	[sflag:s30] =	ssyncadd.s32 $0xFFFFC000  }
0x10d: {  	[spmem:s2] =	stream.indirect.scatter.add.f32 [tilespmem:s20], [sflag:$0x3], $0x80, s26, s28, $0xb8;
	[tilespmem:$0x1C800] =	vst v63  }
0x10e: {  	_ =	swait.ge [sflag:s21], $0x4000  }
0x10f: {  	[sflag:s21] =	ssyncset.done $0x0  }
0x110: {  	[sflag:s21] =	ssyncadd.s32 $0xFFFFC000  }
0x111: {  	_ =	swait.ge [sflag:s31], $0x4000  }
0x112: {  	[sflag:s31] =	ssyncset.done $0x0  }
0x113: {  	[sflag:s31] =	ssyncadd.s32 $0xFFFFC000  }
0x114: {  	[spmem:s2] =	stream.indirect.scatter.add.f32 [tilespmem:s29], [sflag:$0x3], $0x80, s0, s28, $0xb8;
	[tilespmem:$0x1C800] =	vst v63  }
0x115: {  	_ =	swait.ge [sflag:s21], $0x4000  }
0x116: {  	[sflag:s21] =	ssyncset.done $0x0  }
0x117: {  	[sflag:s21] =	ssyncadd.s32 $0xFFFFC000  }
0x118: {  	[tilespmem:s20], [sflag:$0x1] =	stream.indirect.gather [hbm4b:s1+s28], $0x80, s6, s28, $0xb8;
	[tilespmem:$0x1C800] =	vst v63  }
0x119: {  	_ = 	snop  }
0x11a: {  	[tilespmem:s29], [sflag:$0x2] =	stream.indirect.gather [hbm4b:s1+s28], $0x80, s7, s28, $0xb8;
	[tilespmem:$0x1C800] =	vst v63  }
0x11b: {  	_ =	swait.ge [sflag:s30], $0x4000  }
0x11c: {  	[sflag:s30] =	ssyncset.done $0x0  }
0x11d: {  	[sflag:s30] =	ssyncadd.s32 $0xFFFFC000  }
0x11e: {  	[spmem:s2] =	stream.indirect.scatter.add.f32 [tilespmem:s20], [sflag:$0x3], $0x80, s4, s28, $0xb8;
	[tilespmem:$0x1C800] =	vst v63  }
0x11f: {  	_ =	swait.ge [sflag:s21], $0x4000  }
0x120: {  	[sflag:s21] =	ssyncset.done $0x0  }
0x121: {  	[sflag:s21] =	ssyncadd.s32 $0xFFFFC000  }
0x122: {  	_ =	swait.ge [sflag:s31], $0x4000  }
0x123: {  	[sflag:s31] =	ssyncset.done $0x0  }
0x124: {  	[sflag:s31] =	ssyncadd.s32 $0xFFFFC000  }
0x125: {  	[spmem:s2] =	stream.indirect.scatter.add.f32 [tilespmem:s29], [sflag:$0x3], $0x80, s8, s28, $0xb8;
	[tilespmem:$0x1C800] =	vst v63  }
0x126: {  	_ =	swait.ge [sflag:s21], $0x4000  }
0x127: {  	[sflag:s21] =	ssyncset.done $0x0  }
0x128: {  	[sflag:s21] =	ssyncadd.s32 $0xFFFFC000  }
0x129: {  	[tilespmem:s20], [sflag:$0x1] =	stream.indirect.gather [hbm4b:s1+s28], $0x80, s9, s28, $0xb8;
	[tilespmem:$0x1C800] =	vst v63  }
0x12a: {  	_ = 	snop  }
0x12b: {  	[tilespmem:s29], [sflag:$0x2] =	stream.indirect.gather [hbm4b:s1+s28], $0x80, s10, s28, $0xb8;
	[tilespmem:$0x1C800] =	vst v63  }
0x12c: {  	_ =	swait.ge [sflag:s30], $0x4000  }
0x12d: {  	[sflag:s30] =	ssyncset.done $0x0  }
0x12e: {  	[sflag:s30] =	ssyncadd.s32 $0xFFFFC000  }
0x12f: {  	[spmem:s2] =	stream.indirect.scatter.add.f32 [tilespmem:s20], [sflag:$0x3], $0x80, s11, s28, $0xb8;
	[tilespmem:$0x1C800] =	vst v63  }
0x130: {  	_ =	swait.ge [sflag:s21], $0x4000  }
0x131: {  	[sflag:s21] =	ssyncset.done $0x0  }
0x132: {  	[sflag:s21] =	ssyncadd.s32 $0xFFFFC000  }
0x133: {  	_ =	swait.ge [sflag:s31], $0x4000  }
0x134: {  	[sflag:s31] =	ssyncset.done $0x0  }
0x135: {  	[sflag:s31] =	ssyncadd.s32 $0xFFFFC000  }
0x136: {  	[spmem:s2] =	stream.indirect.scatter.add.f32 [tilespmem:s29], [sflag:$0x3], $0x80, s12, s28, $0xb8;
	[tilespmem:$0x1C800] =	vst v63  }
0x137: {  	_ =	swait.ge [sflag:s21], $0x4000  }
0x138: {  	[sflag:s21] =	ssyncset.done $0x0  }
0x139: {  	[sflag:s21] =	ssyncadd.s32 $0xFFFFC000  }
0x13a: {  	[tilespmem:s20], [sflag:$0x1] =	stream.indirect.gather [hbm4b:s1+s28], $0x80, s13, s28, $0xb8;
	[tilespmem:$0x1C800] =	vst v63  }
0x13b: {  	_ = 	snop  }
0x13c: {  	[tilespmem:s29], [sflag:$0x2] =	stream.indirect.gather [hbm4b:s1+s28], $0x80, s14, s28, $0xb8;
	[tilespmem:$0x1C800] =	vst v63  }
0x13d: {  	_ =	swait.ge [sflag:s30], $0x4000  }
0x13e: {  	[sflag:s30] =	ssyncset.done $0x0  }
0x13f: {  	[sflag:s30] =	ssyncadd.s32 $0xFFFFC000  }
0x140: {  	[spmem:s2] =	stream.indirect.scatter.add.f32 [tilespmem:s20], [sflag:$0x3], $0x80, s15, s28, $0xb8;
	[tilespmem:$0x1C800] =	vst v63  }
0x141: {  	_ =	swait.ge [sflag:s21], $0x4000  }
0x142: {  	[sflag:s21] =	ssyncset.done $0x0  }
0x143: {  	[sflag:s21] =	ssyncadd.s32 $0xFFFFC000  }
0x144: {  	_ =	swait.ge [sflag:s31], $0x4000  }
.Ltmp4:
0x145: {  	[sflag:s31] =	ssyncset.done $0x0;
	(pc) =	sbr.rel @!p1 .LBB2_5-.Ltmp4, $4  }
0x146: {  	[sflag:s31] =	ssyncadd.s32 $0xFFFFC000  }
0x147: {  	[spmem:s2] =	stream.indirect.scatter.add.f32 [tilespmem:s29], [sflag:$0x3], $0x80, s16, s28, $0xb8;
	[tilespmem:$0x1C800] =	vst v63  }
0x148: {  	_ =	swait.ge [sflag:s21], $0x4000  }
0x149: {  	s23 =	smov.u32 s24;
	[sflag:s21] =	ssyncset.done $0x0  }
0x14a: {  	s5 =	sadd.s32 s22, s19;
	[sflag:s21] =	ssyncadd.s32 $0xFFFFC000  }
0x14b: {  	[tilespmem:s3], [sflag:$0x3] =	stream.linear.gather [hbm4b:s5+s3], $0x400, $0x38;
	[tilespmem:$0x1C800] =	vst v63  }
0x14c: {  	_ =	swait.ge [sflag:s21], $0x400  }
0x14d: {  	[sflag:s21] =	ssyncset.done $0x0  }
0x14e: {  	s25 =	sadd.s32 s22, s18;
	[sflag:s21] =	ssyncadd.s32 $0xFFFFFC00  }
0x14f: {  	[tilespmem:s26], [sflag:$0x3] =	stream.linear.gather [hbm4b:s25+s3], $0x400, $0x38;
	[tilespmem:$0x1C800] =	vst v63  }
0x150: {  	_ =	swait.ge [sflag:s21], $0x400  }
0x151: {  	[sflag:s21] =	ssyncset.done $0x0  }
0x152: {  	[sflag:s21] =	ssyncadd.s32 $0xFFFFFC00  }
0x153: {  	[tilespmem:s20], [sflag:$0x1] =	stream.indirect.gather [hbm4b:s1+s28], $0x80, s3, s28, $0xb8;
	[tilespmem:$0x1C800] =	vst v63  }
0x154: {  	_ = 	snop  }
0x155: {  	[tilespmem:s29], [sflag:$0x2] =	stream.indirect.gather [hbm4b:s1+s28], $0x80, s28, s28, $0xb8;
	[tilespmem:$0x1C800] =	vst v63  }
0x156: {  	_ =	swait.ge [sflag:s30], $0x4000  }
0x157: {  	[sflag:s30] =	ssyncset.done $0x0  }
0x158: {  	[sflag:s30] =	ssyncadd.s32 $0xFFFFC000  }
0x159: {  	[spmem:s2] =	stream.indirect.scatter.add.f32 [tilespmem:s20], [sflag:$0x3], $0x80, s26, s28, $0xb8;
	[tilespmem:$0x1C800] =	vst v63  }
0x15a: {  	_ =	swait.ge [sflag:s21], $0x4000  }
0x15b: {  	[sflag:s21] =	ssyncset.done $0x0  }
0x15c: {  	[sflag:s21] =	ssyncadd.s32 $0xFFFFC000  }
0x15d: {  	_ =	swait.ge [sflag:s31], $0x4000  }
0x15e: {  	[sflag:s31] =	ssyncset.done $0x0  }
0x15f: {  	[sflag:s31] =	ssyncadd.s32 $0xFFFFC000  }
0x160: {  	[spmem:s2] =	stream.indirect.scatter.add.f32 [tilespmem:s29], [sflag:$0x3], $0x80, s0, s28, $0xb8;
	[tilespmem:$0x1C800] =	vst v63  }
0x161: {  	_ =	swait.ge [sflag:s21], $0x4000  }
0x162: {  	[sflag:s21] =	ssyncset.done $0x0  }
0x163: {  	[sflag:s21] =	ssyncadd.s32 $0xFFFFC000  }
0x164: {  	[tilespmem:s20], [sflag:$0x1] =	stream.indirect.gather [hbm4b:s1+s28], $0x80, s6, s28, $0xb8;
	[tilespmem:$0x1C800] =	vst v63  }
0x165: {  	_ = 	snop  }
0x166: {  	[tilespmem:s29], [sflag:$0x2] =	stream.indirect.gather [hbm4b:s1+s28], $0x80, s7, s28, $0xb8;
	[tilespmem:$0x1C800] =	vst v63  }
0x167: {  	_ =	swait.ge [sflag:s30], $0x4000  }
0x168: {  	[sflag:s30] =	ssyncset.done $0x0  }
0x169: {  	[sflag:s30] =	ssyncadd.s32 $0xFFFFC000  }
0x16a: {  	[spmem:s2] =	stream.indirect.scatter.add.f32 [tilespmem:s20], [sflag:$0x3], $0x80, s4, s28, $0xb8;
	[tilespmem:$0x1C800] =	vst v63  }
0x16b: {  	_ =	swait.ge [sflag:s21], $0x4000  }
0x16c: {  	[sflag:s21] =	ssyncset.done $0x0  }
0x16d: {  	[sflag:s21] =	ssyncadd.s32 $0xFFFFC000  }
0x16e: {  	_ =	swait.ge [sflag:s31], $0x4000  }
0x16f: {  	[sflag:s31] =	ssyncset.done $0x0  }
0x170: {  	[sflag:s31] =	ssyncadd.s32 $0xFFFFC000  }
0x171: {  	[spmem:s2] =	stream.indirect.scatter.add.f32 [tilespmem:s29], [sflag:$0x3], $0x80, s8, s28, $0xb8;
	[tilespmem:$0x1C800] =	vst v63  }
0x172: {  	_ =	swait.ge [sflag:s21], $0x4000  }
0x173: {  	[sflag:s21] =	ssyncset.done $0x0  }
0x174: {  	[sflag:s21] =	ssyncadd.s32 $0xFFFFC000  }
0x175: {  	[tilespmem:s20], [sflag:$0x1] =	stream.indirect.gather [hbm4b:s1+s28], $0x80, s9, s28, $0xb8;
	[tilespmem:$0x1C800] =	vst v63  }
0x176: {  	_ = 	snop  }
0x177: {  	[tilespmem:s29], [sflag:$0x2] =	stream.indirect.gather [hbm4b:s1+s28], $0x80, s10, s28, $0xb8;
	[tilespmem:$0x1C800] =	vst v63  }
0x178: {  	_ =	swait.ge [sflag:s30], $0x4000  }
0x179: {  	[sflag:s30] =	ssyncset.done $0x0  }
0x17a: {  	[sflag:s30] =	ssyncadd.s32 $0xFFFFC000  }
0x17b: {  	[spmem:s2] =	stream.indirect.scatter.add.f32 [tilespmem:s20], [sflag:$0x3], $0x80, s11, s28, $0xb8;
	[tilespmem:$0x1C800] =	vst v63  }
0x17c: {  	_ =	swait.ge [sflag:s21], $0x4000  }
0x17d: {  	[sflag:s21] =	ssyncset.done $0x0  }
0x17e: {  	[sflag:s21] =	ssyncadd.s32 $0xFFFFC000  }
0x17f: {  	_ =	swait.ge [sflag:s31], $0x4000  }
0x180: {  	[sflag:s31] =	ssyncset.done $0x0  }
0x181: {  	[sflag:s31] =	ssyncadd.s32 $0xFFFFC000  }
0x182: {  	[spmem:s2] =	stream.indirect.scatter.add.f32 [tilespmem:s29], [sflag:$0x3], $0x80, s12, s28, $0xb8;
	[tilespmem:$0x1C800] =	vst v63  }
0x183: {  	_ =	swait.ge [sflag:s21], $0x4000  }
0x184: {  	[sflag:s21] =	ssyncset.done $0x0  }
0x185: {  	[sflag:s21] =	ssyncadd.s32 $0xFFFFC000  }
0x186: {  	[tilespmem:s20], [sflag:$0x1] =	stream.indirect.gather [hbm4b:s1+s28], $0x80, s13, s28, $0xb8;
	[tilespmem:$0x1C800] =	vst v63  }
0x187: {  	_ = 	snop  }
0x188: {  	[tilespmem:s29], [sflag:$0x2] =	stream.indirect.gather [hbm4b:s1+s28], $0x80, s14, s28, $0xb8;
	[tilespmem:$0x1C800] =	vst v63  }
0x189: {  	_ =	swait.ge [sflag:s30], $0x4000  }
0x18a: {  	[sflag:s30] =	ssyncset.done $0x0  }
0x18b: {  	[sflag:s30] =	ssyncadd.s32 $0xFFFFC000  }
0x18c: {  	[spmem:s2] =	stream.indirect.scatter.add.f32 [tilespmem:s20], [sflag:$0x3], $0x80, s15, s28, $0xb8;
	[tilespmem:$0x1C800] =	vst v63  }
0x18d: {  	_ =	swait.ge [sflag:s21], $0x4000  }
0x18e: {  	[sflag:s21] =	ssyncset.done $0x0  }
0x18f: {  	[sflag:s21] =	ssyncadd.s32 $0xFFFFC000  }
0x190: {  	_ =	swait.ge [sflag:s31], $0x4000  }
0x191: {  	[sflag:s31] =	ssyncset.done $0x0  }
.Ltmp5:
0x192: {  	[sflag:s31] =	ssyncadd.s32 $0xFFFFC000;
	(pc) =	sbr.rel .LBB2_8-.Ltmp5, $4  }
0x193: {  	[spmem:s2] =	stream.indirect.scatter.add.f32 [tilespmem:s29], [sflag:$0x3], $0x80, s16, s28, $0xb8;
	[tilespmem:$0x1C800] =	vst v63  }
0x194: {  	_ =	swait.ge [sflag:s21], $0x4000  }
0x195: {  	[sflag:s21] =	ssyncset.done $0x0  }
0x196: {  	s24 =	stileid.u32;
	s25 =	rddreg [dreg:$0x4];
	[sflag:s21] =	ssyncadd.s32 $0xFFFFC000  }
.LBB2_9:
0x197: {  	_ =	sfence.sel $0x180000  }
0x198: {  	[bflag:$0x0] =	sbarrier.arrive $0xFFFF  }
0x199: {  	_ =	strace $0x9000004D  }
0x19a: {  	[bflag:$0x2] =	sbarrier.arrive $0xFFFF  }
0x19b: {  	p0 =	sne.s32 s24, $0x0;
	s0 =	rddreg [dreg:$0x3]  }
0x19c: {  	s0 =	sadd.s32 @!p0 $0x100000, s0  }
0x19d: {  	[sflag:s0] =	ssyncadd.tile.s32 @!p0 $0x1;
	_ =	shalt  }
.Lfunc_end2:
_tile_overlayer_lowered:
.L_overlay_start_2:
0x19e: {  	(tag) =	ssettag $0x2  }
0x19f: {  	s0 =	rddreg [dreg:$0x0];
	s2 =	stileid.u32  }
0x1a0: {  	s1 =	rddreg [dreg:$0x1];
	p0 =	sne.s32 s2, $0x0  }
0x1a1: {  	s3 =	rddreg [dreg:$0x2];
	[bflag:$0x3] =	sbarrier.arrive $0xFFFF;
	s2 =	simm.s32 @!p0 $0x1C03  }
0x1a2: {  	[timem:s3], [sflag:s2] =	dma.local @!p0 [hbm:s0], s1  }
0x1a3: {  	s0 =	simm.s32 @!p0 $0x3  }
0x1a4: {  	_ =	swait.ge @!p0 [sflag:s0], s1  }
0x1a5: {  	s1 =	ssub.s32 @!p0 $0x0, s1;
	[sflag:s0] =	ssyncset.done @!p0 $0x0  }
0x1a6: {  	[sflag:s0] =	ssyncadd.s32 @!p0 s1  }
0x1a7: {  	[bflag:$0x3] =	sbarrier.arrive $0xFFFF  }
0x1a8: {  	_ =	shalt  }

// kernel: kernel.19.cloned.1.call-start
scs
__scs_entry_jumppad:
0x0: {  	(pc) =	sbr.rel $0x88, $3  }
0x1: {  	(tag) =	ssettag $0x0;
	lr =	simm.s32 $0x1  }
0x2: {  	[smem:$0x3F97] =	sst lr;
	_ =	strace $0xD0000000  }
0x3: {  	_ = 	snop  }
0x4: {  	_ = 	snop  }
0x5: {  	_ = 	snop  }
0x6: {  	_ = 	snop  }
0x7: {  	_ = 	snop  }
__scs_overlays_trampoline_lowered:
0x8: {  	[smem:$0x3FA6] =	sst s0  }
0x9: {  	[smem:$0x3FA7] =	sst s1  }
0xa: {  	[smem:$0x3FA8] =	sst s2  }
0xb: {  	[smem:$0x3FA9] =	sst s3  }
0xc: {  	[smem:$0x3FAA] =	sst s4  }
0xd: {  	[smem:$0x3FAB] =	sst s5  }
0xe: {  	[smem:$0x3FAC] =	sst s6  }
0xf: {  	[smem:$0x3FAD] =	sst s7  }
0x10: {  	[smem:$0x3FAE] =	sst s8  }
0x11: {  	[smem:$0x3FAF] =	sst s9;
	s0 =	simm.s32 @!p0 $0x0  }
0x12: {  	s1 =	sld [smem:$0x3F95];
	s0 =	simm.s32 @p0 $0x1  }
0x13: {  	[smem:$0x3FB0] =	sst s0;
	s0 =	simm.s32 @!p1 $0x0  }
0x14: {  	s2 =	sld [smem:$0x3F94];
	s0 =	simm.s32 @p1 $0x1  }
0x15: {  	[smem:$0x3FB1] =	sst s0;
	s0 =	simm.s32 @!p2 $0x0  }
0x16: {  	s3 =	sld [smem:$0x3FDB];
	s0 =	simm.s32 @p2 $0x1  }
0x17: {  	s4 =	simm.s32 $0x1BF5;
	[smem:$0x3FB3] =	sst s0  }
0x18: {  	s0 =	sld [smem:$0x3F96];
	_ =	swait.ge [sflag:s4], $0x0  }
0x19: {  	s7 =	sld [smem:$0x3F97]  }
0x1a: {  	s8 =	sadd.s32 $0xFFFFE003, lr  }
0x1b: {  	s9 =	sadd.s32 $0xFFFFFEF7, lr;
	s5 =	simm.s32 $0xFFFFFFFF;
	p2 =	slt.u32 s8, $0xFFFFF086  }
0x1c: {  	p1 =	slt.u32 s9, $0xF7A;
	s5 =	simm.s32 @!p2 $0x0  }
0x1d: {  	s5 =	simm.s32 @p1 $0x1;
	p0 =	seq.s32 s7, s2  }
0x1e: {  	s7 =	smul.u32 @!p0 $0xF7A, s2;
	p2 =	seq.s32 @!p0 s5, $0x0  }
0x1f: {  	s9 =	smul.u32 $0xF7A, s1;
	s8 =	simm.s32 @!p0 $0x1BF5;
	p2 =	por !p2, p0  }
0x20: {  	[sflag:s8] =	ssyncset.s32 @!p0 $0xFFFFF086;
	s6 =	sadd.s32 @!p0 s3, s7;
	s7 =	simm.s32 @!p0 $0x108  }
0x21: {  	s3 =	sadd.s32 s3, s9;
	s6 =	sadd.s32 @!p0 $0x88, s6;
	s7 =	simm.s32 @p2 $0x1082  }
0x22: {  	[simem:s7], [sflag:s8] =	dma.local @!p0 [hbm:s6], $0xF7A  }
0x23: {  	s9 =	sor.u32 $0xD0000000, s2;
	s6 =	simm.s32 $0x108;
	_ =	swait.ge @!p0 [sflag:s8], $0x0  }
0x24: {  	s3 =	sadd.s32 $0x88, s3;
	s6 =	simm.s32 @!p1 $0x1082;
	[sflag:s4] =	ssyncset.s32 $0xFFFFF086  }
0x25: {  	[simem:s6], [sflag:s4] =	dma.local [hbm:s3], $0xF7A  }
0x26: {  	[smem:$0x3F97] =	sst s1;
	(tag) =	ssettag s2;
	_ =	strace s9  }
0x27: {  	s1 =	sld [smem:$0x3FA7]  }
0x28: {  	s2 =	sld [smem:$0x3FA8]  }
0x29: {  	s4 =	sld [smem:$0x3FAA]  }
0x2a: {  	p0 =	seq.s32 s5, $0x0;
	s5 =	sld [smem:$0x3FAB]  }
0x2b: {  	s6 =	sld [smem:$0x3FAC]  }
0x2c: {  	s7 =	sld [smem:$0x3FAD]  }
0x2d: {  	s3 =	simm.s32 $0x108;
	s8 =	sld [smem:$0x3FAE]  }
0x2e: {  	s3 =	simm.s32 @!p0 $0x1082;
	s9 =	sld [smem:$0x3FAF]  }
0x2f: {  	lr =	sadd.s32 s0, s3;
	s0 =	sld [smem:$0x3FA6]  }
0x30: {  	s3 =	sld [smem:$0x3FA9]  }
0x31: {  	[smem:$0x3FB2] =	sst s10  }
0x32: {  	s10 =	sld [smem:$0x3FB0];
	_ =	sdelay $0x3  }
0x33: {  	p0 =	seq.s32 s10, $0x1;
	s10 =	sld [smem:$0x3FB2];
	_ =	sdelay $0x3  }
0x34: {  	[smem:$0x3FB2] =	sst s10  }
0x35: {  	s10 =	sld [smem:$0x3FB1];
	_ =	sdelay $0x3  }
0x36: {  	p1 =	seq.s32 s10, $0x1;
	s10 =	sld [smem:$0x3FB2];
	_ =	sdelay $0x3  }
0x37: {  	[smem:$0x3FB2] =	sst s10  }
0x38: {  	s10 =	sld [smem:$0x3FB3]  }
0x39: {  	_ = 	snop;
	(pc) =	sbr.ind lr, $3  }
0x3a: {  	_ = 	snop  }
0x3b: {  	_ = 	snop  }
0x3c: {  	p2 =	seq.s32 s10, $0x1;
	s10 =	sld [smem:$0x3FB2]  }
0x3d: {  	_ =	shalt  }
0x3e: {  	_ =	shalt  }
0x3f: {  	_ =	shalt  }
0x40: {  	_ =	shalt  }
0x41: {  	_ =	shalt  }
0x42: {  	_ =	shalt  }
0x43: {  	_ =	shalt  }
0x44: {  	_ =	shalt  }
0x45: {  	_ =	shalt  }
0x46: {  	_ =	shalt  }
0x47: {  	_ =	shalt  }
0x48: {  	_ =	shalt  }
0x49: {  	_ =	shalt  }
0x4a: {  	_ =	shalt  }
0x4b: {  	_ =	shalt  }
0x4c: {  	_ =	shalt  }
0x4d: {  	_ =	shalt  }
0x4e: {  	_ =	shalt  }
0x4f: {  	_ =	shalt  }
0x50: {  	_ =	shalt  }
0x51: {  	_ =	shalt  }
0x52: {  	_ =	shalt  }
0x53: {  	_ =	shalt  }
0x54: {  	_ =	shalt  }
0x55: {  	_ =	shalt  }
0x56: {  	_ =	shalt  }
0x57: {  	_ =	shalt  }
0x58: {  	_ =	shalt  }
0x59: {  	_ =	shalt  }
0x5a: {  	_ =	shalt  }
0x5b: {  	_ =	shalt  }
0x5c: {  	_ =	shalt  }
0x5d: {  	_ =	shalt  }
0x5e: {  	_ =	shalt  }
0x5f: {  	_ =	shalt  }
0x60: {  	_ =	shalt  }
0x61: {  	_ =	shalt  }
0x62: {  	_ =	shalt  }
0x63: {  	_ =	shalt  }
0x64: {  	_ =	shalt  }
0x65: {  	_ =	shalt  }
0x66: {  	_ =	shalt  }
0x67: {  	_ =	shalt  }
0x68: {  	_ =	shalt  }
0x69: {  	_ =	shalt  }
0x6a: {  	_ =	shalt  }
0x6b: {  	_ =	shalt  }
0x6c: {  	_ =	shalt  }
0x6d: {  	_ =	shalt  }
0x6e: {  	_ =	shalt  }
0x6f: {  	_ =	shalt  }
0x70: {  	_ =	shalt  }
0x71: {  	_ =	shalt  }
0x72: {  	_ =	shalt  }
0x73: {  	_ =	shalt  }
0x74: {  	_ =	shalt  }
0x75: {  	_ =	shalt  }
0x76: {  	_ =	shalt  }
0x77: {  	_ =	shalt  }
0x78: {  	_ =	shalt  }
0x79: {  	_ =	shalt  }
0x7a: {  	_ =	shalt  }
0x7b: {  	_ =	shalt  }
0x7c: {  	_ =	shalt  }
0x7d: {  	_ =	shalt  }
0x7e: {  	_ =	shalt  }
0x7f: {  	_ =	shalt  }
0x80: {  	_ =	shalt  }
0x81: {  	_ =	shalt  }
0x82: {  	_ =	shalt  }
0x83: {  	_ =	shalt  }
0x84: {  	_ =	shalt  }
0x85: {  	_ =	shalt  }
0x86: {  	_ =	shalt  }
0x87: {  	_ =	shalt  }
.Lfunc_end0:
.L_simem_size_0:
called_computation.3_lowered:
.L_overlay_start_0:
0x88: {  	s2 =	sld [smem:$0x3FD9]  }
0x89: {  	s3 =	sld [smem:$0x3FFE];
	_ =	sdelay $0x1  }
0x8a: {  	s1 =	srdreg.scid  }
0x8b: {  	s0 =	sand.u32 $0x1, s1  }
0x8c: {  	s17 =	sshll.u32 s0, $0xA;
	s2 =	sadd.s32 s3, s2  }
0x8d: {  	s2 =	sadd.s32 s2, s17  }
0x8e: {  	[smem:$0x3FBE] =	sst s2  }
0x8f: {  	_ = 	snop  }
0x90: {  	s2 =	sld [smem:$0x3FD0];
	(tm) =	ssettm $0x1  }
0x91: {  	s18 =	sld [smem:$0x3FFB];
	_ =	sdelay $0x3  }
0x92: {  	_ =	strace s18  }
0x93: {  	s3 =	sld [smem:$0x3FFC];
	_ =	sdelay $0x3  }
0x94: {  	_ =	strace s3  }
0x95: {  	s3 =	sld [smem:$0x3FFD];
	_ =	sdelay $0x3  }
0x96: {  	_ =	strace s3  }
0x97: {  	_ =	strace $0x8FFFFFFF  }
0x98: {  	s19 =	sld [smem:$0x3FDB];
	_ =	sdelay $0x1  }
0x99: {  	s4 =	simm.s32 $_scs_section_size  }
0x9a: {  	s5 =	simm.s32 $_size__tile_overlayer_lowered;
	s6 =	simm.s32 $_tile_overlayer_lowered  }
0x9b: {  	s22 =	simm.s32 $0x1BFF;
	s21 =	sshll.u32 s6, $0x1;
	s3 =	sadd.s32 s4, s19  }
0x9c: {  	s7 =	simm.s32 $0x0;
	s20 =	sshll.u32 s5, $0x1;
	s5 =	sadd.s32 s21, s3  }
0x9d: {  	[timem:s7], [sflag:s22] =	dma.local [hbm:s5], s20  }
0x9e: {  	_ =	swait.ge [sflag:s22], s20  }
0x9f: {  	s4 =	ssub.s32 $0x0, s20;
	[sflag:s22] =	ssyncset.done $0x0  }
0xa0: {  	[sflag:s22] =	ssyncadd.s32 s4;
	_ =	sdelay $0x1  }
0xa1: {  	s23 =	simm.s32 $0x1B8B  }
0xa2: {  	_ =	swait.ge [sflag:s23], $0x1  }
0xa3: {  	[sflag:s23] =	ssyncset.done $0x0  }
0xa4: {  	s25 =	simm.s32 $0x1B8E;
	s24 =	sld [smem:$0x3FFE];
	[sflag:s23] =	ssyncadd.s32 $0xFFFFFFFF  }
0xa5: {  	s26 =	simm.s32 $execute0_lowered;
	[smem:$0x3FD2] =	sst s25  }
0xa6: {  	s5 =	sshll.u32 s26, $0x1;
	_ =	strace $0x8000004F;
	[dreg:$0x1] =	wrdreg $0xFFFFFFFF  }
0xa7: {  	s28 =	simm.s32 $_size_execute0_lowered;
	s3 =	sadd.s32 s3, s5;
	[dreg:$0x0] =	wrdreg $0x0  }
0xa8: {  	s5 =	sshll.u32 s28, $0x1;
	[dreg:$0x2] =	wrdreg s3  }
0xa9: {  	[dreg:$0x3] =	wrdreg s5  }
0xaa: {  	[dreg:$0x4] =	wrdreg $0xC0  }
0xab: {  	_ =	task [dreg:s7], $0x5FFFF  }
0xac: {  	[dreg:$0x1] =	wrdreg $0xFFFFFFFF  }
0xad: {  	[dreg:$0x0] =	wrdreg $0x60  }
0xae: {  	[dreg:$0x2] =	wrdreg s2  }
0xaf: {  	[dreg:$0x3] =	wrdreg s24  }
0xb0: {  	[dreg:$0x4] =	wrdreg $0x88000  }
0xb1: {  	[dreg:$0x5] =	wrdreg $0x9  }
0xb2: {  	_ =	task.clear_ibuf [dreg:s7], $0x6FFFF;
	_ =	strace $0x9000004F  }
0xb3: {  	s29 =	simm.s32 $0x9;
	_ =	strace $0x80000051  }
0xb4: {  	_ =	swait.ge [sflag:s29], $0x1  }
0xb5: {  	[sflag:s29] =	ssyncadd.s32 $0xFFFFFFFF  }
0xb6: {  	_ =	strace $0x90000051  }
0xb7: {  	_ =	sfence  }
0xb8: {  	s30 =	sld [smem:$0x0];
	_ =	sdelay $0x2  }
0xb9: {  	s31 =	sshll.u32 s1, $0xD;
	s1 =	sshrl.u32 s1, $0x2  }
0xba: {  	s3 =	sand.u32 $0x4000, s31;
	s1 =	sadd.s32 s1, s30  }
0xbb: {  	s0 =	sor.u32 s3, s0;
	s1 =	sshll.u32 s1, $0x11  }
0xbc: {  	s0 =	sor.u32 s1, s0  }
0xbd: {  	s0 =	sadd.s32 $0x8F2B, s0  }
0xbe: {  	[sflag:s0] =	ssyncadd.remote.s32 $0x1  }
0xbf: {  	_ =	sfence.sel $0xFFFF  }
0xc0: {  	[dreg:$0x0] =	wrdreg $0xFFFFFFFF;
	(pc) =	sbr.abs _section_cstart, $3  }
0xc1: {  	[dreg:$0x1] =	wrdreg $0xFFFFFFFF  }
0xc2: {  	_ =	task.clear_ibuf [dreg:s7], $0x2FFFF;
	_ =	strace $0x9FFFFFFF  }
0xc3: {  	(tm) =	ssettm $0x7FFFFFFF  }
tec
execute0_lowered:
.L_overlay_start_1:
0x0: {  	(tag) =	ssettag $0x1  }
0x1: {  	s1 =	rddreg [dreg:$0x0]  }
0x2: {  	s0 =	rddreg [dreg:$0x1]  }
0x3: {  	s2 =	rddreg [dreg:$0x2]  }
0x4: {  	s3 =	simm.s32 $0x0;
	s5 =	srdreg.scid;
	s24 =	stileid.u32  }
0x5: {  	s28 =	simm.s32 $0x80;
	s29 =	simm.s32 $0x4800;
	s30 =	simm.s32 $0x1  }
0x6: {  	s31 =	simm.s32 $0x2;
	[smem:$0x7FF] =	sst s3;
	s4 =	sadd.s32 $0x3800, s0  }
0x7: {  	s6 =	sadd.s32 $0xD800, s0;
	s7 =	sand.u32 $0x1, s5;
	s21 =	smul.u32 $0x50000, s24  }
0x8: {  	s0 =	sadd.s32 $0x17800, s0;
	s11 =	smul.u32 $0x14000, s24;
	s22 =	sshll.u32 s24, $0x7  }
0x9: {  	_ =	strace $0x80000050;
	s8 =	ssub.s32 $0x2, s7;
	s9 =	smul.u32 $0x140000, s7  }
0xa: {  	p0 =	seq.s32 s7, $0x1;
	s23 =	sor.u32 $0x9800, s22;
	s10 =	sshrl.u32 s8, $0x1  }
0xb: {  	s5 =	sshrl.u32 s21, $0x2;
	s12 =	sadd.s32 s4, s23;
	s13 =	sadd.s32 s6, s23  }
0xc: {  	s17 =	sadd.s32 $0x4000, s11;
	s22 =	sadd.s32 $0x8000, s11;
	s8 =	ssub.s32 s8, s10  }
0xd: {  	s25 =	sadd.s32 s5, s2;
	s26 =	sadd.s32 s9, s11;
	[dreg:$0x5] =	wrdreg s12  }
0xe: {  	[dreg:$0x6] =	wrdreg s13;
	s20 =	sadd.s32 s9, s17;
	s5 =	sadd.s32 s9, s22  }
0xf: {  	s7 =	sadd.s32 s17, s2;
	s12 =	sadd.s32 $0xC000, s11;
	s11 =	sadd.s32 $0x10000, s11  }
0x10: {  	s10 =	sadd.s32 s22, s2;
	s14 =	sshrl.u32 s26, $0x3;
	s16 =	smax.u32 s8, $0x1  }
0x11: {  	s18 =	sadd.s32 $0x4000, s25;
	s19 =	sadd.s32 $0x8000, s25;
	s21 =	sadd.s32 $0xC000, s25  }
0x12: {  	s8 =	sshrl.u32 s20, $0x3;
	s23 =	sadd.s32 $0x10000, s25;
	[dreg:$0x4] =	wrdreg s25  }
0x13: {  	s13 =	sadd.s32 s9, s12;
	s9 =	sadd.s32 s9, s11;
	[dreg:$0x8] =	wrdreg s16  }
0x14: {  	s12 =	sadd.s32 s12, s2;
	s17 =	sadd.s32 s11, s2;
	[dreg:$0x9] =	wrdreg s18  }
0x15: {  	s20 =	simm.s32 $0x800;
	s22 =	sshrl.u32 s7, $0x3;
	[dreg:$0xa] =	wrdreg s19  }
0x16: {  	s7 =	simm.s32 $0x180;
	s11 =	simm.s32 $0x600;
	[dreg:$0xb] =	wrdreg s21  }
0x17: {  	s15 =	sadd.s32 s0, s14;
	[dreg:$0xc] =	wrdreg s23;
	s26 =	sadd.s32 s0, s8  }
0x18: {  	s8 =	sshrl.u32 s5, $0x3;
	s16 =	smul.u32 $0x980, s24;
	[dreg:$0x11] =	wrdreg s22  }
0x19: {  	s21 =	simm.s32 $0x3;
	s23 =	sshrl.u32 s10, $0x3;
	[dreg:$0x7] =	wrdreg s15  }
0x1a: {  	s10 =	simm.s32 $0x280;
	[dreg:$0xd] =	wrdreg s26;
	s8 =	sadd.s32 s0, s8  }
0x1b: {  	s15 =	sshrl.u32 s9, $0x3;
	[dreg:$0x12] =	wrdreg s23;
	s26 =	sshrl.u32 s12, $0x3  }
0x1c: {  	s9 =	simm.s32 $0x200;
	s12 =	simm.s32 $0x680;
	[dreg:$0xe] =	wrdreg s8  }
0x1d: {  	s8 =	sshrl.u32 s13, $0x3;
	s18 =	sadd.s32 s16, s6;
	s19 =	sadd.s32 s16, s4  }
0x1e: {  	[dreg:$0x13] =	wrdreg s26;
	s26 =	simm.s32 $0x400;
	s6 =	simm.s32 $0x100  }
.Ltmp0:
0x1f: {  	s4 =	simm.s32 $0x500;
	s13 =	simm.s32 $0x300;
	(pc) =	sbr.rel .LBB2_1-.Ltmp0, $4  }
0x20: {  	s16 =	simm.s32 $0x780;
	s14 =	sadd.s32 s0, s8;
	s0 =	sadd.s32 s0, s15  }
0x21: {  	s8 =	simm.s32 $0x580;
	s15 =	simm.s32 $0x700;
	[dreg:$0xf] =	wrdreg s14  }
0x22: {  	[dreg:$0x10] =	wrdreg s0;
	s0 =	sshrl.u32 s17, $0x3;
	s14 =	simm.s32 $0x380  }
0x23: {  	v0 =	vimm.f32 $0.0e+00;
	s17 =	simm.s32 $0x0;
	[dreg:$0x14] =	wrdreg s0;
	s0 =	simm.s32 $0x480  }
.LBB2_7:
0x24: {  	s5 =	rddreg [dreg:$0x5]  }
0x25: {  	[tilespmem:s3], [sflag:$0x3] =	stream.linear.gather [hbm4b:s5+s3], $0x400, $0x38;
	[tilespmem:$0x1C800] =	vst v63  }
0x26: {  	_ =	swait.ge [sflag:s21], $0x400  }
0x27: {  	[sflag:s21] =	ssyncset.done $0x0  }
0x28: {  	s23 =	rddreg [dreg:$0x6];
	[sflag:s21] =	ssyncadd.s32 $0xFFFFFC00  }
0x29: {  	[tilespmem:s26], [sflag:$0x3] =	stream.linear.gather [hbm4b:s23+s3], $0x400, $0x38;
	[tilespmem:$0x1C800] =	vst v63  }
0x2a: {  	_ =	swait.ge [sflag:s21], $0x400  }
0x2b: {  	[sflag:s21] =	ssyncset.done $0x0  }
0x2c: {  	[sflag:s21] =	ssyncadd.s32 $0xFFFFFC00  }
0x2d: {  	[tilespmem:s20], [sflag:$0x1] =	stream.indirect.gather [hbm4b:s1+s28], $0x80, s3, s28, $0xb8;
	[tilespmem:$0x1C800] =	vst v63  }
0x2e: {  	_ = 	snop  }
0x2f: {  	[tilespmem:s29], [sflag:$0x2] =	stream.indirect.gather [hbm4b:s1+s28], $0x80, s28, s28, $0xb8;
	[tilespmem:$0x1C800] =	vst v63  }
0x30: {  	_ =	swait.ge [sflag:s30], $0x4000  }
0x31: {  	[sflag:s30] =	ssyncset.done $0x0  }
0x32: {  	[sflag:s30] =	ssyncadd.s32 $0xFFFFC000  }
0x33: {  	[spmem:s2] =	stream.indirect.scatter.add.f32 [tilespmem:s20], [sflag:$0x3], $0x80, s26, s28, $0xb8;
	[tilespmem:$0x1C800] =	vst v63  }
0x34: {  	_ =	swait.ge [sflag:s21], $0x4000  }
0x35: {  	[sflag:s21] =	ssyncset.done $0x0  }
0x36: {  	[sflag:s21] =	ssyncadd.s32 $0xFFFFC000  }
0x37: {  	_ =	swait.ge [sflag:s31], $0x4000  }
0x38: {  	[sflag:s31] =	ssyncset.done $0x0  }
0x39: {  	[sflag:s31] =	ssyncadd.s32 $0xFFFFC000  }
0x3a: {  	[spmem:s2] =	stream.indirect.scatter.add.f32 [tilespmem:s29], [sflag:$0x3], $0x80, s0, s28, $0xb8;
	[tilespmem:$0x1C800] =	vst v63  }
0x3b: {  	_ =	swait.ge [sflag:s21], $0x4000  }
0x3c: {  	[sflag:s21] =	ssyncset.done $0x0  }
0x3d: {  	[sflag:s21] =	ssyncadd.s32 $0xFFFFC000  }
0x3e: {  	[tilespmem:s20], [sflag:$0x1] =	stream.indirect.gather [hbm4b:s1+s28], $0x80, s6, s28, $0xb8;
	[tilespmem:$0x1C800] =	vst v63  }
0x3f: {  	_ = 	snop  }
0x40: {  	[tilespmem:s29], [sflag:$0x2] =	stream.indirect.gather [hbm4b:s1+s28], $0x80, s7, s28, $0xb8;
	[tilespmem:$0x1C800] =	vst v63  }
0x41: {  	_ =	swait.ge [sflag:s30], $0x4000  }
0x42: {  	[sflag:s30] =	ssyncset.done $0x0  }
0x43: {  	[sflag:s30] =	ssyncadd.s32 $0xFFFFC000  }
0x44: {  	[spmem:s2] =	stream.indirect.scatter.add.f32 [tilespmem:s20], [sflag:$0x3], $0x80, s4, s28, $0xb8;
	[tilespmem:$0x1C800] =	vst v63  }
0x45: {  	_ =	swait.ge [sflag:s21], $0x4000  }
0x46: {  	[sflag:s21] =	ssyncset.done $0x0  }
0x47: {  	[sflag:s21] =	ssyncadd.s32 $0xFFFFC000  }
0x48: {  	_ =	swait.ge [sflag:s31], $0x4000  }
0x49: {  	[sflag:s31] =	ssyncset.done $0x0  }
0x4a: {  	[sflag:s31] =	ssyncadd.s32 $0xFFFFC000  }
0x4b: {  	[spmem:s2] =	stream.indirect.scatter.add.f32 [tilespmem:s29], [sflag:$0x3], $0x80, s8, s28, $0xb8;
	[tilespmem:$0x1C800] =	vst v63  }
0x4c: {  	_ =	swait.ge [sflag:s21], $0x4000  }
0x4d: {  	[sflag:s21] =	ssyncset.done $0x0  }
0x4e: {  	[sflag:s21] =	ssyncadd.s32 $0xFFFFC000  }
0x4f: {  	[tilespmem:s20], [sflag:$0x1] =	stream.indirect.gather [hbm4b:s1+s28], $0x80, s9, s28, $0xb8;
	[tilespmem:$0x1C800] =	vst v63  }
0x50: {  	_ = 	snop  }
0x51: {  	[tilespmem:s29], [sflag:$0x2] =	stream.indirect.gather [hbm4b:s1+s28], $0x80, s10, s28, $0xb8;
	[tilespmem:$0x1C800] =	vst v63  }
0x52: {  	_ =	swait.ge [sflag:s30], $0x4000  }
0x53: {  	[sflag:s30] =	ssyncset.done $0x0  }
0x54: {  	[sflag:s30] =	ssyncadd.s32 $0xFFFFC000  }
0x55: {  	[spmem:s2] =	stream.indirect.scatter.add.f32 [tilespmem:s20], [sflag:$0x3], $0x80, s11, s28, $0xb8;
	[tilespmem:$0x1C800] =	vst v63  }
0x56: {  	_ =	swait.ge [sflag:s21], $0x4000  }
0x57: {  	[sflag:s21] =	ssyncset.done $0x0  }
0x58: {  	[sflag:s21] =	ssyncadd.s32 $0xFFFFC000  }
0x59: {  	_ =	swait.ge [sflag:s31], $0x4000  }
0x5a: {  	[sflag:s31] =	ssyncset.done $0x0  }
0x5b: {  	[sflag:s31] =	ssyncadd.s32 $0xFFFFC000  }
0x5c: {  	[spmem:s2] =	stream.indirect.scatter.add.f32 [tilespmem:s29], [sflag:$0x3], $0x80, s12, s28, $0xb8;
	[tilespmem:$0x1C800] =	vst v63  }
0x5d: {  	_ =	swait.ge [sflag:s21], $0x4000  }
0x5e: {  	[sflag:s21] =	ssyncset.done $0x0  }
0x5f: {  	[sflag:s21] =	ssyncadd.s32 $0xFFFFC000  }
0x60: {  	[tilespmem:s20], [sflag:$0x1] =	stream.indirect.gather [hbm4b:s1+s28], $0x80, s13, s28, $0xb8;
	[tilespmem:$0x1C800] =	vst v63  }
0x61: {  	_ = 	snop  }
0x62: {  	[tilespmem:s29], [sflag:$0x2] =	stream.indirect.gather [hbm4b:s1+s28], $0x80, s14, s28, $0xb8;
	[tilespmem:$0x1C800] =	vst v63  }
0x63: {  	_ =	swait.ge [sflag:s30], $0x4000  }
0x64: {  	[sflag:s30] =	ssyncset.done $0x0  }
0x65: {  	[sflag:s30] =	ssyncadd.s32 $0xFFFFC000  }
0x66: {  	[spmem:s2] =	stream.indirect.scatter.add.f32 [tilespmem:s20], [sflag:$0x3], $0x80, s15, s28, $0xb8;
	[tilespmem:$0x1C800] =	vst v63  }
0x67: {  	_ =	swait.ge [sflag:s21], $0x4000  }
0x68: {  	[sflag:s21] =	ssyncset.done $0x0  }
0x69: {  	[sflag:s21] =	ssyncadd.s32 $0xFFFFC000  }
0x6a: {  	_ =	swait.ge [sflag:s31], $0x4000  }
0x6b: {  	[sflag:s31] =	ssyncset.done $0x0  }
0x6c: {  	[sflag:s31] =	ssyncadd.s32 $0xFFFFC000  }
0x6d: {  	[spmem:s2] =	stream.indirect.scatter.add.f32 [tilespmem:s29], [sflag:$0x3], $0x80, s16, s28, $0xb8;
	[tilespmem:$0x1C800] =	vst v63  }
0x6e: {  	_ =	swait.ge [sflag:s21], $0x4000  }
0x6f: {  	[sflag:s21] =	ssyncset.done $0x0  }
0x70: {  	[sflag:s21] =	ssyncadd.s32 $0xFFFFC000  }
.LBB2_8:
0x71: {  	s5 =	sshll.u32 s24, $0x6;
	[bflag:$0x0] =	sbarrier.arrive $0xFFFF  }
0x72: {  	s22 =	sshrl.u32 s25, $0x3;
	s5 =	sor.u32 $0x1C03, s5;
	s23 =	rddreg [dreg:$0x7]  }
0x73: {  	[hbm:s23], [sflag:s5] =	dma.local [spmem:s22], $0x800  }
0x74: {  	_ =	swait.ge [sflag:s21], $0x800  }
0x75: {  	[sflag:s21] =	ssyncset.done $0x0;
	s22 =	rddreg [dreg:$0xd]  }
0x76: {  	s23 =	rddreg [dreg:$0x11];
	[sflag:s21] =	ssyncadd.s32 $0xFFFFF800  }
0x77: {  	[hbm:s22], [sflag:s5] =	dma.local [spmem:s23], $0x800  }
0x78: {  	_ =	swait.ge [sflag:s21], $0x800  }
0x79: {  	[sflag:s21] =	ssyncset.done $0x0;
	s22 =	rddreg [dreg:$0xe]  }
0x7a: {  	s23 =	rddreg [dreg:$0x12];
	[sflag:s21] =	ssyncadd.s32 $0xFFFFF800  }
0x7b: {  	[hbm:s22], [sflag:s5] =	dma.local [spmem:s23], $0x800  }
0x7c: {  	_ =	swait.ge [sflag:s21], $0x800  }
0x7d: {  	[sflag:s21] =	ssyncset.done $0x0;
	s22 =	rddreg [dreg:$0xf]  }
0x7e: {  	s23 =	rddreg [dreg:$0x13];
	[sflag:s21] =	ssyncadd.s32 $0xFFFFF800  }
0x7f: {  	[hbm:s22], [sflag:s5] =	dma.local [spmem:s23], $0x800  }
0x80: {  	_ =	swait.ge [sflag:s21], $0x800  }
0x81: {  	[sflag:s21] =	ssyncset.done $0x0;
	s22 =	rddreg [dreg:$0x10]  }
0x82: {  	s23 =	rddreg [dreg:$0x14];
	[sflag:s21] =	ssyncadd.s32 $0xFFFFF800  }
0x83: {  	[hbm:s22], [sflag:s5] =	dma.local [spmem:s23], $0x800  }
0x84: {  	_ =	swait.ge [sflag:s21], $0x800  }
0x85: {  	s17 =	sadd.s32 $0x1, s17;
	s23 =	rddreg [dreg:$0x8]  }
0x86: {  	p1 =	sne.s32 s17, s23  }
.Ltmp1:
0x87: {  	_ = 	snop;
	(pc) =	sbr.rel @!p1 .LBB2_9-.Ltmp1, $3  }
0x88: {  	_ =	sdelay $0x1  }
0x89: {  	[sflag:s21] =	ssyncset.done $0x0  }
0x8a: {  	[sflag:s21] =	ssyncadd.s32 $0xFFFFF800  }
.LBB2_1:
0x8b: {  	s22 =	simm.s32 $0x0;
	s23 =	simm.s32 $0x200  }
.LBB2_2:
0x8c: {  	p1 =	sne.s32 s23, $0xFE00;
	[tilespmem:s22+$0x870] =	vst v0  }
0x8d: {  	[tilespmem:s22+$0x800] =	vst v0  }
0x8e: {  	[tilespmem:s22+$0x810] =	vst v0  }
.Ltmp2:
0x8f: {  	[tilespmem:s22+$0x820] =	vst v0;
	(pc) =	sbr.rel @p1 .LBB2_2-.Ltmp2, $4  }
0x90: {  	[tilespmem:s22+$0x830] =	vst v0  }
0x91: {  	[tilespmem:s22+$0x840] =	vst v0  }
0x92: {  	[tilespmem:s22+$0x850] =	vst v0  }
0x93: {  	[tilespmem:s22+$0x860] =	vst v0;
	s22 =	sshra.s32 s23, $0x2;
	s23 =	sadd.s32 $0x200, s23  }
0x94: {  	[tilespmem:s22+$0x870] =	vst v0  }
0x95: {  	[tilespmem:s22+$0x800] =	vst v0  }
0x96: {  	[tilespmem:s22+$0x810] =	vst v0  }
0x97: {  	[tilespmem:s22+$0x820] =	vst v0  }
0x98: {  	[tilespmem:s22+$0x830] =	vst v0  }
0x99: {  	[tilespmem:s22+$0x840] =	vst v0  }
0x9a: {  	[tilespmem:s22+$0x850] =	vst v0  }
0x9b: {  	[tilespmem:s22+$0x860] =	vst v0  }
0x9c: {  	[spmem:s25] =	stream.linear.scatter [tilespmem:s20], [sflag:$0x3], $0x4000, $0x38;
	[tilespmem:$0x1C800] =	vst v63  }
0x9d: {  	_ =	swait.ge [sflag:s21], $0x4000  }
0x9e: {  	[sflag:s21] =	ssyncset.done $0x0  }
0x9f: {  	s5 =	rddreg [dreg:$0x9];
	[sflag:s21] =	ssyncadd.s32 $0xFFFFC000  }
0xa0: {  	[spmem:s5] =	stream.linear.scatter [tilespmem:s20], [sflag:$0x3], $0x4000, $0x38;
	[tilespmem:$0x1C800] =	vst v63  }
0xa1: {  	_ =	swait.ge [sflag:s21], $0x4000  }
0xa2: {  	[sflag:s21] =	ssyncset.done $0x0  }
0xa3: {  	s23 =	rddreg [dreg:$0xa];
	[sflag:s21] =	ssyncadd.s32 $0xFFFFC000  }
0xa4: {  	[spmem:s23] =	stream.linear.scatter [tilespmem:s20], [sflag:$0x3], $0x4000, $0x38;
	[tilespmem:$0x1C800] =	vst v63  }
0xa5: {  	_ =	swait.ge [sflag:s21], $0x4000  }
0xa6: {  	[sflag:s21] =	ssyncset.done $0x0  }
0xa7: {  	s22 =	rddreg [dreg:$0xb];
	[sflag:s21] =	ssyncadd.s32 $0xFFFFC000  }
0xa8: {  	[spmem:s22] =	stream.linear.scatter [tilespmem:s20], [sflag:$0x3], $0x4000, $0x38;
	[tilespmem:$0x1C800] =	vst v63  }
0xa9: {  	_ =	swait.ge [sflag:s21], $0x4000  }
0xaa: {  	[sflag:s21] =	ssyncset.done $0x0  }
0xab: {  	s23 =	rddreg [dreg:$0xc];
	[sflag:s21] =	ssyncadd.s32 $0xFFFFC000  }
0xac: {  	[spmem:s23] =	stream.linear.scatter [tilespmem:s20], [sflag:$0x3], $0x4000, $0x38;
	[tilespmem:$0x1C800] =	vst v63  }
.Ltmp3:
0xad: {  	_ =	swait.ge [sflag:s21], $0x4000;
	(pc) =	sbr.rel @p0 .LBB2_7-.Ltmp3, $3  }
0xae: {  	[sflag:s21] =	ssyncset.done $0x0  }
0xaf: {  	[sflag:s21] =	ssyncadd.s32 $0xFFFFC000  }
0xb0: {  	[bflag:$0x0] =	sbarrier.arrive $0xFFFF;
	_ =	sdelay $0x1  }
0xb1: {  	s22 =	sadd.s32 $0x0, s19  }
0xb2: {  	[tilespmem:s3], [sflag:$0x3] =	stream.linear.gather [hbm4b:s22+s3], $0x400, $0x38;
	[tilespmem:$0x1C800] =	vst v63  }
0xb3: {  	_ =	swait.ge [sflag:s21], $0x400  }
0xb4: {  	[sflag:s21] =	ssyncset.done $0x0  }
0xb5: {  	s25 =	sadd.s32 $0x0, s18;
	[sflag:s21] =	ssyncadd.s32 $0xFFFFFC00  }
0xb6: {  	[tilespmem:s26], [sflag:$0x3] =	stream.linear.gather [hbm4b:s25+s3], $0x400, $0x38;
	[tilespmem:$0x1C800] =	vst v63  }
0xb7: {  	_ =	swait.ge [sflag:s21], $0x400  }
0xb8: {  	[sflag:s21] =	ssyncset.done $0x0  }
0xb9: {  	[sflag:s21] =	ssyncadd.s32 $0xFFFFFC00  }
0xba: {  	[tilespmem:s20], [sflag:$0x1] =	stream.indirect.gather [hbm4b:s1+s28], $0x80, s3, s28, $0xb8;
	[tilespmem:$0x1C800] =	vst v63  }
0xbb: {  	_ = 	snop  }
0xbc: {  	[tilespmem:s29], [sflag:$0x2] =	stream.indirect.gather [hbm4b:s1+s28], $0x80, s28, s28, $0xb8;
	[tilespmem:$0x1C800] =	vst v63  }
0xbd: {  	_ =	swait.ge [sflag:s30], $0x4000  }
0xbe: {  	[sflag:s30] =	ssyncset.done $0x0  }
0xbf: {  	[sflag:s30] =	ssyncadd.s32 $0xFFFFC000  }
0xc0: {  	[spmem:s2] =	stream.indirect.scatter.add.f32 [tilespmem:s20], [sflag:$0x3], $0x80, s26, s28, $0xb8;
	[tilespmem:$0x1C800] =	vst v63  }
0xc1: {  	_ =	swait.ge [sflag:s21], $0x4000  }
0xc2: {  	[sflag:s21] =	ssyncset.done $0x0  }
0xc3: {  	[sflag:s21] =	ssyncadd.s32 $0xFFFFC000  }
0xc4: {  	_ =	swait.ge [sflag:s31], $0x4000  }
0xc5: {  	[sflag:s31] =	ssyncset.done $0x0  }
0xc6: {  	[sflag:s31] =	ssyncadd.s32 $0xFFFFC000  }
0xc7: {  	[spmem:s2] =	stream.indirect.scatter.add.f32 [tilespmem:s29], [sflag:$0x3], $0x80, s0, s28, $0xb8;
	[tilespmem:$0x1C800] =	vst v63  }
0xc8: {  	_ =	swait.ge [sflag:s21], $0x4000  }
0xc9: {  	[sflag:s21] =	ssyncset.done $0x0  }
0xca: {  	[sflag:s21] =	ssyncadd.s32 $0xFFFFC000  }
0xcb: {  	[tilespmem:s20], [sflag:$0x1] =	stream.indirect.gather [hbm4b:s1+s28], $0x80, s6, s28, $0xb8;
	[tilespmem:$0x1C800] =	vst v63  }
0xcc: {  	_ = 	snop  }
0xcd: {  	[tilespmem:s29], [sflag:$0x2] =	stream.indirect.gather [hbm4b:s1+s28], $0x80, s7, s28, $0xb8;
	[tilespmem:$0x1C800] =	vst v63  }
0xce: {  	_ =	swait.ge [sflag:s30], $0x4000  }
0xcf: {  	[sflag:s30] =	ssyncset.done $0x0  }
0xd0: {  	[sflag:s30] =	ssyncadd.s32 $0xFFFFC000  }
0xd1: {  	[spmem:s2] =	stream.indirect.scatter.add.f32 [tilespmem:s20], [sflag:$0x3], $0x80, s4, s28, $0xb8;
	[tilespmem:$0x1C800] =	vst v63  }
0xd2: {  	_ =	swait.ge [sflag:s21], $0x4000  }
0xd3: {  	[sflag:s21] =	ssyncset.done $0x0  }
0xd4: {  	[sflag:s21] =	ssyncadd.s32 $0xFFFFC000  }
0xd5: {  	_ =	swait.ge [sflag:s31], $0x4000  }
0xd6: {  	[sflag:s31] =	ssyncset.done $0x0  }
0xd7: {  	[sflag:s31] =	ssyncadd.s32 $0xFFFFC000  }
0xd8: {  	[spmem:s2] =	stream.indirect.scatter.add.f32 [tilespmem:s29], [sflag:$0x3], $0x80, s8, s28, $0xb8;
	[tilespmem:$0x1C800] =	vst v63  }
0xd9: {  	_ =	swait.ge [sflag:s21], $0x4000  }
0xda: {  	[sflag:s21] =	ssyncset.done $0x0  }
0xdb: {  	[sflag:s21] =	ssyncadd.s32 $0xFFFFC000  }
0xdc: {  	[tilespmem:s20], [sflag:$0x1] =	stream.indirect.gather [hbm4b:s1+s28], $0x80, s9, s28, $0xb8;
	[tilespmem:$0x1C800] =	vst v63  }
0xdd: {  	_ = 	snop  }
0xde: {  	[tilespmem:s29], [sflag:$0x2] =	stream.indirect.gather [hbm4b:s1+s28], $0x80, s10, s28, $0xb8;
	[tilespmem:$0x1C800] =	vst v63  }
0xdf: {  	_ =	swait.ge [sflag:s30], $0x4000  }
0xe0: {  	[sflag:s30] =	ssyncset.done $0x0  }
0xe1: {  	[sflag:s30] =	ssyncadd.s32 $0xFFFFC000  }
0xe2: {  	[spmem:s2] =	stream.indirect.scatter.add.f32 [tilespmem:s20], [sflag:$0x3], $0x80, s11, s28, $0xb8;
	[tilespmem:$0x1C800] =	vst v63  }
0xe3: {  	_ =	swait.ge [sflag:s21], $0x4000  }
0xe4: {  	[sflag:s21] =	ssyncset.done $0x0  }
0xe5: {  	[sflag:s21] =	ssyncadd.s32 $0xFFFFC000  }
0xe6: {  	_ =	swait.ge [sflag:s31], $0x4000  }
0xe7: {  	[sflag:s31] =	ssyncset.done $0x0  }
0xe8: {  	[sflag:s31] =	ssyncadd.s32 $0xFFFFC000  }
0xe9: {  	[spmem:s2] =	stream.indirect.scatter.add.f32 [tilespmem:s29], [sflag:$0x3], $0x80, s12, s28, $0xb8;
	[tilespmem:$0x1C800] =	vst v63  }
0xea: {  	_ =	swait.ge [sflag:s21], $0x4000  }
0xeb: {  	[sflag:s21] =	ssyncset.done $0x0  }
0xec: {  	[sflag:s21] =	ssyncadd.s32 $0xFFFFC000  }
0xed: {  	[tilespmem:s20], [sflag:$0x1] =	stream.indirect.gather [hbm4b:s1+s28], $0x80, s13, s28, $0xb8;
	[tilespmem:$0x1C800] =	vst v63  }
0xee: {  	_ = 	snop  }
0xef: {  	[tilespmem:s29], [sflag:$0x2] =	stream.indirect.gather [hbm4b:s1+s28], $0x80, s14, s28, $0xb8;
	[tilespmem:$0x1C800] =	vst v63  }
0xf0: {  	_ =	swait.ge [sflag:s30], $0x4000  }
0xf1: {  	[sflag:s30] =	ssyncset.done $0x0  }
0xf2: {  	[sflag:s30] =	ssyncadd.s32 $0xFFFFC000  }
0xf3: {  	[spmem:s2] =	stream.indirect.scatter.add.f32 [tilespmem:s20], [sflag:$0x3], $0x80, s15, s28, $0xb8;
	[tilespmem:$0x1C800] =	vst v63  }
0xf4: {  	_ =	swait.ge [sflag:s21], $0x4000  }
0xf5: {  	[sflag:s21] =	ssyncset.done $0x0  }
0xf6: {  	[sflag:s21] =	ssyncadd.s32 $0xFFFFC000  }
0xf7: {  	_ =	swait.ge [sflag:s31], $0x4000  }
0xf8: {  	[sflag:s31] =	ssyncset.done $0x0  }
0xf9: {  	[sflag:s31] =	ssyncadd.s32 $0xFFFFC000  }
0xfa: {  	[spmem:s2] =	stream.indirect.scatter.add.f32 [tilespmem:s29], [sflag:$0x3], $0x80, s16, s28, $0xb8;
	[tilespmem:$0x1C800] =	vst v63  }
0xfb: {  	_ =	swait.ge [sflag:s21], $0x4000  }
0xfc: {  	s23 =	simm.s32 $0x100;
	s22 =	simm.s32 $0x80;
	[sflag:s21] =	ssyncset.done $0x0  }
.LBB2_5:
0xfd: {  	s25 =	sadd.s32 s22, s19  }
0xfe: {  	[sflag:s21] =	ssyncadd.s32 $0xFFFFC000;
	s5 =	smov.u32 s23;
	s24 =	sadd.s32 $0x80, s23  }
0xff: {  	[tilespmem:s3], [sflag:$0x3] =	stream.linear.gather [hbm4b:s25+s3], $0x400, $0x38;
	[tilespmem:$0x1C800] =	vst v63  }
0x100: {  	p1 =	seq.s32 s23, $0x900;
	_ =	swait.ge [sflag:s21], $0x400  }
0x101: {  	[sflag:s21] =	ssyncset.done $0x0  }
0x102: {  	s23 =	sadd.s32 s22, s18;
	s22 =	smov.u32 s5;
	[sflag:s21] =	ssyncadd.s32 $0xFFFFFC00  }
0x103: {  	[tilespmem:s26], [sflag:$0x3] =	stream.linear.gather [hbm4b:s23+s3], $0x400, $0x38;
	[tilespmem:$0x1C800] =	vst v63  }
0x104: {  	_ =	swait.ge [sflag:s21], $0x400  }
0x105: {  	[sflag:s21] =	ssyncset.done $0x0  }
0x106: {  	[sflag:s21] =	ssyncadd.s32 $0xFFFFFC00  }
0x107: {  	[tilespmem:s20], [sflag:$0x1] =	stream.indirect.gather [hbm4b:s1+s28], $0x80, s3, s28, $0xb8;
	[tilespmem:$0x1C800] =	vst v63  }
0x108: {  	_ = 	snop  }
0x109: {  	[tilespmem:s29], [sflag:$0x2] =	stream.indirect.gather [hbm4b:s1+s28], $0x80, s28, s28, $0xb8;
	[tilespmem:$0x1C800] =	vst v63  }
0x10a: {  	_ =	swait.ge [sflag:s30], $0x4000  }
0x10b: {  	[sflag:s30] =	ssyncset.done $0x0  }
0x10c: {  	[sflag:s30] =	ssyncadd.s32 $0xFFFFC000  }
0x10d: {  	[spmem:s2] =	stream.indirect.scatter.add.f32 [tilespmem:s20], [sflag:$0x3], $0x80, s26, s28, $0xb8;
	[tilespmem:$0x1C800] =	vst v63  }
0x10e: {  	_ =	swait.ge [sflag:s21], $0x4000  }
0x10f: {  	[sflag:s21] =	ssyncset.done $0x0  }
0x110: {  	[sflag:s21] =	ssyncadd.s32 $0xFFFFC000  }
0x111: {  	_ =	swait.ge [sflag:s31], $0x4000  }
0x112: {  	[sflag:s31] =	ssyncset.done $0x0  }
0x113: {  	[sflag:s31] =	ssyncadd.s32 $0xFFFFC000  }
0x114: {  	[spmem:s2] =	stream.indirect.scatter.add.f32 [tilespmem:s29], [sflag:$0x3], $0x80, s0, s28, $0xb8;
	[tilespmem:$0x1C800] =	vst v63  }
0x115: {  	_ =	swait.ge [sflag:s21], $0x4000  }
0x116: {  	[sflag:s21] =	ssyncset.done $0x0  }
0x117: {  	[sflag:s21] =	ssyncadd.s32 $0xFFFFC000  }
0x118: {  	[tilespmem:s20], [sflag:$0x1] =	stream.indirect.gather [hbm4b:s1+s28], $0x80, s6, s28, $0xb8;
	[tilespmem:$0x1C800] =	vst v63  }
0x119: {  	_ = 	snop  }
0x11a: {  	[tilespmem:s29], [sflag:$0x2] =	stream.indirect.gather [hbm4b:s1+s28], $0x80, s7, s28, $0xb8;
	[tilespmem:$0x1C800] =	vst v63  }
0x11b: {  	_ =	swait.ge [sflag:s30], $0x4000  }
0x11c: {  	[sflag:s30] =	ssyncset.done $0x0  }
0x11d: {  	[sflag:s30] =	ssyncadd.s32 $0xFFFFC000  }
0x11e: {  	[spmem:s2] =	stream.indirect.scatter.add.f32 [tilespmem:s20], [sflag:$0x3], $0x80, s4, s28, $0xb8;
	[tilespmem:$0x1C800] =	vst v63  }
0x11f: {  	_ =	swait.ge [sflag:s21], $0x4000  }
0x120: {  	[sflag:s21] =	ssyncset.done $0x0  }
0x121: {  	[sflag:s21] =	ssyncadd.s32 $0xFFFFC000  }
0x122: {  	_ =	swait.ge [sflag:s31], $0x4000  }
0x123: {  	[sflag:s31] =	ssyncset.done $0x0  }
0x124: {  	[sflag:s31] =	ssyncadd.s32 $0xFFFFC000  }
0x125: {  	[spmem:s2] =	stream.indirect.scatter.add.f32 [tilespmem:s29], [sflag:$0x3], $0x80, s8, s28, $0xb8;
	[tilespmem:$0x1C800] =	vst v63  }
0x126: {  	_ =	swait.ge [sflag:s21], $0x4000  }
0x127: {  	[sflag:s21] =	ssyncset.done $0x0  }
0x128: {  	[sflag:s21] =	ssyncadd.s32 $0xFFFFC000  }
0x129: {  	[tilespmem:s20], [sflag:$0x1] =	stream.indirect.gather [hbm4b:s1+s28], $0x80, s9, s28, $0xb8;
	[tilespmem:$0x1C800] =	vst v63  }
0x12a: {  	_ = 	snop  }
0x12b: {  	[tilespmem:s29], [sflag:$0x2] =	stream.indirect.gather [hbm4b:s1+s28], $0x80, s10, s28, $0xb8;
	[tilespmem:$0x1C800] =	vst v63  }
0x12c: {  	_ =	swait.ge [sflag:s30], $0x4000  }
0x12d: {  	[sflag:s30] =	ssyncset.done $0x0  }
0x12e: {  	[sflag:s30] =	ssyncadd.s32 $0xFFFFC000  }
0x12f: {  	[spmem:s2] =	stream.indirect.scatter.add.f32 [tilespmem:s20], [sflag:$0x3], $0x80, s11, s28, $0xb8;
	[tilespmem:$0x1C800] =	vst v63  }
0x130: {  	_ =	swait.ge [sflag:s21], $0x4000  }
0x131: {  	[sflag:s21] =	ssyncset.done $0x0  }
0x132: {  	[sflag:s21] =	ssyncadd.s32 $0xFFFFC000  }
0x133: {  	_ =	swait.ge [sflag:s31], $0x4000  }
0x134: {  	[sflag:s31] =	ssyncset.done $0x0  }
0x135: {  	[sflag:s31] =	ssyncadd.s32 $0xFFFFC000  }
0x136: {  	[spmem:s2] =	stream.indirect.scatter.add.f32 [tilespmem:s29], [sflag:$0x3], $0x80, s12, s28, $0xb8;
	[tilespmem:$0x1C800] =	vst v63  }
0x137: {  	_ =	swait.ge [sflag:s21], $0x4000  }
0x138: {  	[sflag:s21] =	ssyncset.done $0x0  }
0x139: {  	[sflag:s21] =	ssyncadd.s32 $0xFFFFC000  }
0x13a: {  	[tilespmem:s20], [sflag:$0x1] =	stream.indirect.gather [hbm4b:s1+s28], $0x80, s13, s28, $0xb8;
	[tilespmem:$0x1C800] =	vst v63  }
0x13b: {  	_ = 	snop  }
0x13c: {  	[tilespmem:s29], [sflag:$0x2] =	stream.indirect.gather [hbm4b:s1+s28], $0x80, s14, s28, $0xb8;
	[tilespmem:$0x1C800] =	vst v63  }
0x13d: {  	_ =	swait.ge [sflag:s30], $0x4000  }
0x13e: {  	[sflag:s30] =	ssyncset.done $0x0  }
0x13f: {  	[sflag:s30] =	ssyncadd.s32 $0xFFFFC000  }
0x140: {  	[spmem:s2] =	stream.indirect.scatter.add.f32 [tilespmem:s20], [sflag:$0x3], $0x80, s15, s28, $0xb8;
	[tilespmem:$0x1C800] =	vst v63  }
0x141: {  	_ =	swait.ge [sflag:s21], $0x4000  }
0x142: {  	[sflag:s21] =	ssyncset.done $0x0  }
0x143: {  	[sflag:s21] =	ssyncadd.s32 $0xFFFFC000  }
0x144: {  	_ =	swait.ge [sflag:s31], $0x4000  }
.Ltmp4:
0x145: {  	[sflag:s31] =	ssyncset.done $0x0;
	(pc) =	sbr.rel @!p1 .LBB2_5-.Ltmp4, $4  }
0x146: {  	[sflag:s31] =	ssyncadd.s32 $0xFFFFC000  }
0x147: {  	[spmem:s2] =	stream.indirect.scatter.add.f32 [tilespmem:s29], [sflag:$0x3], $0x80, s16, s28, $0xb8;
	[tilespmem:$0x1C800] =	vst v63  }
0x148: {  	_ =	swait.ge [sflag:s21], $0x4000  }
0x149: {  	s23 =	smov.u32 s24;
	[sflag:s21] =	ssyncset.done $0x0  }
0x14a: {  	s5 =	sadd.s32 s22, s19;
	[sflag:s21] =	ssyncadd.s32 $0xFFFFC000  }
0x14b: {  	[tilespmem:s3], [sflag:$0x3] =	stream.linear.gather [hbm4b:s5+s3], $0x400, $0x38;
	[tilespmem:$0x1C800] =	vst v63  }
0x14c: {  	_ =	swait.ge [sflag:s21], $0x400  }
0x14d: {  	[sflag:s21] =	ssyncset.done $0x0  }
0x14e: {  	s25 =	sadd.s32 s22, s18;
	[sflag:s21] =	ssyncadd.s32 $0xFFFFFC00  }
0x14f: {  	[tilespmem:s26], [sflag:$0x3] =	stream.linear.gather [hbm4b:s25+s3], $0x400, $0x38;
	[tilespmem:$0x1C800] =	vst v63  }
0x150: {  	_ =	swait.ge [sflag:s21], $0x400  }
0x151: {  	[sflag:s21] =	ssyncset.done $0x0  }
0x152: {  	[sflag:s21] =	ssyncadd.s32 $0xFFFFFC00  }
0x153: {  	[tilespmem:s20], [sflag:$0x1] =	stream.indirect.gather [hbm4b:s1+s28], $0x80, s3, s28, $0xb8;
	[tilespmem:$0x1C800] =	vst v63  }
0x154: {  	_ = 	snop  }
0x155: {  	[tilespmem:s29], [sflag:$0x2] =	stream.indirect.gather [hbm4b:s1+s28], $0x80, s28, s28, $0xb8;
	[tilespmem:$0x1C800] =	vst v63  }
0x156: {  	_ =	swait.ge [sflag:s30], $0x4000  }
0x157: {  	[sflag:s30] =	ssyncset.done $0x0  }
0x158: {  	[sflag:s30] =	ssyncadd.s32 $0xFFFFC000  }
0x159: {  	[spmem:s2] =	stream.indirect.scatter.add.f32 [tilespmem:s20], [sflag:$0x3], $0x80, s26, s28, $0xb8;
	[tilespmem:$0x1C800] =	vst v63  }
0x15a: {  	_ =	swait.ge [sflag:s21], $0x4000  }
0x15b: {  	[sflag:s21] =	ssyncset.done $0x0  }
0x15c: {  	[sflag:s21] =	ssyncadd.s32 $0xFFFFC000  }
0x15d: {  	_ =	swait.ge [sflag:s31], $0x4000  }
0x15e: {  	[sflag:s31] =	ssyncset.done $0x0  }
0x15f: {  	[sflag:s31] =	ssyncadd.s32 $0xFFFFC000  }
0x160: {  	[spmem:s2] =	stream.indirect.scatter.add.f32 [tilespmem:s29], [sflag:$0x3], $0x80, s0, s28, $0xb8;
	[tilespmem:$0x1C800] =	vst v63  }
0x161: {  	_ =	swait.ge [sflag:s21], $0x4000  }
0x162: {  	[sflag:s21] =	ssyncset.done $0x0  }
0x163: {  	[sflag:s21] =	ssyncadd.s32 $0xFFFFC000  }
0x164: {  	[tilespmem:s20], [sflag:$0x1] =	stream.indirect.gather [hbm4b:s1+s28], $0x80, s6, s28, $0xb8;
	[tilespmem:$0x1C800] =	vst v63  }
0x165: {  	_ = 	snop  }
0x166: {  	[tilespmem:s29], [sflag:$0x2] =	stream.indirect.gather [hbm4b:s1+s28], $0x80, s7, s28, $0xb8;
	[tilespmem:$0x1C800] =	vst v63  }
0x167: {  	_ =	swait.ge [sflag:s30], $0x4000  }
0x168: {  	[sflag:s30] =	ssyncset.done $0x0  }
0x169: {  	[sflag:s30] =	ssyncadd.s32 $0xFFFFC000  }
0x16a: {  	[spmem:s2] =	stream.indirect.scatter.add.f32 [tilespmem:s20], [sflag:$0x3], $0x80, s4, s28, $0xb8;
	[tilespmem:$0x1C800] =	vst v63  }
0x16b: {  	_ =	swait.ge [sflag:s21], $0x4000  }
0x16c: {  	[sflag:s21] =	ssyncset.done $0x0  }
0x16d: {  	[sflag:s21] =	ssyncadd.s32 $0xFFFFC000  }
0x16e: {  	_ =	swait.ge [sflag:s31], $0x4000  }
0x16f: {  	[sflag:s31] =	ssyncset.done $0x0  }
0x170: {  	[sflag:s31] =	ssyncadd.s32 $0xFFFFC000  }
0x171: {  	[spmem:s2] =	stream.indirect.scatter.add.f32 [tilespmem:s29], [sflag:$0x3], $0x80, s8, s28, $0xb8;
	[tilespmem:$0x1C800] =	vst v63  }
0x172: {  	_ =	swait.ge [sflag:s21], $0x4000  }
0x173: {  	[sflag:s21] =	ssyncset.done $0x0  }
0x174: {  	[sflag:s21] =	ssyncadd.s32 $0xFFFFC000  }
0x175: {  	[tilespmem:s20], [sflag:$0x1] =	stream.indirect.gather [hbm4b:s1+s28], $0x80, s9, s28, $0xb8;
	[tilespmem:$0x1C800] =	vst v63  }
0x176: {  	_ = 	snop  }
0x177: {  	[tilespmem:s29], [sflag:$0x2] =	stream.indirect.gather [hbm4b:s1+s28], $0x80, s10, s28, $0xb8;
	[tilespmem:$0x1C800] =	vst v63  }
0x178: {  	_ =	swait.ge [sflag:s30], $0x4000  }
0x179: {  	[sflag:s30] =	ssyncset.done $0x0  }
0x17a: {  	[sflag:s30] =	ssyncadd.s32 $0xFFFFC000  }
0x17b: {  	[spmem:s2] =	stream.indirect.scatter.add.f32 [tilespmem:s20], [sflag:$0x3], $0x80, s11, s28, $0xb8;
	[tilespmem:$0x1C800] =	vst v63  }
0x17c: {  	_ =	swait.ge [sflag:s21], $0x4000  }
0x17d: {  	[sflag:s21] =	ssyncset.done $0x0  }
0x17e: {  	[sflag:s21] =	ssyncadd.s32 $0xFFFFC000  }
0x17f: {  	_ =	swait.ge [sflag:s31], $0x4000  }
0x180: {  	[sflag:s31] =	ssyncset.done $0x0  }
0x181: {  	[sflag:s31] =	ssyncadd.s32 $0xFFFFC000  }
0x182: {  	[spmem:s2] =	stream.indirect.scatter.add.f32 [tilespmem:s29], [sflag:$0x3], $0x80, s12, s28, $0xb8;
	[tilespmem:$0x1C800] =	vst v63  }
0x183: {  	_ =	swait.ge [sflag:s21], $0x4000  }
0x184: {  	[sflag:s21] =	ssyncset.done $0x0  }
0x185: {  	[sflag:s21] =	ssyncadd.s32 $0xFFFFC000  }
0x186: {  	[tilespmem:s20], [sflag:$0x1] =	stream.indirect.gather [hbm4b:s1+s28], $0x80, s13, s28, $0xb8;
	[tilespmem:$0x1C800] =	vst v63  }
0x187: {  	_ = 	snop  }
0x188: {  	[tilespmem:s29], [sflag:$0x2] =	stream.indirect.gather [hbm4b:s1+s28], $0x80, s14, s28, $0xb8;
	[tilespmem:$0x1C800] =	vst v63  }
0x189: {  	_ =	swait.ge [sflag:s30], $0x4000  }
0x18a: {  	[sflag:s30] =	ssyncset.done $0x0  }
0x18b: {  	[sflag:s30] =	ssyncadd.s32 $0xFFFFC000  }
0x18c: {  	[spmem:s2] =	stream.indirect.scatter.add.f32 [tilespmem:s20], [sflag:$0x3], $0x80, s15, s28, $0xb8;
	[tilespmem:$0x1C800] =	vst v63  }
0x18d: {  	_ =	swait.ge [sflag:s21], $0x4000  }
0x18e: {  	[sflag:s21] =	ssyncset.done $0x0  }
0x18f: {  	[sflag:s21] =	ssyncadd.s32 $0xFFFFC000  }
0x190: {  	_ =	swait.ge [sflag:s31], $0x4000  }
0x191: {  	[sflag:s31] =	ssyncset.done $0x0  }
.Ltmp5:
0x192: {  	[sflag:s31] =	ssyncadd.s32 $0xFFFFC000;
	(pc) =	sbr.rel .LBB2_8-.Ltmp5, $4  }
0x193: {  	[spmem:s2] =	stream.indirect.scatter.add.f32 [tilespmem:s29], [sflag:$0x3], $0x80, s16, s28, $0xb8;
	[tilespmem:$0x1C800] =	vst v63  }
0x194: {  	_ =	swait.ge [sflag:s21], $0x4000  }
0x195: {  	[sflag:s21] =	ssyncset.done $0x0  }
0x196: {  	s24 =	stileid.u32;
	s25 =	rddreg [dreg:$0x4];
	[sflag:s21] =	ssyncadd.s32 $0xFFFFC000  }
.LBB2_9:
0x197: {  	_ =	sfence.sel $0x180000  }
0x198: {  	[bflag:$0x0] =	sbarrier.arrive $0xFFFF  }
0x199: {  	_ =	strace $0x90000050  }
0x19a: {  	[bflag:$0x2] =	sbarrier.arrive $0xFFFF  }
0x19b: {  	p0 =	sne.s32 s24, $0x0;
	s0 =	rddreg [dreg:$0x3]  }
0x19c: {  	s0 =	sadd.s32 @!p0 $0x100000, s0  }
0x19d: {  	[sflag:s0] =	ssyncadd.tile.s32 @!p0 $0x1;
	_ =	shalt  }
.Lfunc_end2:
_tile_overlayer_lowered:
.L_overlay_start_2:
0x19e: {  	(tag) =	ssettag $0x2  }
0x19f: {  	s0 =	rddreg [dreg:$0x0];
	s2 =	stileid.u32  }
0x1a0: {  	s1 =	rddreg [dreg:$0x1];
	p0 =	sne.s32 s2, $0x0  }
0x1a1: {  	s3 =	rddreg [dreg:$0x2];
	[bflag:$0x3] =	sbarrier.arrive $0xFFFF;
	s2 =	simm.s32 @!p0 $0x1C03  }
0x1a2: {  	[timem:s3], [sflag:s2] =	dma.local @!p0 [hbm:s0], s1  }
0x1a3: {  	s0 =	simm.s32 @!p0 $0x3  }
0x1a4: {  	_ =	swait.ge @!p0 [sflag:s0], s1  }
0x1a5: {  	s1 =	ssub.s32 @!p0 $0x0, s1;
	[sflag:s0] =	ssyncset.done @!p0 $0x0  }
0x1a6: {  	[sflag:s0] =	ssyncadd.s32 @!p0 s1  }
0x1a7: {  	[bflag:$0x3] =	sbarrier.arrive $0xFFFF  }
0x1a8: {  	_ =	shalt  }

</sc_bundles>
